<compile_context>
chip_gen: v7x
topology: tpu7x:2x2x1
jax: 0.10.2.dev20260603
libtpu: 0.0.44.dev20260713+nightly
codegen_flags: <defaults>
</compile_context>

<pallas_src>
import functools

import jax
import jax.numpy as jnp
from jax import lax
from jax.experimental import pallas as pl
from jax.experimental.pallas import tpu as pltpu
from jax.experimental.pallas import tpu_sc as plsc

DIM = 64
BATCH = 16384
NC = 2
NS = 16
NW = NC * NS
CHUNK = BATCH // NW
S = 16
NSUB = CHUNK // S


def _sqrt16(v):
    x = jnp.maximum(v, jnp.float32(1e-30))
    i = plsc.bitcast(x, jnp.int32)
    y = plsc.bitcast(jnp.int32(0x5F3759DF) - (i >> 1), jnp.float32)
    for _ in range(3):
        y = y * (jnp.float32(1.5) - jnp.float32(0.5) * x * y * y)
    return x * y


def _make_kernel():
    mesh = plsc.VectorSubcoreMesh(core_axis_name="c", subcore_axis_name="s")
    fvmem = lambda shape: pltpu.VMEM(shape, jnp.float32)
    ivmem = lambda shape: pltpu.VMEM(shape, jnp.int32)

    scratch = (
        [ivmem((CHUNK,)) for _ in range(4)]
        + [fvmem((8 * S, DIM)) for _ in range(4)]
        + [fvmem((S, 2 * DIM)) for _ in range(4)]
        + [fvmem((CHUNK,))]
        + [pltpu.SemaphoreType.DMA, pltpu.SemaphoreType.DMA]
    )

    @functools.partial(
        pl.kernel,
        out_type=jax.ShapeDtypeStruct((BATCH,), jnp.float32),
        mesh=mesh,
        scratch_types=scratch,
        compiler_params=pltpu.CompilerParams(
            needs_layout_passes=False, use_tc_tiling_on_sc=True),
    )
    def trans_h(h_hbm, r_hbm, t_hbm, ent_hbm, rel_hbm, nrm_hbm, out_hbm,
                ihx, itx, irx, jrx,
                hb0, tb0, hb1, tb1, rb0, nb0, rb1, nb1,
                score_all, sem0, sem1):
        wid = lax.axis_index("s") * NC + lax.axis_index("c")
        base = wid * CHUNK

        slabs = ((hb0, tb0), (hb1, tb1))
        rel_rows = ((rb0, nb0), (rb1, nb1))
        sems = (sem0, sem1)

        pltpu.sync_copy(h_hbm.at[pl.ds(base, CHUNK)], ihx)
        pltpu.sync_copy(t_hbm.at[pl.ds(base, CHUNK)], itx)
        pltpu.sync_copy(r_hbm.at[pl.ds(base, CHUNK)], irx)

        def halve(g, _):
            sl = pl.ds(g * 16, 16)
            jrx[sl] = irx[sl] >> 1
            return 0

        lax.fori_loop(0, CHUNK // 16, halve, 0)

        def fire(setid, sub):
            hb, tb = slabs[setid]
            rb, nb = rel_rows[setid]
            sem = sems[setid]
            sl = pl.ds(sub * S, 16)
            vh = (ihx[sl] >> 3) * 8
            vt = (itx[sl] >> 3) * 8
            for k in range(16):
                eh = pl.multiple_of(vh[k], 8)
                et = pl.multiple_of(vt[k], 8)
                pltpu.async_copy(ent_hbm.at[pl.ds(eh, 8)],
                                 hb.at[pl.ds(k * 8, 8)], sem)
                pltpu.async_copy(ent_hbm.at[pl.ds(et, 8)],
                                 tb.at[pl.ds(k * 8, 8)], sem)
            jr_ref = jrx.at[pl.ds(sub * S, S)]
            pltpu.async_copy(rel_hbm.at[jr_ref], rb, sem)
            pltpu.async_copy(nrm_hbm.at[jr_ref], nb, sem)

        def wait_all(setid):
            hb, tb = slabs[setid]
            rb, nb = rel_rows[setid]
            sem = sems[setid]
            pltpu.make_async_copy(ent_hbm.at[pl.ds(0, 8 * S)], hb, sem).wait()
            pltpu.make_async_copy(ent_hbm.at[pl.ds(0, 8 * S)], tb, sem).wait()
            pltpu.make_async_copy(rel_hbm.at[pl.ds(0, S)], rb, sem).wait()
            pltpu.make_async_copy(nrm_hbm.at[pl.ds(0, S)], nb, sem).wait()

        def compute(setid, sub):
            hb, tb = slabs[setid]
            rb, nb = rel_rows[setid]
            sl = pl.ds(sub * S, 16)

            rix8 = lax.iota(jnp.int32, 16) * 8
            rix = lax.iota(jnp.int32, 16)
            rowh = rix8 + (ihx[sl] & 7)
            rowt = rix8 + (itx[sl] & 7)
            orr = (irx[sl] & 1) * DIM
            zero = jnp.zeros((16,), jnp.float32)

            def dim_body(d, acc):
                ww, wn, rn, nn = acc
                col = jnp.zeros((16,), jnp.int32) + d
                hv = plsc.load_gather(hb, [rowh, col])
                tv = plsc.load_gather(tb, [rowt, col])
                rv = plsc.load_gather(rb, [rix, orr + d])
                nv = plsc.load_gather(nb, [rix, orr + d])
                w = hv - tv + rv
                return (ww + w * w, wn + w * nv, rn + rv * nv,
                        nn + nv * nv)

            ww, wn, rn, nn = lax.fori_loop(
                0, DIM, dim_body, (zero, zero, zero, zero), unroll=8)
            c = (wn - rn) / jnp.maximum(nn, jnp.float32(1e-24))
            s2 = jnp.maximum(ww - 2.0 * c * wn + c * c * nn,
                             jnp.float32(0.0))
            score_all[sl] = _sqrt16(s2)

        fire(0, 0)

        def body(p, _):
            sub0 = 2 * p
            sub1 = 2 * p + 1
            fire(1, sub1)
            wait_all(0)
            compute(0, sub0)
            fire(0, jnp.minimum(sub1 + 1, NSUB - 1))
            wait_all(1)
            compute(1, sub1)
            return 0

        lax.fori_loop(0, NSUB // 2, body, 0)
        wait_all(0)
        pltpu.sync_copy(score_all, out_hbm.at[pl.ds(base, CHUNK)])

    return trans_h


_trans_h = _make_kernel()


@jax.jit
def kernel(h, r, t, entity_emb, relation_emb, relation_norm):
    n_rel = relation_emb.shape[0]
    rel2 = relation_emb.reshape(n_rel // 2, 2 * DIM)
    nrm2 = relation_norm.reshape(n_rel // 2, 2 * DIM)
    return _trans_h(h.astype(jnp.int32), r.astype(jnp.int32),
                    t.astype(jnp.int32), entity_emb, rel2, nrm2)

# --- scband reference (transcript-rebuilt; emitter-appended) ---
"""Pipeline reference for scband-trans-h-42777874268793 (READ-ONLY COPY).

The authoritative reference and input builder live on the scoring server;
editing this copy changes nothing except your own understanding.
"""

import jax, jax.numpy as jnp
import numpy as np

N_ENTITIES = 1000000
N_RELATIONS = 1000
DIM = 64
BATCH = 16384


def setup_inputs(seed: int = 0) -> dict:
    key = jax.random.key(seed)
    k1, k2, k3, k4, k5, k6 = jax.random.split(key, 6)
    h = jax.random.randint(k1, (BATCH,), 0, N_ENTITIES, dtype=jnp.int64 if jax.config.jax_enable_x64 else jnp.int32)
    r = jax.random.randint(k2, (BATCH,), 0, N_RELATIONS, dtype=jnp.int64 if jax.config.jax_enable_x64 else jnp.int32)
    t = jax.random.randint(k3, (BATCH,), 0, N_ENTITIES, dtype=jnp.int64 if jax.config.jax_enable_x64 else jnp.int32)
    # xavier_uniform bound for [n, d]: sqrt(6/(n+d))
    b_e = float(np.sqrt(6.0 / (N_ENTITIES + DIM)))
    b_r = float(np.sqrt(6.0 / (N_RELATIONS + DIM)))
    entity_emb = jax.random.uniform(k4, (N_ENTITIES, DIM), minval=-b_e, maxval=b_e, dtype=jnp.float32)
    relation_emb = jax.random.uniform(k5, (N_RELATIONS, DIM), minval=-b_r, maxval=b_r, dtype=jnp.float32)
    relation_norm = jax.random.uniform(k6, (N_RELATIONS, DIM), minval=-b_r, maxval=b_r, dtype=jnp.float32)
    return {"h": h, "r": r, "t": t, "entity_emb": entity_emb,
            "relation_emb": relation_emb, "relation_norm": relation_norm}


def _l2_normalize(x, eps=1e-12):
    # matches F.normalize(p=2, dim=-1)
    n = jnp.sqrt(jnp.sum(x * x, axis=-1, keepdims=True))
    return x / jnp.maximum(n, eps)


def _project(emb, norm):
    return emb - jnp.sum(emb * norm, axis=-1, keepdims=True) * norm


def reference(h, r, t, entity_emb, relation_emb, relation_norm):
    h_emb = jnp.take(entity_emb, h, axis=0)
    r_emb = jnp.take(relation_emb, r, axis=0)
    t_emb = jnp.take(entity_emb, t, axis=0)
    norm = _l2_normalize(jnp.take(relation_norm, r, axis=0))
    h_proj = _project(h_emb, norm)
    t_proj = _project(t_emb, norm)
    diff = h_proj + r_emb - t_proj
    score = jnp.sqrt(jnp.sum(diff * diff, axis=-1))
    return score

if __name__ == "__main__":
    import jax
    _d = setup_inputs()
    print(jax.jit(kernel)(*tuple(_d.values())))

</pallas_src>

<mosaic_0001>
#map = affine_map<(d0, d1) -> (0)>
#map1 = affine_map<(d0, d1) -> (0, 0)>
module attributes {stable_mosaic.version = 14 : i64} {
  func.func @trans_h(%arg0: i32, %arg1: i32, %arg2: memref<16384xi32, #tpu.memory_space<hbm>>, %arg3: memref<16384xi32, #tpu.memory_space<hbm>>, %arg4: memref<16384xi32, #tpu.memory_space<hbm>>, %arg5: memref<1000000x64xf32, #tpu.memory_space<hbm>>, %arg6: memref<500x128xf32, #tpu.memory_space<hbm>>, %arg7: memref<500x128xf32, #tpu.memory_space<hbm>>, %arg8: memref<16384xf32, #tpu.memory_space<hbm>>, %arg9: memref<512xi32, #tpu.memory_space<vmem>>, %arg10: memref<512xi32, #tpu.memory_space<vmem>>, %arg11: memref<512xi32, #tpu.memory_space<vmem>>, %arg12: memref<512xi32, #tpu.memory_space<vmem>>, %arg13: memref<128x64xf32, #tpu.memory_space<vmem>>, %arg14: memref<128x64xf32, #tpu.memory_space<vmem>>, %arg15: memref<128x64xf32, #tpu.memory_space<vmem>>, %arg16: memref<128x64xf32, #tpu.memory_space<vmem>>, %arg17: memref<16x128xf32, #tpu.memory_space<vmem>>, %arg18: memref<16x128xf32, #tpu.memory_space<vmem>>, %arg19: memref<16x128xf32, #tpu.memory_space<vmem>>, %arg20: memref<16x128xf32, #tpu.memory_space<vmem>>, %arg21: memref<512xf32, #tpu.memory_space<vmem>>, %arg22: memref<!tpu.dma_semaphore, #tpu.memory_space<semaphore_mem>>, %arg23: memref<!tpu.dma_semaphore, #tpu.memory_space<semaphore_mem>>) attributes {dimension_semantics = [#tpu.dimension_semantics<core_parallel>, #tpu.dimension_semantics<subcore_parallel>], iteration_bounds = array<i64: 2, 16>, scalar_prefetch = 0 : i64, scratch_operands = 15 : i64, tpu.core_type = #tpu.core_type<sc_vector_subcore>, window_params = [{transform_indices = #map}, {transform_indices = #map}, {transform_indices = #map}, {transform_indices = #map1}, {transform_indices = #map1}, {transform_indices = #map1}, {transform_indices = #map}]} {
    %mul3A = arith.constant 2 : i32
    %mul3A_0 = arith.muli %arg1, %mul3A : i32
    %add3A = arith.addi %mul3A_0, %arg0 : i32
    %mul3A_1 = arith.constant 512 : i32
    %mul3A_2 = arith.muli %add3A, %mul3A_1 : i32
    "tpu.region"() ({
      %run_scoped3A = tpu.sem_alloc : memref<!tpu.dma_semaphore, #tpu.memory_space<semaphore_mem>>
      %dma_start3A_475 = tpu.memref_slice %arg2[%mul3A_2] : memref<16384xi32, #tpu.memory_space<hbm>> -> memref<512xi32, #tpu.memory_space<hbm>>
      %dma_start3A_476 = tpu.memref_slice %arg2[%mul3A_2] : memref<16384xi32, #tpu.memory_space<hbm>> -> memref<512xi32, #tpu.memory_space<hbm>>
      tpu.enqueue_dma source(%dma_start3A_476 : memref<512xi32, #tpu.memory_space<hbm>>) target(%arg9 : memref<512xi32, #tpu.memory_space<vmem>>) target_semaphore(%run_scoped3A : memref<!tpu.dma_semaphore, #tpu.memory_space<semaphore_mem>>)
      %dma_wait3A_477 = tpu.memref_slice %arg2[%mul3A_2] : memref<16384xi32, #tpu.memory_space<hbm>> -> memref<512xi32, #tpu.memory_space<hbm>>
      %dma_wait3A_478 = tpu.memref_slice %arg2[%mul3A_2] : memref<16384xi32, #tpu.memory_space<hbm>> -> memref<512xi32, #tpu.memory_space<hbm>>
      tpu.wait_dma2 semaphore(%run_scoped3A : memref<!tpu.dma_semaphore, #tpu.memory_space<semaphore_mem>>) src(%dma_wait3A_478 : memref<512xi32, #tpu.memory_space<hbm>>) dst(%arg9 : memref<512xi32, #tpu.memory_space<vmem>>)
      tpu.yield
    }) : () -> ()
    "tpu.region"() ({
      %run_scoped3A = tpu.sem_alloc : memref<!tpu.dma_semaphore, #tpu.memory_space<semaphore_mem>>
      %dma_start3A_475 = tpu.memref_slice %arg4[%mul3A_2] : memref<16384xi32, #tpu.memory_space<hbm>> -> memref<512xi32, #tpu.memory_space<hbm>>
      %dma_start3A_476 = tpu.memref_slice %arg4[%mul3A_2] : memref<16384xi32, #tpu.memory_space<hbm>> -> memref<512xi32, #tpu.memory_space<hbm>>
      tpu.enqueue_dma source(%dma_start3A_476 : memref<512xi32, #tpu.memory_space<hbm>>) target(%arg10 : memref<512xi32, #tpu.memory_space<vmem>>) target_semaphore(%run_scoped3A : memref<!tpu.dma_semaphore, #tpu.memory_space<semaphore_mem>>)
      %dma_wait3A_477 = tpu.memref_slice %arg4[%mul3A_2] : memref<16384xi32, #tpu.memory_space<hbm>> -> memref<512xi32, #tpu.memory_space<hbm>>
      %dma_wait3A_478 = tpu.memref_slice %arg4[%mul3A_2] : memref<16384xi32, #tpu.memory_space<hbm>> -> memref<512xi32, #tpu.memory_space<hbm>>
      tpu.wait_dma2 semaphore(%run_scoped3A : memref<!tpu.dma_semaphore, #tpu.memory_space<semaphore_mem>>) src(%dma_wait3A_478 : memref<512xi32, #tpu.memory_space<hbm>>) dst(%arg10 : memref<512xi32, #tpu.memory_space<vmem>>)
      tpu.yield
    }) : () -> ()
    "tpu.region"() ({
      %run_scoped3A = tpu.sem_alloc : memref<!tpu.dma_semaphore, #tpu.memory_space<semaphore_mem>>
      %dma_start3A_475 = tpu.memref_slice %arg3[%mul3A_2] : memref<16384xi32, #tpu.memory_space<hbm>> -> memref<512xi32, #tpu.memory_space<hbm>>
      %dma_start3A_476 = tpu.memref_slice %arg3[%mul3A_2] : memref<16384xi32, #tpu.memory_space<hbm>> -> memref<512xi32, #tpu.memory_space<hbm>>
      tpu.enqueue_dma source(%dma_start3A_476 : memref<512xi32, #tpu.memory_space<hbm>>) target(%arg11 : memref<512xi32, #tpu.memory_space<vmem>>) target_semaphore(%run_scoped3A : memref<!tpu.dma_semaphore, #tpu.memory_space<semaphore_mem>>)
      %dma_wait3A_477 = tpu.memref_slice %arg3[%mul3A_2] : memref<16384xi32, #tpu.memory_space<hbm>> -> memref<512xi32, #tpu.memory_space<hbm>>
      %dma_wait3A_478 = tpu.memref_slice %arg3[%mul3A_2] : memref<16384xi32, #tpu.memory_space<hbm>> -> memref<512xi32, #tpu.memory_space<hbm>>
      tpu.wait_dma2 semaphore(%run_scoped3A : memref<!tpu.dma_semaphore, #tpu.memory_space<semaphore_mem>>) src(%dma_wait3A_478 : memref<512xi32, #tpu.memory_space<hbm>>) dst(%arg11 : memref<512xi32, #tpu.memory_space<vmem>>)
      tpu.yield
    }) : () -> ()
    %scan3A = arith.constant 0 : i32
    %scan3A_3 = arith.constant 0 : i32
    %scan3A_4 = arith.constant 32 : i32
    %scan3A_5 = arith.addi %scan3A_3, %scan3A_4 : i32
    %scan3A_6 = arith.constant 1 : i32
    %scan3A_7 = scf.for %scan3A_475 = %scan3A_3 to %scan3A_5 step %scan3A_6 iter_args(%scan3A_476 = %scan3A) -> (i32)  : i32 {
      %mul3A_477 = arith.constant 16 : i32
      %mul3A_478 = arith.muli %scan3A_475, %mul3A_477 : i32
      %get3A_479 = arith.index_cast %mul3A_478 : i32 to index
      %get3A_480 = tpu.vector_load %arg11[%get3A_479] {strides = array<i32>} : memref<512xi32, #tpu.memory_space<vmem>>, vector<16xi32>,
      %shift_right_arithmetic3A_481 = arith.constant 1 : i32
      %shift_right_arithmetic3A_482 = vector.broadcast %shift_right_arithmetic3A_481 : i32 to vector<16xi32>
      %shift_right_arithmetic3A_483 = arith.shrsi %get3A_480, %shift_right_arithmetic3A_482 : vector<16xi32>
      %swap3A = arith.index_cast %mul3A_478 : i32 to index
      %swap3A_484 = tpu.vector_load %arg12[%swap3A] {strides = array<i32>} : memref<512xi32, #tpu.memory_space<vmem>>, vector<16xi32>,
      tpu.vector_store %arg12[%swap3A], %shift_right_arithmetic3A_483 {strides = array<i32>} : memref<512xi32, #tpu.memory_space<vmem>>, vector<16xi32>,
      %scan3A_485 = arith.constant 0 : i32
      scf.yield %scan3A_485 : i32
    }
    %scan3A_8 = arith.constant 32 : i32
    %get3A = arith.constant 0 : index
    %get3A_9 = tpu.vector_load %arg9[%get3A] {strides = array<i32>} : memref<512xi32, #tpu.memory_space<vmem>>, vector<16xi32>,
    %shift_right_arithmetic3A = arith.constant 3 : i32
    %shift_right_arithmetic3A_10 = vector.broadcast %shift_right_arithmetic3A : i32 to vector<16xi32>
    %shift_right_arithmetic3A_11 = arith.shrsi %get3A_9, %shift_right_arithmetic3A_10 : vector<16xi32>
    %mul3A_12 = arith.constant 8 : i32
    %mul3A_13 = vector.broadcast %mul3A_12 : i32 to vector<16xi32>
    %mul3A_14 = arith.muli %shift_right_arithmetic3A_11, %mul3A_13 : vector<16xi32>
    %get3A_15 = arith.constant 0 : index
    %get3A_16 = tpu.vector_load %arg10[%get3A_15] {strides = array<i32>} : memref<512xi32, #tpu.memory_space<vmem>>, vector<16xi32>,
    %shift_right_arithmetic3A_17 = arith.constant 3 : i32
    %shift_right_arithmetic3A_18 = vector.broadcast %shift_right_arithmetic3A_17 : i32 to vector<16xi32>
    %shift_right_arithmetic3A_19 = arith.shrsi %get3A_16, %shift_right_arithmetic3A_18 : vector<16xi32>
    %mul3A_20 = arith.constant 8 : i32
    %mul3A_21 = vector.broadcast %mul3A_20 : i32 to vector<16xi32>
    %mul3A_22 = arith.muli %shift_right_arithmetic3A_19, %mul3A_21 : vector<16xi32>
    %slice3A = vector.extract_strided_slice %mul3A_14 {offsets = [0], sizes = [1], strides = [1]} : vector<16xi32> to vector<1xi32>
    %squeeze3A = vector.extract %slice3A[0] : i32 from vector<1xi32>
    %multiple_of3A = tpu.assume_multiple %squeeze3A, 8 : i32
    %slice3A_23 = vector.extract_strided_slice %mul3A_22 {offsets = [0], sizes = [1], strides = [1]} : vector<16xi32> to vector<1xi32>
    %squeeze3A_24 = vector.extract %slice3A_23[0] : i32 from vector<1xi32>
    %multiple_of3A_25 = tpu.assume_multiple %squeeze3A_24, 8 : i32
    %dma_start3A = arith.constant 0 : i32
    %dma_start3A_26 = arith.constant 0 : i32
    %dma_start3A_27 = tpu.memref_slice %arg13[%dma_start3A, %dma_start3A_26] : memref<128x64xf32, #tpu.memory_space<vmem>> -> memref<8x64xf32, #tpu.memory_space<vmem>>
    %dma_start3A_28 = arith.constant 0 : i32
    %dma_start3A_29 = tpu.memref_slice %arg5[%multiple_of3A, %dma_start3A_28] : memref<1000000x64xf32, #tpu.memory_space<hbm>> -> memref<8x64xf32, #tpu.memory_space<hbm>>
    %dma_start3A_30 = arith.constant 0 : i32
    %dma_start3A_31 = arith.constant 0 : i32
    %dma_start3A_32 = tpu.memref_slice %arg13[%dma_start3A_30, %dma_start3A_31] : memref<128x64xf32, #tpu.memory_space<vmem>> -> memref<8x64xf32, #tpu.memory_space<vmem>>
    %dma_start3A_33 = arith.constant 0 : i32
    %dma_start3A_34 = tpu.memref_slice %arg5[%multiple_of3A, %dma_start3A_33] : memref<1000000x64xf32, #tpu.memory_space<hbm>> -> memref<8x64xf32, #tpu.memory_space<hbm>>
    tpu.enqueue_dma source(%dma_start3A_34 : memref<8x64xf32, #tpu.memory_space<hbm>>) target(%dma_start3A_32 : memref<8x64xf32, #tpu.memory_space<vmem>>) target_semaphore(%arg22 : memref<!tpu.dma_semaphore, #tpu.memory_space<semaphore_mem>>)
    %dma_start3A_35 = arith.constant 0 : i32
    %dma_start3A_36 = arith.constant 0 : i32
    %dma_start3A_37 = tpu.memref_slice %arg14[%dma_start3A_35, %dma_start3A_36] : memref<128x64xf32, #tpu.memory_space<vmem>> -> memref<8x64xf32, #tpu.memory_space<vmem>>
    %dma_start3A_38 = arith.constant 0 : i32
    %dma_start3A_39 = tpu.memref_slice %arg5[%multiple_of3A_25, %dma_start3A_38] : memref<1000000x64xf32, #tpu.memory_space<hbm>> -> memref<8x64xf32, #tpu.memory_space<hbm>>
    %dma_start3A_40 = arith.constant 0 : i32
    %dma_start3A_41 = arith.constant 0 : i32
    %dma_start3A_42 = tpu.memref_slice %arg14[%dma_start3A_40, %dma_start3A_41] : memref<128x64xf32, #tpu.memory_space<vmem>> -> memref<8x64xf32, #tpu.memory_space<vmem>>
    %dma_start3A_43 = arith.constant 0 : i32
    %dma_start3A_44 = tpu.memref_slice %arg5[%multiple_of3A_25, %dma_start3A_43] : memref<1000000x64xf32, #tpu.memory_space<hbm>> -> memref<8x64xf32, #tpu.memory_space<hbm>>
    tpu.enqueue_dma source(%dma_start3A_44 : memref<8x64xf32, #tpu.memory_space<hbm>>) target(%dma_start3A_42 : memref<8x64xf32, #tpu.memory_space<vmem>>) target_semaphore(%arg22 : memref<!tpu.dma_semaphore, #tpu.memory_space<semaphore_mem>>)
    %slice3A_45 = vector.extract_strided_slice %mul3A_14 {offsets = [1], sizes = [1], strides = [1]} : vector<16xi32> to vector<1xi32>
    %squeeze3A_46 = vector.extract %slice3A_45[0] : i32 from vector<1xi32>
    %multiple_of3A_47 = tpu.assume_multiple %squeeze3A_46, 8 : i32
    %slice3A_48 = vector.extract_strided_slice %mul3A_22 {offsets = [1], sizes = [1], strides = [1]} : vector<16xi32> to vector<1xi32>
    %squeeze3A_49 = vector.extract %slice3A_48[0] : i32 from vector<1xi32>
    %multiple_of3A_50 = tpu.assume_multiple %squeeze3A_49, 8 : i32
    %dma_start3A_51 = arith.constant 8 : i32
    %dma_start3A_52 = arith.constant 0 : i32
    %dma_start3A_53 = tpu.memref_slice %arg13[%dma_start3A_51, %dma_start3A_52] : memref<128x64xf32, #tpu.memory_space<vmem>> -> memref<8x64xf32, #tpu.memory_space<vmem>>
    %dma_start3A_54 = arith.constant 0 : i32
    %dma_start3A_55 = tpu.memref_slice %arg5[%multiple_of3A_47, %dma_start3A_54] : memref<1000000x64xf32, #tpu.memory_space<hbm>> -> memref<8x64xf32, #tpu.memory_space<hbm>>
    %dma_start3A_56 = arith.constant 8 : i32
    %dma_start3A_57 = arith.constant 0 : i32
    %dma_start3A_58 = tpu.memref_slice %arg13[%dma_start3A_56, %dma_start3A_57] : memref<128x64xf32, #tpu.memory_space<vmem>> -> memref<8x64xf32, #tpu.memory_space<vmem>>
    %dma_start3A_59 = arith.constant 0 : i32
    %dma_start3A_60 = tpu.memref_slice %arg5[%multiple_of3A_47, %dma_start3A_59] : memref<1000000x64xf32, #tpu.memory_space<hbm>> -> memref<8x64xf32, #tpu.memory_space<hbm>>
    tpu.enqueue_dma source(%dma_start3A_60 : memref<8x64xf32, #tpu.memory_space<hbm>>) target(%dma_start3A_58 : memref<8x64xf32, #tpu.memory_space<vmem>>) target_semaphore(%arg22 : memref<!tpu.dma_semaphore, #tpu.memory_space<semaphore_mem>>)
    %dma_start3A_61 = arith.constant 8 : i32
    %dma_start3A_62 = arith.constant 0 : i32
    %dma_start3A_63 = tpu.memref_slice %arg14[%dma_start3A_61, %dma_start3A_62] : memref<128x64xf32, #tpu.memory_space<vmem>> -> memref<8x64xf32, #tpu.memory_space<vmem>>
    %dma_start3A_64 = arith.constant 0 : i32
    %dma_start3A_65 = tpu.memref_slice %arg5[%multiple_of3A_50, %dma_start3A_64] : memref<1000000x64xf32, #tpu.memory_space<hbm>> -> memref<8x64xf32, #tpu.memory_space<hbm>>
    %dma_start3A_66 = arith.constant 8 : i32
    %dma_start3A_67 = arith.constant 0 : i32
    %dma_start3A_68 = tpu.memref_slice %arg14[%dma_start3A_66, %dma_start3A_67] : memref<128x64xf32, #tpu.memory_space<vmem>> -> memref<8x64xf32, #tpu.memory_space<vmem>>
    %dma_start3A_69 = arith.constant 0 : i32
    %dma_start3A_70 = tpu.memref_slice %arg5[%multiple_of3A_50, %dma_start3A_69] : memref<1000000x64xf32, #tpu.memory_space<hbm>> -> memref<8x64xf32, #tpu.memory_space<hbm>>
    tpu.enqueue_dma source(%dma_start3A_70 : memref<8x64xf32, #tpu.memory_space<hbm>>) target(%dma_start3A_68 : memref<8x64xf32, #tpu.memory_space<vmem>>) target_semaphore(%arg22 : memref<!tpu.dma_semaphore, #tpu.memory_space<semaphore_mem>>)
    %slice3A_71 = vector.extract_strided_slice %mul3A_14 {offsets = [2], sizes = [1], strides = [1]} : vector<16xi32> to vector<1xi32>
    %squeeze3A_72 = vector.extract %slice3A_71[0] : i32 from vector<1xi32>
    %multiple_of3A_73 = tpu.assume_multiple %squeeze3A_72, 8 : i32
    %slice3A_74 = vector.extract_strided_slice %mul3A_22 {offsets = [2], sizes = [1], strides = [1]} : vector<16xi32> to vector<1xi32>
    %squeeze3A_75 = vector.extract %slice3A_74[0] : i32 from vector<1xi32>
    %multiple_of3A_76 = tpu.assume_multiple %squeeze3A_75, 8 : i32
    %dma_start3A_77 = arith.constant 16 : i32
    %dma_start3A_78 = arith.constant 0 : i32
    %dma_start3A_79 = tpu.memref_slice %arg13[%dma_start3A_77, %dma_start3A_78] : memref<128x64xf32, #tpu.memory_space<vmem>> -> memref<8x64xf32, #tpu.memory_space<vmem>>
    %dma_start3A_80 = arith.constant 0 : i32
    %dma_start3A_81 = tpu.memref_slice %arg5[%multiple_of3A_73, %dma_start3A_80] : memref<1000000x64xf32, #tpu.memory_space<hbm>> -> memref<8x64xf32, #tpu.memory_space<hbm>>
    %dma_start3A_82 = arith.constant 16 : i32
    %dma_start3A_83 = arith.constant 0 : i32
    %dma_start3A_84 = tpu.memref_slice %arg13[%dma_start3A_82, %dma_start3A_83] : memref<128x64xf32, #tpu.memory_space<vmem>> -> memref<8x64xf32, #tpu.memory_space<vmem>>
    %dma_start3A_85 = arith.constant 0 : i32
    %dma_start3A_86 = tpu.memref_slice %arg5[%multiple_of3A_73, %dma_start3A_85] : memref<1000000x64xf32, #tpu.memory_space<hbm>> -> memref<8x64xf32, #tpu.memory_space<hbm>>
    tpu.enqueue_dma source(%dma_start3A_86 : memref<8x64xf32, #tpu.memory_space<hbm>>) target(%dma_start3A_84 : memref<8x64xf32, #tpu.memory_space<vmem>>) target_semaphore(%arg22 : memref<!tpu.dma_semaphore, #tpu.memory_space<semaphore_mem>>)
    %dma_start3A_87 = arith.constant 16 : i32
    %dma_start3A_88 = arith.constant 0 : i32
    %dma_start3A_89 = tpu.memref_slice %arg14[%dma_start3A_87, %dma_start3A_88] : memref<128x64xf32, #tpu.memory_space<vmem>> -> memref<8x64xf32, #tpu.memory_space<vmem>>
    %dma_start3A_90 = arith.constant 0 : i32
    %dma_start3A_91 = tpu.memref_slice %arg5[%multiple_of3A_76, %dma_start3A_90] : memref<1000000x64xf32, #tpu.memory_space<hbm>> -> memref<8x64xf32, #tpu.memory_space<hbm>>
    %dma_start3A_92 = arith.constant 16 : i32
    %dma_start3A_93 = arith.constant 0 : i32
    %dma_start3A_94 = tpu.memref_slice %arg14[%dma_start3A_92, %dma_start3A_93] : memref<128x64xf32, #tpu.memory_space<vmem>> -> memref<8x64xf32, #tpu.memory_space<vmem>>
    %dma_start3A_95 = arith.constant 0 : i32
    %dma_start3A_96 = tpu.memref_slice %arg5[%multiple_of3A_76, %dma_start3A_95] : memref<1000000x64xf32, #tpu.memory_space<hbm>> -> memref<8x64xf32, #tpu.memory_space<hbm>>
    tpu.enqueue_dma source(%dma_start3A_96 : memref<8x64xf32, #tpu.memory_space<hbm>>) target(%dma_start3A_94 : memref<8x64xf32, #tpu.memory_space<vmem>>) target_semaphore(%arg22 : memref<!tpu.dma_semaphore, #tpu.memory_space<semaphore_mem>>)
    %slice3A_97 = vector.extract_strided_slice %mul3A_14 {offsets = [3], sizes = [1], strides = [1]} : vector<16xi32> to vector<1xi32>
    %squeeze3A_98 = vector.extract %slice3A_97[0] : i32 from vector<1xi32>
    %multiple_of3A_99 = tpu.assume_multiple %squeeze3A_98, 8 : i32
    %slice3A_100 = vector.extract_strided_slice %mul3A_22 {offsets = [3], sizes = [1], strides = [1]} : vector<16xi32> to vector<1xi32>
    %squeeze3A_101 = vector.extract %slice3A_100[0] : i32 from vector<1xi32>
    %multiple_of3A_102 = tpu.assume_multiple %squeeze3A_101, 8 : i32
    %dma_start3A_103 = arith.constant 24 : i32
    %dma_start3A_104 = arith.constant 0 : i32
    %dma_start3A_105 = tpu.memref_slice %arg13[%dma_start3A_103, %dma_start3A_104] : memref<128x64xf32, #tpu.memory_space<vmem>> -> memref<8x64xf32, #tpu.memory_space<vmem>>
    %dma_start3A_106 = arith.constant 0 : i32
    %dma_start3A_107 = tpu.memref_slice %arg5[%multiple_of3A_99, %dma_start3A_106] : memref<1000000x64xf32, #tpu.memory_space<hbm>> -> memref<8x64xf32, #tpu.memory_space<hbm>>
    %dma_start3A_108 = arith.constant 24 : i32
    %dma_start3A_109 = arith.constant 0 : i32
    %dma_start3A_110 = tpu.memref_slice %arg13[%dma_start3A_108, %dma_start3A_109] : memref<128x64xf32, #tpu.memory_space<vmem>> -> memref<8x64xf32, #tpu.memory_space<vmem>>
    %dma_start3A_111 = arith.constant 0 : i32
    %dma_start3A_112 = tpu.memref_slice %arg5[%multiple_of3A_99, %dma_start3A_111] : memref<1000000x64xf32, #tpu.memory_space<hbm>> -> memref<8x64xf32, #tpu.memory_space<hbm>>
    tpu.enqueue_dma source(%dma_start3A_112 : memref<8x64xf32, #tpu.memory_space<hbm>>) target(%dma_start3A_110 : memref<8x64xf32, #tpu.memory_space<vmem>>) target_semaphore(%arg22 : memref<!tpu.dma_semaphore, #tpu.memory_space<semaphore_mem>>)
    %dma_start3A_113 = arith.constant 24 : i32
    %dma_start3A_114 = arith.constant 0 : i32
    %dma_start3A_115 = tpu.memref_slice %arg14[%dma_start3A_113, %dma_start3A_114] : memref<128x64xf32, #tpu.memory_space<vmem>> -> memref<8x64xf32, #tpu.memory_space<vmem>>
    %dma_start3A_116 = arith.constant 0 : i32
    %dma_start3A_117 = tpu.memref_slice %arg5[%multiple_of3A_102, %dma_start3A_116] : memref<1000000x64xf32, #tpu.memory_space<hbm>> -> memref<8x64xf32, #tpu.memory_space<hbm>>
    %dma_start3A_118 = arith.constant 24 : i32
    %dma_start3A_119 = arith.constant 0 : i32
    %dma_start3A_120 = tpu.memref_slice %arg14[%dma_start3A_118, %dma_start3A_119] : memref<128x64xf32, #tpu.memory_space<vmem>> -> memref<8x64xf32, #tpu.memory_space<vmem>>
    %dma_start3A_121 = arith.constant 0 : i32
    %dma_start3A_122 = tpu.memref_slice %arg5[%multiple_of3A_102, %dma_start3A_121] : memref<1000000x64xf32, #tpu.memory_space<hbm>> -> memref<8x64xf32, #tpu.memory_space<hbm>>
    tpu.enqueue_dma source(%dma_start3A_122 : memref<8x64xf32, #tpu.memory_space<hbm>>) target(%dma_start3A_120 : memref<8x64xf32, #tpu.memory_space<vmem>>) target_semaphore(%arg22 : memref<!tpu.dma_semaphore, #tpu.memory_space<semaphore_mem>>)
    %slice3A_123 = vector.extract_strided_slice %mul3A_14 {offsets = [4], sizes = [1], strides = [1]} : vector<16xi32> to vector<1xi32>
    %squeeze3A_124 = vector.extract %slice3A_123[0] : i32 from vector<1xi32>
    %multiple_of3A_125 = tpu.assume_multiple %squeeze3A_124, 8 : i32
    %slice3A_126 = vector.extract_strided_slice %mul3A_22 {offsets = [4], sizes = [1], strides = [1]} : vector<16xi32> to vector<1xi32>
    %squeeze3A_127 = vector.extract %slice3A_126[0] : i32 from vector<1xi32>
    %multiple_of3A_128 = tpu.assume_multiple %squeeze3A_127, 8 : i32
    %dma_start3A_129 = arith.constant 32 : i32
    %dma_start3A_130 = arith.constant 0 : i32
    %dma_start3A_131 = tpu.memref_slice %arg13[%dma_start3A_129, %dma_start3A_130] : memref<128x64xf32, #tpu.memory_space<vmem>> -> memref<8x64xf32, #tpu.memory_space<vmem>>
    %dma_start3A_132 = arith.constant 0 : i32
    %dma_start3A_133 = tpu.memref_slice %arg5[%multiple_of3A_125, %dma_start3A_132] : memref<1000000x64xf32, #tpu.memory_space<hbm>> -> memref<8x64xf32, #tpu.memory_space<hbm>>
    %dma_start3A_134 = arith.constant 32 : i32
    %dma_start3A_135 = arith.constant 0 : i32
    %dma_start3A_136 = tpu.memref_slice %arg13[%dma_start3A_134, %dma_start3A_135] : memref<128x64xf32, #tpu.memory_space<vmem>> -> memref<8x64xf32, #tpu.memory_space<vmem>>
    %dma_start3A_137 = arith.constant 0 : i32
    %dma_start3A_138 = tpu.memref_slice %arg5[%multiple_of3A_125, %dma_start3A_137] : memref<1000000x64xf32, #tpu.memory_space<hbm>> -> memref<8x64xf32, #tpu.memory_space<hbm>>
    tpu.enqueue_dma source(%dma_start3A_138 : memref<8x64xf32, #tpu.memory_space<hbm>>) target(%dma_start3A_136 : memref<8x64xf32, #tpu.memory_space<vmem>>) target_semaphore(%arg22 : memref<!tpu.dma_semaphore, #tpu.memory_space<semaphore_mem>>)
    %dma_start3A_139 = arith.constant 32 : i32
    %dma_start3A_140 = arith.constant 0 : i32
    %dma_start3A_141 = tpu.memref_slice %arg14[%dma_start3A_139, %dma_start3A_140] : memref<128x64xf32, #tpu.memory_space<vmem>> -> memref<8x64xf32, #tpu.memory_space<vmem>>
    %dma_start3A_142 = arith.constant 0 : i32
    %dma_start3A_143 = tpu.memref_slice %arg5[%multiple_of3A_128, %dma_start3A_142] : memref<1000000x64xf32, #tpu.memory_space<hbm>> -> memref<8x64xf32, #tpu.memory_space<hbm>>
    %dma_start3A_144 = arith.constant 32 : i32
    %dma_start3A_145 = arith.constant 0 : i32
    %dma_start3A_146 = tpu.memref_slice %arg14[%dma_start3A_144, %dma_start3A_145] : memref<128x64xf32, #tpu.memory_space<vmem>> -> memref<8x64xf32, #tpu.memory_space<vmem>>
    %dma_start3A_147 = arith.constant 0 : i32
    %dma_start3A_148 = tpu.memref_slice %arg5[%multiple_of3A_128, %dma_start3A_147] : memref<1000000x64xf32, #tpu.memory_space<hbm>> -> memref<8x64xf32, #tpu.memory_space<hbm>>
    tpu.enqueue_dma source(%dma_start3A_148 : memref<8x64xf32, #tpu.memory_space<hbm>>) target(%dma_start3A_146 : memref<8x64xf32, #tpu.memory_space<vmem>>) target_semaphore(%arg22 : memref<!tpu.dma_semaphore, #tpu.memory_space<semaphore_mem>>)
    %slice3A_149 = vector.extract_strided_slice %mul3A_14 {offsets = [5], sizes = [1], strides = [1]} : vector<16xi32> to vector<1xi32>
    %squeeze3A_150 = vector.extract %slice3A_149[0] : i32 from vector<1xi32>
    %multiple_of3A_151 = tpu.assume_multiple %squeeze3A_150, 8 : i32
    %slice3A_152 = vector.extract_strided_slice %mul3A_22 {offsets = [5], sizes = [1], strides = [1]} : vector<16xi32> to vector<1xi32>
    %squeeze3A_153 = vector.extract %slice3A_152[0] : i32 from vector<1xi32>
    %multiple_of3A_154 = tpu.assume_multiple %squeeze3A_153, 8 : i32
    %dma_start3A_155 = arith.constant 40 : i32
    %dma_start3A_156 = arith.constant 0 : i32
    %dma_start3A_157 = tpu.memref_slice %arg13[%dma_start3A_155, %dma_start3A_156] : memref<128x64xf32, #tpu.memory_space<vmem>> -> memref<8x64xf32, #tpu.memory_space<vmem>>
    %dma_start3A_158 = arith.constant 0 : i32
    %dma_start3A_159 = tpu.memref_slice %arg5[%multiple_of3A_151, %dma_start3A_158] : memref<1000000x64xf32, #tpu.memory_space<hbm>> -> memref<8x64xf32, #tpu.memory_space<hbm>>
    %dma_start3A_160 = arith.constant 40 : i32
    %dma_start3A_161 = arith.constant 0 : i32
    %dma_start3A_162 = tpu.memref_slice %arg13[%dma_start3A_160, %dma_start3A_161] : memref<128x64xf32, #tpu.memory_space<vmem>> -> memref<8x64xf32, #tpu.memory_space<vmem>>
    %dma_start3A_163 = arith.constant 0 : i32
    %dma_start3A_164 = tpu.memref_slice %arg5[%multiple_of3A_151, %dma_start3A_163] : memref<1000000x64xf32, #tpu.memory_space<hbm>> -> memref<8x64xf32, #tpu.memory_space<hbm>>
    tpu.enqueue_dma source(%dma_start3A_164 : memref<8x64xf32, #tpu.memory_space<hbm>>) target(%dma_start3A_162 : memref<8x64xf32, #tpu.memory_space<vmem>>) target_semaphore(%arg22 : memref<!tpu.dma_semaphore, #tpu.memory_space<semaphore_mem>>)
    %dma_start3A_165 = arith.constant 40 : i32
    %dma_start3A_166 = arith.constant 0 : i32
    %dma_start3A_167 = tpu.memref_slice %arg14[%dma_start3A_165, %dma_start3A_166] : memref<128x64xf32, #tpu.memory_space<vmem>> -> memref<8x64xf32, #tpu.memory_space<vmem>>
    %dma_start3A_168 = arith.constant 0 : i32
    %dma_start3A_169 = tpu.memref_slice %arg5[%multiple_of3A_154, %dma_start3A_168] : memref<1000000x64xf32, #tpu.memory_space<hbm>> -> memref<8x64xf32, #tpu.memory_space<hbm>>
    %dma_start3A_170 = arith.constant 40 : i32
    %dma_start3A_171 = arith.constant 0 : i32
    %dma_start3A_172 = tpu.memref_slice %arg14[%dma_start3A_170, %dma_start3A_171] : memref<128x64xf32, #tpu.memory_space<vmem>> -> memref<8x64xf32, #tpu.memory_space<vmem>>
    %dma_start3A_173 = arith.constant 0 : i32
    %dma_start3A_174 = tpu.memref_slice %arg5[%multiple_of3A_154, %dma_start3A_173] : memref<1000000x64xf32, #tpu.memory_space<hbm>> -> memref<8x64xf32, #tpu.memory_space<hbm>>
    tpu.enqueue_dma source(%dma_start3A_174 : memref<8x64xf32, #tpu.memory_space<hbm>>) target(%dma_start3A_172 : memref<8x64xf32, #tpu.memory_space<vmem>>) target_semaphore(%arg22 : memref<!tpu.dma_semaphore, #tpu.memory_space<semaphore_mem>>)
    %slice3A_175 = vector.extract_strided_slice %mul3A_14 {offsets = [6], sizes = [1], strides = [1]} : vector<16xi32> to vector<1xi32>
    %squeeze3A_176 = vector.extract %slice3A_175[0] : i32 from vector<1xi32>
    %multiple_of3A_177 = tpu.assume_multiple %squeeze3A_176, 8 : i32
    %slice3A_178 = vector.extract_strided_slice %mul3A_22 {offsets = [6], sizes = [1], strides = [1]} : vector<16xi32> to vector<1xi32>
    %squeeze3A_179 = vector.extract %slice3A_178[0] : i32 from vector<1xi32>
    %multiple_of3A_180 = tpu.assume_multiple %squeeze3A_179, 8 : i32
    %dma_start3A_181 = arith.constant 48 : i32
    %dma_start3A_182 = arith.constant 0 : i32
    %dma_start3A_183 = tpu.memref_slice %arg13[%dma_start3A_181, %dma_start3A_182] : memref<128x64xf32, #tpu.memory_space<vmem>> -> memref<8x64xf32, #tpu.memory_space<vmem>>
    %dma_start3A_184 = arith.constant 0 : i32
    %dma_start3A_185 = tpu.memref_slice %arg5[%multiple_of3A_177, %dma_start3A_184] : memref<1000000x64xf32, #tpu.memory_space<hbm>> -> memref<8x64xf32, #tpu.memory_space<hbm>>
    %dma_start3A_186 = arith.constant 48 : i32
    %dma_start3A_187 = arith.constant 0 : i32
    %dma_start3A_188 = tpu.memref_slice %arg13[%dma_start3A_186, %dma_start3A_187] : memref<128x64xf32, #tpu.memory_space<vmem>> -> memref<8x64xf32, #tpu.memory_space<vmem>>
    %dma_start3A_189 = arith.constant 0 : i32
    %dma_start3A_190 = tpu.memref_slice %arg5[%multiple_of3A_177, %dma_start3A_189] : memref<1000000x64xf32, #tpu.memory_space<hbm>> -> memref<8x64xf32, #tpu.memory_space<hbm>>
    tpu.enqueue_dma source(%dma_start3A_190 : memref<8x64xf32, #tpu.memory_space<hbm>>) target(%dma_start3A_188 : memref<8x64xf32, #tpu.memory_space<vmem>>) target_semaphore(%arg22 : memref<!tpu.dma_semaphore, #tpu.memory_space<semaphore_mem>>)
    %dma_start3A_191 = arith.constant 48 : i32
    %dma_start3A_192 = arith.constant 0 : i32
    %dma_start3A_193 = tpu.memref_slice %arg14[%dma_start3A_191, %dma_start3A_192] : memref<128x64xf32, #tpu.memory_space<vmem>> -> memref<8x64xf32, #tpu.memory_space<vmem>>
    %dma_start3A_194 = arith.constant 0 : i32
    %dma_start3A_195 = tpu.memref_slice %arg5[%multiple_of3A_180, %dma_start3A_194] : memref<1000000x64xf32, #tpu.memory_space<hbm>> -> memref<8x64xf32, #tpu.memory_space<hbm>>
    %dma_start3A_196 = arith.constant 48 : i32
    %dma_start3A_197 = arith.constant 0 : i32
    %dma_start3A_198 = tpu.memref_slice %arg14[%dma_start3A_196, %dma_start3A_197] : memref<128x64xf32, #tpu.memory_space<vmem>> -> memref<8x64xf32, #tpu.memory_space<vmem>>
    %dma_start3A_199 = arith.constant 0 : i32
    %dma_start3A_200 = tpu.memref_slice %arg5[%multiple_of3A_180, %dma_start3A_199] : memref<1000000x64xf32, #tpu.memory_space<hbm>> -> memref<8x64xf32, #tpu.memory_space<hbm>>
    tpu.enqueue_dma source(%dma_start3A_200 : memref<8x64xf32, #tpu.memory_space<hbm>>) target(%dma_start3A_198 : memref<8x64xf32, #tpu.memory_space<vmem>>) target_semaphore(%arg22 : memref<!tpu.dma_semaphore, #tpu.memory_space<semaphore_mem>>)
    %slice3A_201 = vector.extract_strided_slice %mul3A_14 {offsets = [7], sizes = [1], strides = [1]} : vector<16xi32> to vector<1xi32>
    %squeeze3A_202 = vector.extract %slice3A_201[0] : i32 from vector<1xi32>
    %multiple_of3A_203 = tpu.assume_multiple %squeeze3A_202, 8 : i32
    %slice3A_204 = vector.extract_strided_slice %mul3A_22 {offsets = [7], sizes = [1], strides = [1]} : vector<16xi32> to vector<1xi32>
    %squeeze3A_205 = vector.extract %slice3A_204[0] : i32 from vector<1xi32>
    %multiple_of3A_206 = tpu.assume_multiple %squeeze3A_205, 8 : i32
    %dma_start3A_207 = arith.constant 56 : i32
    %dma_start3A_208 = arith.constant 0 : i32
    %dma_start3A_209 = tpu.memref_slice %arg13[%dma_start3A_207, %dma_start3A_208] : memref<128x64xf32, #tpu.memory_space<vmem>> -> memref<8x64xf32, #tpu.memory_space<vmem>>
    %dma_start3A_210 = arith.constant 0 : i32
    %dma_start3A_211 = tpu.memref_slice %arg5[%multiple_of3A_203, %dma_start3A_210] : memref<1000000x64xf32, #tpu.memory_space<hbm>> -> memref<8x64xf32, #tpu.memory_space<hbm>>
    %dma_start3A_212 = arith.constant 56 : i32
    %dma_start3A_213 = arith.constant 0 : i32
    %dma_start3A_214 = tpu.memref_slice %arg13[%dma_start3A_212, %dma_start3A_213] : memref<128x64xf32, #tpu.memory_space<vmem>> -> memref<8x64xf32, #tpu.memory_space<vmem>>
    %dma_start3A_215 = arith.constant 0 : i32
    %dma_start3A_216 = tpu.memref_slice %arg5[%multiple_of3A_203, %dma_start3A_215] : memref<1000000x64xf32, #tpu.memory_space<hbm>> -> memref<8x64xf32, #tpu.memory_space<hbm>>
    tpu.enqueue_dma source(%dma_start3A_216 : memref<8x64xf32, #tpu.memory_space<hbm>>) target(%dma_start3A_214 : memref<8x64xf32, #tpu.memory_space<vmem>>) target_semaphore(%arg22 : memref<!tpu.dma_semaphore, #tpu.memory_space<semaphore_mem>>)
    %dma_start3A_217 = arith.constant 56 : i32
    %dma_start3A_218 = arith.constant 0 : i32
    %dma_start3A_219 = tpu.memref_slice %arg14[%dma_start3A_217, %dma_start3A_218] : memref<128x64xf32, #tpu.memory_space<vmem>> -> memref<8x64xf32, #tpu.memory_space<vmem>>
    %dma_start3A_220 = arith.constant 0 : i32
    %dma_start3A_221 = tpu.memref_slice %arg5[%multiple_of3A_206, %dma_start3A_220] : memref<1000000x64xf32, #tpu.memory_space<hbm>> -> memref<8x64xf32, #tpu.memory_space<hbm>>
    %dma_start3A_222 = arith.constant 56 : i32
    %dma_start3A_223 = arith.constant 0 : i32
    %dma_start3A_224 = tpu.memref_slice %arg14[%dma_start3A_222, %dma_start3A_223] : memref<128x64xf32, #tpu.memory_space<vmem>> -> memref<8x64xf32, #tpu.memory_space<vmem>>
    %dma_start3A_225 = arith.constant 0 : i32
    %dma_start3A_226 = tpu.memref_slice %arg5[%multiple_of3A_206, %dma_start3A_225] : memref<1000000x64xf32, #tpu.memory_space<hbm>> -> memref<8x64xf32, #tpu.memory_space<hbm>>
    tpu.enqueue_dma source(%dma_start3A_226 : memref<8x64xf32, #tpu.memory_space<hbm>>) target(%dma_start3A_224 : memref<8x64xf32, #tpu.memory_space<vmem>>) target_semaphore(%arg22 : memref<!tpu.dma_semaphore, #tpu.memory_space<semaphore_mem>>)
    %slice3A_227 = vector.extract_strided_slice %mul3A_14 {offsets = [8], sizes = [1], strides = [1]} : vector<16xi32> to vector<1xi32>
    %squeeze3A_228 = vector.extract %slice3A_227[0] : i32 from vector<1xi32>
    %multiple_of3A_229 = tpu.assume_multiple %squeeze3A_228, 8 : i32
    %slice3A_230 = vector.extract_strided_slice %mul3A_22 {offsets = [8], sizes = [1], strides = [1]} : vector<16xi32> to vector<1xi32>
    %squeeze3A_231 = vector.extract %slice3A_230[0] : i32 from vector<1xi32>
    %multiple_of3A_232 = tpu.assume_multiple %squeeze3A_231, 8 : i32
    %dma_start3A_233 = arith.constant 64 : i32
    %dma_start3A_234 = arith.constant 0 : i32
    %dma_start3A_235 = tpu.memref_slice %arg13[%dma_start3A_233, %dma_start3A_234] : memref<128x64xf32, #tpu.memory_space<vmem>> -> memref<8x64xf32, #tpu.memory_space<vmem>>
    %dma_start3A_236 = arith.constant 0 : i32
    %dma_start3A_237 = tpu.memref_slice %arg5[%multiple_of3A_229, %dma_start3A_236] : memref<1000000x64xf32, #tpu.memory_space<hbm>> -> memref<8x64xf32, #tpu.memory_space<hbm>>
    %dma_start3A_238 = arith.constant 64 : i32
    %dma_start3A_239 = arith.constant 0 : i32
    %dma_start3A_240 = tpu.memref_slice %arg13[%dma_start3A_238, %dma_start3A_239] : memref<128x64xf32, #tpu.memory_space<vmem>> -> memref<8x64xf32, #tpu.memory_space<vmem>>
    %dma_start3A_241 = arith.constant 0 : i32
    %dma_start3A_242 = tpu.memref_slice %arg5[%multiple_of3A_229, %dma_start3A_241] : memref<1000000x64xf32, #tpu.memory_space<hbm>> -> memref<8x64xf32, #tpu.memory_space<hbm>>
    tpu.enqueue_dma source(%dma_start3A_242 : memref<8x64xf32, #tpu.memory_space<hbm>>) target(%dma_start3A_240 : memref<8x64xf32, #tpu.memory_space<vmem>>) target_semaphore(%arg22 : memref<!tpu.dma_semaphore, #tpu.memory_space<semaphore_mem>>)
    %dma_start3A_243 = arith.constant 64 : i32
    %dma_start3A_244 = arith.constant 0 : i32
    %dma_start3A_245 = tpu.memref_slice %arg14[%dma_start3A_243, %dma_start3A_244] : memref<128x64xf32, #tpu.memory_space<vmem>> -> memref<8x64xf32, #tpu.memory_space<vmem>>
    %dma_start3A_246 = arith.constant 0 : i32
    %dma_start3A_247 = tpu.memref_slice %arg5[%multiple_of3A_232, %dma_start3A_246] : memref<1000000x64xf32, #tpu.memory_space<hbm>> -> memref<8x64xf32, #tpu.memory_space<hbm>>
    %dma_start3A_248 = arith.constant 64 : i32
    %dma_start3A_249 = arith.constant 0 : i32
    %dma_start3A_250 = tpu.memref_slice %arg14[%dma_start3A_248, %dma_start3A_249] : memref<128x64xf32, #tpu.memory_space<vmem>> -> memref<8x64xf32, #tpu.memory_space<vmem>>
    %dma_start3A_251 = arith.constant 0 : i32
    %dma_start3A_252 = tpu.memref_slice %arg5[%multiple_of3A_232, %dma_start3A_251] : memref<1000000x64xf32, #tpu.memory_space<hbm>> -> memref<8x64xf32, #tpu.memory_space<hbm>>
    tpu.enqueue_dma source(%dma_start3A_252 : memref<8x64xf32, #tpu.memory_space<hbm>>) target(%dma_start3A_250 : memref<8x64xf32, #tpu.memory_space<vmem>>) target_semaphore(%arg22 : memref<!tpu.dma_semaphore, #tpu.memory_space<semaphore_mem>>)
    %slice3A_253 = vector.extract_strided_slice %mul3A_14 {offsets = [9], sizes = [1], strides = [1]} : vector<16xi32> to vector<1xi32>
    %squeeze3A_254 = vector.extract %slice3A_253[0] : i32 from vector<1xi32>
    %multiple_of3A_255 = tpu.assume_multiple %squeeze3A_254, 8 : i32
    %slice3A_256 = vector.extract_strided_slice %mul3A_22 {offsets = [9], sizes = [1], strides = [1]} : vector<16xi32> to vector<1xi32>
    %squeeze3A_257 = vector.extract %slice3A_256[0] : i32 from vector<1xi32>
    %multiple_of3A_258 = tpu.assume_multiple %squeeze3A_257, 8 : i32
    %dma_start3A_259 = arith.constant 72 : i32
    %dma_start3A_260 = arith.constant 0 : i32
    %dma_start3A_261 = tpu.memref_slice %arg13[%dma_start3A_259, %dma_start3A_260] : memref<128x64xf32, #tpu.memory_space<vmem>> -> memref<8x64xf32, #tpu.memory_space<vmem>>
    %dma_start3A_262 = arith.constant 0 : i32
    %dma_start3A_263 = tpu.memref_slice %arg5[%multiple_of3A_255, %dma_start3A_262] : memref<1000000x64xf32, #tpu.memory_space<hbm>> -> memref<8x64xf32, #tpu.memory_space<hbm>>
    %dma_start3A_264 = arith.constant 72 : i32
    %dma_start3A_265 = arith.constant 0 : i32
    %dma_start3A_266 = tpu.memref_slice %arg13[%dma_start3A_264, %dma_start3A_265] : memref<128x64xf32, #tpu.memory_space<vmem>> -> memref<8x64xf32, #tpu.memory_space<vmem>>
    %dma_start3A_267 = arith.constant 0 : i32
    %dma_start3A_268 = tpu.memref_slice %arg5[%multiple_of3A_255, %dma_start3A_267] : memref<1000000x64xf32, #tpu.memory_space<hbm>> -> memref<8x64xf32, #tpu.memory_space<hbm>>
    tpu.enqueue_dma source(%dma_start3A_268 : memref<8x64xf32, #tpu.memory_space<hbm>>) target(%dma_start3A_266 : memref<8x64xf32, #tpu.memory_space<vmem>>) target_semaphore(%arg22 : memref<!tpu.dma_semaphore, #tpu.memory_space<semaphore_mem>>)
    %dma_start3A_269 = arith.constant 72 : i32
    %dma_start3A_270 = arith.constant 0 : i32
    %dma_start3A_271 = tpu.memref_slice %arg14[%dma_start3A_269, %dma_start3A_270] : memref<128x64xf32, #tpu.memory_space<vmem>> -> memref<8x64xf32, #tpu.memory_space<vmem>>
    %dma_start3A_272 = arith.constant 0 : i32
    %dma_start3A_273 = tpu.memref_slice %arg5[%multiple_of3A_258, %dma_start3A_272] : memref<1000000x64xf32, #tpu.memory_space<hbm>> -> memref<8x64xf32, #tpu.memory_space<hbm>>
    %dma_start3A_274 = arith.constant 72 : i32
    %dma_start3A_275 = arith.constant 0 : i32
    %dma_start3A_276 = tpu.memref_slice %arg14[%dma_start3A_274, %dma_start3A_275] : memref<128x64xf32, #tpu.memory_space<vmem>> -> memref<8x64xf32, #tpu.memory_space<vmem>>
    %dma_start3A_277 = arith.constant 0 : i32
    %dma_start3A_278 = tpu.memref_slice %arg5[%multiple_of3A_258, %dma_start3A_277] : memref<1000000x64xf32, #tpu.memory_space<hbm>> -> memref<8x64xf32, #tpu.memory_space<hbm>>
    tpu.enqueue_dma source(%dma_start3A_278 : memref<8x64xf32, #tpu.memory_space<hbm>>) target(%dma_start3A_276 : memref<8x64xf32, #tpu.memory_space<vmem>>) target_semaphore(%arg22 : memref<!tpu.dma_semaphore, #tpu.memory_space<semaphore_mem>>)
    %slice3A_279 = vector.extract_strided_slice %mul3A_14 {offsets = [10], sizes = [1], strides = [1]} : vector<16xi32> to vector<1xi32>
    %squeeze3A_280 = vector.extract %slice3A_279[0] : i32 from vector<1xi32>
    %multiple_of3A_281 = tpu.assume_multiple %squeeze3A_280, 8 : i32
    %slice3A_282 = vector.extract_strided_slice %mul3A_22 {offsets = [10], sizes = [1], strides = [1]} : vector<16xi32> to vector<1xi32>
    %squeeze3A_283 = vector.extract %slice3A_282[0] : i32 from vector<1xi32>
    %multiple_of3A_284 = tpu.assume_multiple %squeeze3A_283, 8 : i32
    %dma_start3A_285 = arith.constant 80 : i32
    %dma_start3A_286 = arith.constant 0 : i32
    %dma_start3A_287 = tpu.memref_slice %arg13[%dma_start3A_285, %dma_start3A_286] : memref<128x64xf32, #tpu.memory_space<vmem>> -> memref<8x64xf32, #tpu.memory_space<vmem>>
    %dma_start3A_288 = arith.constant 0 : i32
    %dma_start3A_289 = tpu.memref_slice %arg5[%multiple_of3A_281, %dma_start3A_288] : memref<1000000x64xf32, #tpu.memory_space<hbm>> -> memref<8x64xf32, #tpu.memory_space<hbm>>
    %dma_start3A_290 = arith.constant 80 : i32
    %dma_start3A_291 = arith.constant 0 : i32
    %dma_start3A_292 = tpu.memref_slice %arg13[%dma_start3A_290, %dma_start3A_291] : memref<128x64xf32, #tpu.memory_space<vmem>> -> memref<8x64xf32, #tpu.memory_space<vmem>>
    %dma_start3A_293 = arith.constant 0 : i32
    %dma_start3A_294 = tpu.memref_slice %arg5[%multiple_of3A_281, %dma_start3A_293] : memref<1000000x64xf32, #tpu.memory_space<hbm>> -> memref<8x64xf32, #tpu.memory_space<hbm>>
    tpu.enqueue_dma source(%dma_start3A_294 : memref<8x64xf32, #tpu.memory_space<hbm>>) target(%dma_start3A_292 : memref<8x64xf32, #tpu.memory_space<vmem>>) target_semaphore(%arg22 : memref<!tpu.dma_semaphore, #tpu.memory_space<semaphore_mem>>)
    %dma_start3A_295 = arith.constant 80 : i32
    %dma_start3A_296 = arith.constant 0 : i32
    %dma_start3A_297 = tpu.memref_slice %arg14[%dma_start3A_295, %dma_start3A_296] : memref<128x64xf32, #tpu.memory_space<vmem>> -> memref<8x64xf32, #tpu.memory_space<vmem>>
    %dma_start3A_298 = arith.constant 0 : i32
    %dma_start3A_299 = tpu.memref_slice %arg5[%multiple_of3A_284, %dma_start3A_298] : memref<1000000x64xf32, #tpu.memory_space<hbm>> -> memref<8x64xf32, #tpu.memory_space<hbm>>
    %dma_start3A_300 = arith.constant 80 : i32
    %dma_start3A_301 = arith.constant 0 : i32
    %dma_start3A_302 = tpu.memref_slice %arg14[%dma_start3A_300, %dma_start3A_301] : memref<128x64xf32, #tpu.memory_space<vmem>> -> memref<8x64xf32, #tpu.memory_space<vmem>>
    %dma_start3A_303 = arith.constant 0 : i32
    %dma_start3A_304 = tpu.memref_slice %arg5[%multiple_of3A_284, %dma_start3A_303] : memref<1000000x64xf32, #tpu.memory_space<hbm>> -> memref<8x64xf32, #tpu.memory_space<hbm>>
    tpu.enqueue_dma source(%dma_start3A_304 : memref<8x64xf32, #tpu.memory_space<hbm>>) target(%dma_start3A_302 : memref<8x64xf32, #tpu.memory_space<vmem>>) target_semaphore(%arg22 : memref<!tpu.dma_semaphore, #tpu.memory_space<semaphore_mem>>)
    %slice3A_305 = vector.extract_strided_slice %mul3A_14 {offsets = [11], sizes = [1], strides = [1]} : vector<16xi32> to vector<1xi32>
    %squeeze3A_306 = vector.extract %slice3A_305[0] : i32 from vector<1xi32>
    %multiple_of3A_307 = tpu.assume_multiple %squeeze3A_306, 8 : i32
    %slice3A_308 = vector.extract_strided_slice %mul3A_22 {offsets = [11], sizes = [1], strides = [1]} : vector<16xi32> to vector<1xi32>
    %squeeze3A_309 = vector.extract %slice3A_308[0] : i32 from vector<1xi32>
    %multiple_of3A_310 = tpu.assume_multiple %squeeze3A_309, 8 : i32
    %dma_start3A_311 = arith.constant 88 : i32
    %dma_start3A_312 = arith.constant 0 : i32
    %dma_start3A_313 = tpu.memref_slice %arg13[%dma_start3A_311, %dma_start3A_312] : memref<128x64xf32, #tpu.memory_space<vmem>> -> memref<8x64xf32, #tpu.memory_space<vmem>>
    %dma_start3A_314 = arith.constant 0 : i32
    %dma_start3A_315 = tpu.memref_slice %arg5[%multiple_of3A_307, %dma_start3A_314] : memref<1000000x64xf32, #tpu.memory_space<hbm>> -> memref<8x64xf32, #tpu.memory_space<hbm>>
    %dma_start3A_316 = arith.constant 88 : i32
    %dma_start3A_317 = arith.constant 0 : i32
    %dma_start3A_318 = tpu.memref_slice %arg13[%dma_start3A_316, %dma_start3A_317] : memref<128x64xf32, #tpu.memory_space<vmem>> -> memref<8x64xf32, #tpu.memory_space<vmem>>
    %dma_start3A_319 = arith.constant 0 : i32
    %dma_start3A_320 = tpu.memref_slice %arg5[%multiple_of3A_307, %dma_start3A_319] : memref<1000000x64xf32, #tpu.memory_space<hbm>> -> memref<8x64xf32, #tpu.memory_space<hbm>>
    tpu.enqueue_dma source(%dma_start3A_320 : memref<8x64xf32, #tpu.memory_space<hbm>>) target(%dma_start3A_318 : memref<8x64xf32, #tpu.memory_space<vmem>>) target_semaphore(%arg22 : memref<!tpu.dma_semaphore, #tpu.memory_space<semaphore_mem>>)
    %dma_start3A_321 = arith.constant 88 : i32
    %dma_start3A_322 = arith.constant 0 : i32
    %dma_start3A_323 = tpu.memref_slice %arg14[%dma_start3A_321, %dma_start3A_322] : memref<128x64xf32, #tpu.memory_space<vmem>> -> memref<8x64xf32, #tpu.memory_space<vmem>>
    %dma_start3A_324 = arith.constant 0 : i32
    %dma_start3A_325 = tpu.memref_slice %arg5[%multiple_of3A_310, %dma_start3A_324] : memref<1000000x64xf32, #tpu.memory_space<hbm>> -> memref<8x64xf32, #tpu.memory_space<hbm>>
    %dma_start3A_326 = arith.constant 88 : i32
    %dma_start3A_327 = arith.constant 0 : i32
    %dma_start3A_328 = tpu.memref_slice %arg14[%dma_start3A_326, %dma_start3A_327] : memref<128x64xf32, #tpu.memory_space<vmem>> -> memref<8x64xf32, #tpu.memory_space<vmem>>
    %dma_start3A_329 = arith.constant 0 : i32
    %dma_start3A_330 = tpu.memref_slice %arg5[%multiple_of3A_310, %dma_start3A_329] : memref<1000000x64xf32, #tpu.memory_space<hbm>> -> memref<8x64xf32, #tpu.memory_space<hbm>>
    tpu.enqueue_dma source(%dma_start3A_330 : memref<8x64xf32, #tpu.memory_space<hbm>>) target(%dma_start3A_328 : memref<8x64xf32, #tpu.memory_space<vmem>>) target_semaphore(%arg22 : memref<!tpu.dma_semaphore, #tpu.memory_space<semaphore_mem>>)
    %slice3A_331 = vector.extract_strided_slice %mul3A_14 {offsets = [12], sizes = [1], strides = [1]} : vector<16xi32> to vector<1xi32>
    %squeeze3A_332 = vector.extract %slice3A_331[0] : i32 from vector<1xi32>
    %multiple_of3A_333 = tpu.assume_multiple %squeeze3A_332, 8 : i32
    %slice3A_334 = vector.extract_strided_slice %mul3A_22 {offsets = [12], sizes = [1], strides = [1]} : vector<16xi32> to vector<1xi32>
    %squeeze3A_335 = vector.extract %slice3A_334[0] : i32 from vector<1xi32>
    %multiple_of3A_336 = tpu.assume_multiple %squeeze3A_335, 8 : i32
    %dma_start3A_337 = arith.constant 96 : i32
    %dma_start3A_338 = arith.constant 0 : i32
    %dma_start3A_339 = tpu.memref_slice %arg13[%dma_start3A_337, %dma_start3A_338] : memref<128x64xf32, #tpu.memory_space<vmem>> -> memref<8x64xf32, #tpu.memory_space<vmem>>
    %dma_start3A_340 = arith.constant 0 : i32
    %dma_start3A_341 = tpu.memref_slice %arg5[%multiple_of3A_333, %dma_start3A_340] : memref<1000000x64xf32, #tpu.memory_space<hbm>> -> memref<8x64xf32, #tpu.memory_space<hbm>>
    %dma_start3A_342 = arith.constant 96 : i32
    %dma_start3A_343 = arith.constant 0 : i32
    %dma_start3A_344 = tpu.memref_slice %arg13[%dma_start3A_342, %dma_start3A_343] : memref<128x64xf32, #tpu.memory_space<vmem>> -> memref<8x64xf32, #tpu.memory_space<vmem>>
    %dma_start3A_345 = arith.constant 0 : i32
    %dma_start3A_346 = tpu.memref_slice %arg5[%multiple_of3A_333, %dma_start3A_345] : memref<1000000x64xf32, #tpu.memory_space<hbm>> -> memref<8x64xf32, #tpu.memory_space<hbm>>
    tpu.enqueue_dma source(%dma_start3A_346 : memref<8x64xf32, #tpu.memory_space<hbm>>) target(%dma_start3A_344 : memref<8x64xf32, #tpu.memory_space<vmem>>) target_semaphore(%arg22 : memref<!tpu.dma_semaphore, #tpu.memory_space<semaphore_mem>>)
    %dma_start3A_347 = arith.constant 96 : i32
    %dma_start3A_348 = arith.constant 0 : i32
    %dma_start3A_349 = tpu.memref_slice %arg14[%dma_start3A_347, %dma_start3A_348] : memref<128x64xf32, #tpu.memory_space<vmem>> -> memref<8x64xf32, #tpu.memory_space<vmem>>
    %dma_start3A_350 = arith.constant 0 : i32
    %dma_start3A_351 = tpu.memref_slice %arg5[%multiple_of3A_336, %dma_start3A_350] : memref<1000000x64xf32, #tpu.memory_space<hbm>> -> memref<8x64xf32, #tpu.memory_space<hbm>>
    %dma_start3A_352 = arith.constant 96 : i32
    %dma_start3A_353 = arith.constant 0 : i32
    %dma_start3A_354 = tpu.memref_slice %arg14[%dma_start3A_352, %dma_start3A_353] : memref<128x64xf32, #tpu.memory_space<vmem>> -> memref<8x64xf32, #tpu.memory_space<vmem>>
    %dma_start3A_355 = arith.constant 0 : i32
    %dma_start3A_356 = tpu.memref_slice %arg5[%multiple_of3A_336, %dma_start3A_355] : memref<1000000x64xf32, #tpu.memory_space<hbm>> -> memref<8x64xf32, #tpu.memory_space<hbm>>
    tpu.enqueue_dma source(%dma_start3A_356 : memref<8x64xf32, #tpu.memory_space<hbm>>) target(%dma_start3A_354 : memref<8x64xf32, #tpu.memory_space<vmem>>) target_semaphore(%arg22 : memref<!tpu.dma_semaphore, #tpu.memory_space<semaphore_mem>>)
    %slice3A_357 = vector.extract_strided_slice %mul3A_14 {offsets = [13], sizes = [1], strides = [1]} : vector<16xi32> to vector<1xi32>
    %squeeze3A_358 = vector.extract %slice3A_357[0] : i32 from vector<1xi32>
    %multiple_of3A_359 = tpu.assume_multiple %squeeze3A_358, 8 : i32
    %slice3A_360 = vector.extract_strided_slice %mul3A_22 {offsets = [13], sizes = [1], strides = [1]} : vector<16xi32> to vector<1xi32>
    %squeeze3A_361 = vector.extract %slice3A_360[0] : i32 from vector<1xi32>
    %multiple_of3A_362 = tpu.assume_multiple %squeeze3A_361, 8 : i32
    %dma_start3A_363 = arith.constant 104 : i32
    %dma_start3A_364 = arith.constant 0 : i32
    %dma_start3A_365 = tpu.memref_slice %arg13[%dma_start3A_363, %dma_start3A_364] : memref<128x64xf32, #tpu.memory_space<vmem>> -> memref<8x64xf32, #tpu.memory_space<vmem>>
    %dma_start3A_366 = arith.constant 0 : i32
    %dma_start3A_367 = tpu.memref_slice %arg5[%multiple_of3A_359, %dma_start3A_366] : memref<1000000x64xf32, #tpu.memory_space<hbm>> -> memref<8x64xf32, #tpu.memory_space<hbm>>
    %dma_start3A_368 = arith.constant 104 : i32
    %dma_start3A_369 = arith.constant 0 : i32
    %dma_start3A_370 = tpu.memref_slice %arg13[%dma_start3A_368, %dma_start3A_369] : memref<128x64xf32, #tpu.memory_space<vmem>> -> memref<8x64xf32, #tpu.memory_space<vmem>>
    %dma_start3A_371 = arith.constant 0 : i32
    %dma_start3A_372 = tpu.memref_slice %arg5[%multiple_of3A_359, %dma_start3A_371] : memref<1000000x64xf32, #tpu.memory_space<hbm>> -> memref<8x64xf32, #tpu.memory_space<hbm>>
    tpu.enqueue_dma source(%dma_start3A_372 : memref<8x64xf32, #tpu.memory_space<hbm>>) target(%dma_start3A_370 : memref<8x64xf32, #tpu.memory_space<vmem>>) target_semaphore(%arg22 : memref<!tpu.dma_semaphore, #tpu.memory_space<semaphore_mem>>)
    %dma_start3A_373 = arith.constant 104 : i32
    %dma_start3A_374 = arith.constant 0 : i32
    %dma_start3A_375 = tpu.memref_slice %arg14[%dma_start3A_373, %dma_start3A_374] : memref<128x64xf32, #tpu.memory_space<vmem>> -> memref<8x64xf32, #tpu.memory_space<vmem>>
    %dma_start3A_376 = arith.constant 0 : i32
    %dma_start3A_377 = tpu.memref_slice %arg5[%multiple_of3A_362, %dma_start3A_376] : memref<1000000x64xf32, #tpu.memory_space<hbm>> -> memref<8x64xf32, #tpu.memory_space<hbm>>
    %dma_start3A_378 = arith.constant 104 : i32
    %dma_start3A_379 = arith.constant 0 : i32
    %dma_start3A_380 = tpu.memref_slice %arg14[%dma_start3A_378, %dma_start3A_379] : memref<128x64xf32, #tpu.memory_space<vmem>> -> memref<8x64xf32, #tpu.memory_space<vmem>>
    %dma_start3A_381 = arith.constant 0 : i32
    %dma_start3A_382 = tpu.memref_slice %arg5[%multiple_of3A_362, %dma_start3A_381] : memref<1000000x64xf32, #tpu.memory_space<hbm>> -> memref<8x64xf32, #tpu.memory_space<hbm>>
    tpu.enqueue_dma source(%dma_start3A_382 : memref<8x64xf32, #tpu.memory_space<hbm>>) target(%dma_start3A_380 : memref<8x64xf32, #tpu.memory_space<vmem>>) target_semaphore(%arg22 : memref<!tpu.dma_semaphore, #tpu.memory_space<semaphore_mem>>)
    %slice3A_383 = vector.extract_strided_slice %mul3A_14 {offsets = [14], sizes = [1], strides = [1]} : vector<16xi32> to vector<1xi32>
    %squeeze3A_384 = vector.extract %slice3A_383[0] : i32 from vector<1xi32>
    %multiple_of3A_385 = tpu.assume_multiple %squeeze3A_384, 8 : i32
    %slice3A_386 = vector.extract_strided_slice %mul3A_22 {offsets = [14], sizes = [1], strides = [1]} : vector<16xi32> to vector<1xi32>
    %squeeze3A_387 = vector.extract %slice3A_386[0] : i32 from vector<1xi32>
    %multiple_of3A_388 = tpu.assume_multiple %squeeze3A_387, 8 : i32
    %dma_start3A_389 = arith.constant 112 : i32
    %dma_start3A_390 = arith.constant 0 : i32
    %dma_start3A_391 = tpu.memref_slice %arg13[%dma_start3A_389, %dma_start3A_390] : memref<128x64xf32, #tpu.memory_space<vmem>> -> memref<8x64xf32, #tpu.memory_space<vmem>>
    %dma_start3A_392 = arith.constant 0 : i32
    %dma_start3A_393 = tpu.memref_slice %arg5[%multiple_of3A_385, %dma_start3A_392] : memref<1000000x64xf32, #tpu.memory_space<hbm>> -> memref<8x64xf32, #tpu.memory_space<hbm>>
    %dma_start3A_394 = arith.constant 112 : i32
    %dma_start3A_395 = arith.constant 0 : i32
    %dma_start3A_396 = tpu.memref_slice %arg13[%dma_start3A_394, %dma_start3A_395] : memref<128x64xf32, #tpu.memory_space<vmem>> -> memref<8x64xf32, #tpu.memory_space<vmem>>
    %dma_start3A_397 = arith.constant 0 : i32
    %dma_start3A_398 = tpu.memref_slice %arg5[%multiple_of3A_385, %dma_start3A_397] : memref<1000000x64xf32, #tpu.memory_space<hbm>> -> memref<8x64xf32, #tpu.memory_space<hbm>>
    tpu.enqueue_dma source(%dma_start3A_398 : memref<8x64xf32, #tpu.memory_space<hbm>>) target(%dma_start3A_396 : memref<8x64xf32, #tpu.memory_space<vmem>>) target_semaphore(%arg22 : memref<!tpu.dma_semaphore, #tpu.memory_space<semaphore_mem>>)
    %dma_start3A_399 = arith.constant 112 : i32
    %dma_start3A_400 = arith.constant 0 : i32
    %dma_start3A_401 = tpu.memref_slice %arg14[%dma_start3A_399, %dma_start3A_400] : memref<128x64xf32, #tpu.memory_space<vmem>> -> memref<8x64xf32, #tpu.memory_space<vmem>>
    %dma_start3A_402 = arith.constant 0 : i32
    %dma_start3A_403 = tpu.memref_slice %arg5[%multiple_of3A_388, %dma_start3A_402] : memref<1000000x64xf32, #tpu.memory_space<hbm>> -> memref<8x64xf32, #tpu.memory_space<hbm>>
    %dma_start3A_404 = arith.constant 112 : i32
    %dma_start3A_405 = arith.constant 0 : i32
    %dma_start3A_406 = tpu.memref_slice %arg14[%dma_start3A_404, %dma_start3A_405] : memref<128x64xf32, #tpu.memory_space<vmem>> -> memref<8x64xf32, #tpu.memory_space<vmem>>
    %dma_start3A_407 = arith.constant 0 : i32
    %dma_start3A_408 = tpu.memref_slice %arg5[%multiple_of3A_388, %dma_start3A_407] : memref<1000000x64xf32, #tpu.memory_space<hbm>> -> memref<8x64xf32, #tpu.memory_space<hbm>>
    tpu.enqueue_dma source(%dma_start3A_408 : memref<8x64xf32, #tpu.memory_space<hbm>>) target(%dma_start3A_406 : memref<8x64xf32, #tpu.memory_space<vmem>>) target_semaphore(%arg22 : memref<!tpu.dma_semaphore, #tpu.memory_space<semaphore_mem>>)
    %slice3A_409 = vector.extract_strided_slice %mul3A_14 {offsets = [15], sizes = [1], strides = [1]} : vector<16xi32> to vector<1xi32>
    %squeeze3A_410 = vector.extract %slice3A_409[0] : i32 from vector<1xi32>
    %multiple_of3A_411 = tpu.assume_multiple %squeeze3A_410, 8 : i32
    %slice3A_412 = vector.extract_strided_slice %mul3A_22 {offsets = [15], sizes = [1], strides = [1]} : vector<16xi32> to vector<1xi32>
    %squeeze3A_413 = vector.extract %slice3A_412[0] : i32 from vector<1xi32>
    %multiple_of3A_414 = tpu.assume_multiple %squeeze3A_413, 8 : i32
    %dma_start3A_415 = arith.constant 120 : i32
    %dma_start3A_416 = arith.constant 0 : i32
    %dma_start3A_417 = tpu.memref_slice %arg13[%dma_start3A_415, %dma_start3A_416] : memref<128x64xf32, #tpu.memory_space<vmem>> -> memref<8x64xf32, #tpu.memory_space<vmem>>
    %dma_start3A_418 = arith.constant 0 : i32
    %dma_start3A_419 = tpu.memref_slice %arg5[%multiple_of3A_411, %dma_start3A_418] : memref<1000000x64xf32, #tpu.memory_space<hbm>> -> memref<8x64xf32, #tpu.memory_space<hbm>>
    %dma_start3A_420 = arith.constant 120 : i32
    %dma_start3A_421 = arith.constant 0 : i32
    %dma_start3A_422 = tpu.memref_slice %arg13[%dma_start3A_420, %dma_start3A_421] : memref<128x64xf32, #tpu.memory_space<vmem>> -> memref<8x64xf32, #tpu.memory_space<vmem>>
    %dma_start3A_423 = arith.constant 0 : i32
    %dma_start3A_424 = tpu.memref_slice %arg5[%multiple_of3A_411, %dma_start3A_423] : memref<1000000x64xf32, #tpu.memory_space<hbm>> -> memref<8x64xf32, #tpu.memory_space<hbm>>
    tpu.enqueue_dma source(%dma_start3A_424 : memref<8x64xf32, #tpu.memory_space<hbm>>) target(%dma_start3A_422 : memref<8x64xf32, #tpu.memory_space<vmem>>) target_semaphore(%arg22 : memref<!tpu.dma_semaphore, #tpu.memory_space<semaphore_mem>>)
    %dma_start3A_425 = arith.constant 120 : i32
    %dma_start3A_426 = arith.constant 0 : i32
    %dma_start3A_427 = tpu.memref_slice %arg14[%dma_start3A_425, %dma_start3A_426] : memref<128x64xf32, #tpu.memory_space<vmem>> -> memref<8x64xf32, #tpu.memory_space<vmem>>
    %dma_start3A_428 = arith.constant 0 : i32
    %dma_start3A_429 = tpu.memref_slice %arg5[%multiple_of3A_414, %dma_start3A_428] : memref<1000000x64xf32, #tpu.memory_space<hbm>> -> memref<8x64xf32, #tpu.memory_space<hbm>>
    %dma_start3A_430 = arith.constant 120 : i32
    %dma_start3A_431 = arith.constant 0 : i32
    %dma_start3A_432 = tpu.memref_slice %arg14[%dma_start3A_430, %dma_start3A_431] : memref<128x64xf32, #tpu.memory_space<vmem>> -> memref<8x64xf32, #tpu.memory_space<vmem>>
    %dma_start3A_433 = arith.constant 0 : i32
    %dma_start3A_434 = tpu.memref_slice %arg5[%multiple_of3A_414, %dma_start3A_433] : memref<1000000x64xf32, #tpu.memory_space<hbm>> -> memref<8x64xf32, #tpu.memory_space<hbm>>
    tpu.enqueue_dma source(%dma_start3A_434 : memref<8x64xf32, #tpu.memory_space<hbm>>) target(%dma_start3A_432 : memref<8x64xf32, #tpu.memory_space<vmem>>) target_semaphore(%arg22 : memref<!tpu.dma_semaphore, #tpu.memory_space<semaphore_mem>>)
    %dma_start3A_435 = arith.constant 0 : i32
    %dma_start3A_436 = tpu.memref_slice %arg12[%dma_start3A_435] : memref<512xi32, #tpu.memory_space<vmem>> -> memref<16xi32, #tpu.memory_space<vmem>>
    %dma_start3A_437 = arith.constant 0 : i32
    %dma_start3A_438 = arith.constant 0 : i32
    %dma_start3A_439 = tpu.memref_slice %arg6[%dma_start3A_437, %dma_start3A_438] : memref<500x128xf32, #tpu.memory_space<hbm>> -> memref<500x128xf32, #tpu.memory_space<hbm>>
    tpu.enqueue_indirect_dma source(%dma_start3A_439 : memref<500x128xf32, #tpu.memory_space<hbm>>) target(%arg17 : memref<16x128xf32, #tpu.memory_space<vmem>>) offsets(%dma_start3A_436 : memref<16xi32, #tpu.memory_space<vmem>>) semaphore(%arg22 : memref<!tpu.dma_semaphore, #tpu.memory_space<semaphore_mem>>)
    %dma_start3A_440 = arith.constant 0 : i32
    %dma_start3A_441 = tpu.memref_slice %arg12[%dma_start3A_440] : memref<512xi32, #tpu.memory_space<vmem>> -> memref<16xi32, #tpu.memory_space<vmem>>
    %dma_start3A_442 = arith.constant 0 : i32
    %dma_start3A_443 = arith.constant 0 : i32
    %dma_start3A_444 = tpu.memref_slice %arg7[%dma_start3A_442, %dma_start3A_443] : memref<500x128xf32, #tpu.memory_space<hbm>> -> memref<500x128xf32, #tpu.memory_space<hbm>>
    tpu.enqueue_indirect_dma source(%dma_start3A_444 : memref<500x128xf32, #tpu.memory_space<hbm>>) target(%arg18 : memref<16x128xf32, #tpu.memory_space<vmem>>) offsets(%dma_start3A_441 : memref<16xi32, #tpu.memory_space<vmem>>) semaphore(%arg22 : memref<!tpu.dma_semaphore, #tpu.memory_space<semaphore_mem>>)
    %scan3A_445 = arith.constant 0 : i32
    %scan3A_446 = arith.constant 0 : i32
    %scan3A_447 = arith.constant 16 : i32
    %scan3A_448 = arith.addi %scan3A_446, %scan3A_447 : i32
    %scan3A_449 = arith.constant 1 : i32
    %scan3A_450 = scf.for %scan3A_475 = %scan3A_446 to %scan3A_448 step %scan3A_449 iter_args(%scan3A_476 = %scan3A_445) -> (i32)  : i32 {
      %mul3A_477 = arith.constant 2 : i32
      %mul3A_478 = arith.muli %mul3A_477, %scan3A_475 : i32
      %mul3A_479 = arith.constant 2 : i32
      %mul3A_480 = arith.muli %mul3A_479, %scan3A_475 : i32
      %add3A_481 = arith.constant 1 : i32
      %add3A_482 = arith.addi %mul3A_480, %add3A_481 : i32
      %mul3A_483 = arith.constant 16 : i32
      %mul3A_484 = arith.muli %add3A_482, %mul3A_483 : i32
      %get3A_485 = arith.index_cast %mul3A_484 : i32 to index
      %get3A_486 = tpu.vector_load %arg9[%get3A_485] {strides = array<i32>} : memref<512xi32, #tpu.memory_space<vmem>>, vector<16xi32>,
      %shift_right_arithmetic3A_487 = arith.constant 3 : i32
      %shift_right_arithmetic3A_488 = vector.broadcast %shift_right_arithmetic3A_487 : i32 to vector<16xi32>
      %shift_right_arithmetic3A_489 = arith.shrsi %get3A_486, %shift_right_arithmetic3A_488 : vector<16xi32>
      %mul3A_490 = arith.constant 8 : i32
      %mul3A_491 = vector.broadcast %mul3A_490 : i32 to vector<16xi32>
      %mul3A_492 = arith.muli %shift_right_arithmetic3A_489, %mul3A_491 : vector<16xi32>
      %get3A_493 = arith.index_cast %mul3A_484 : i32 to index
      %get3A_494 = tpu.vector_load %arg10[%get3A_493] {strides = array<i32>} : memref<512xi32, #tpu.memory_space<vmem>>, vector<16xi32>,
      %shift_right_arithmetic3A_495 = arith.constant 3 : i32
      %shift_right_arithmetic3A_496 = vector.broadcast %shift_right_arithmetic3A_495 : i32 to vector<16xi32>
      %shift_right_arithmetic3A_497 = arith.shrsi %get3A_494, %shift_right_arithmetic3A_496 : vector<16xi32>
      %mul3A_498 = arith.constant 8 : i32
      %mul3A_499 = vector.broadcast %mul3A_498 : i32 to vector<16xi32>
      %mul3A_500 = arith.muli %shift_right_arithmetic3A_497, %mul3A_499 : vector<16xi32>
      %slice3A_501 = vector.extract_strided_slice %mul3A_492 {offsets = [0], sizes = [1], strides = [1]} : vector<16xi32> to vector<1xi32>
      %squeeze3A_502 = vector.extract %slice3A_501[0] : i32 from vector<1xi32>
      %multiple_of3A_503 = tpu.assume_multiple %squeeze3A_502, 8 : i32
      %slice3A_504 = vector.extract_strided_slice %mul3A_500 {offsets = [0], sizes = [1], strides = [1]} : vector<16xi32> to vector<1xi32>
      %squeeze3A_505 = vector.extract %slice3A_504[0] : i32 from vector<1xi32>
      %multiple_of3A_506 = tpu.assume_multiple %squeeze3A_505, 8 : i32
      %dma_start3A_507 = arith.constant 0 : i32
      %dma_start3A_508 = arith.constant 0 : i32
      %dma_start3A_509 = tpu.memref_slice %arg15[%dma_start3A_507, %dma_start3A_508] : memref<128x64xf32, #tpu.memory_space<vmem>> -> memref<8x64xf32, #tpu.memory_space<vmem>>
      %dma_start3A_510 = arith.constant 0 : i32
      %dma_start3A_511 = tpu.memref_slice %arg5[%multiple_of3A_503, %dma_start3A_510] : memref<1000000x64xf32, #tpu.memory_space<hbm>> -> memref<8x64xf32, #tpu.memory_space<hbm>>
      %dma_start3A_512 = arith.constant 0 : i32
      %dma_start3A_513 = arith.constant 0 : i32
      %dma_start3A_514 = tpu.memref_slice %arg15[%dma_start3A_512, %dma_start3A_513] : memref<128x64xf32, #tpu.memory_space<vmem>> -> memref<8x64xf32, #tpu.memory_space<vmem>>
      %dma_start3A_515 = arith.constant 0 : i32
      %dma_start3A_516 = tpu.memref_slice %arg5[%multiple_of3A_503, %dma_start3A_515] : memref<1000000x64xf32, #tpu.memory_space<hbm>> -> memref<8x64xf32, #tpu.memory_space<hbm>>
      tpu.enqueue_dma source(%dma_start3A_516 : memref<8x64xf32, #tpu.memory_space<hbm>>) target(%dma_start3A_514 : memref<8x64xf32, #tpu.memory_space<vmem>>) target_semaphore(%arg23 : memref<!tpu.dma_semaphore, #tpu.memory_space<semaphore_mem>>)
      %dma_start3A_517 = arith.constant 0 : i32
      %dma_start3A_518 = arith.constant 0 : i32
      %dma_start3A_519 = tpu.memref_slice %arg16[%dma_start3A_517, %dma_start3A_518] : memref<128x64xf32, #tpu.memory_space<vmem>> -> memref<8x64xf32, #tpu.memory_space<vmem>>
      %dma_start3A_520 = arith.constant 0 : i32
      %dma_start3A_521 = tpu.memref_slice %arg5[%multiple_of3A_506, %dma_start3A_520] : memref<1000000x64xf32, #tpu.memory_space<hbm>> -> memref<8x64xf32, #tpu.memory_space<hbm>>
      %dma_start3A_522 = arith.constant 0 : i32
      %dma_start3A_523 = arith.constant 0 : i32
      %dma_start3A_524 = tpu.memref_slice %arg16[%dma_start3A_522, %dma_start3A_523] : memref<128x64xf32, #tpu.memory_space<vmem>> -> memref<8x64xf32, #tpu.memory_space<vmem>>
      %dma_start3A_525 = arith.constant 0 : i32
      %dma_start3A_526 = tpu.memref_slice %arg5[%multiple_of3A_506, %dma_start3A_525] : memref<1000000x64xf32, #tpu.memory_space<hbm>> -> memref<8x64xf32, #tpu.memory_space<hbm>>
      tpu.enqueue_dma source(%dma_start3A_526 : memref<8x64xf32, #tpu.memory_space<hbm>>) target(%dma_start3A_524 : memref<8x64xf32, #tpu.memory_space<vmem>>) target_semaphore(%arg23 : memref<!tpu.dma_semaphore, #tpu.memory_space<semaphore_mem>>)
      %slice3A_527 = vector.extract_strided_slice %mul3A_492 {offsets = [1], sizes = [1], strides = [1]} : vector<16xi32> to vector<1xi32>
      %squeeze3A_528 = vector.extract %slice3A_527[0] : i32 from vector<1xi32>
      %multiple_of3A_529 = tpu.assume_multiple %squeeze3A_528, 8 : i32
      %slice3A_530 = vector.extract_strided_slice %mul3A_500 {offsets = [1], sizes = [1], strides = [1]} : vector<16xi32> to vector<1xi32>
      %squeeze3A_531 = vector.extract %slice3A_530[0] : i32 from vector<1xi32>
      %multiple_of3A_532 = tpu.assume_multiple %squeeze3A_531, 8 : i32
      %dma_start3A_533 = arith.constant 8 : i32
      %dma_start3A_534 = arith.constant 0 : i32
      %dma_start3A_535 = tpu.memref_slice %arg15[%dma_start3A_533, %dma_start3A_534] : memref<128x64xf32, #tpu.memory_space<vmem>> -> memref<8x64xf32, #tpu.memory_space<vmem>>
      %dma_start3A_536 = arith.constant 0 : i32
      %dma_start3A_537 = tpu.memref_slice %arg5[%multiple_of3A_529, %dma_start3A_536] : memref<1000000x64xf32, #tpu.memory_space<hbm>> -> memref<8x64xf32, #tpu.memory_space<hbm>>
      %dma_start3A_538 = arith.constant 8 : i32
      %dma_start3A_539 = arith.constant 0 : i32
      %dma_start3A_540 = tpu.memref_slice %arg15[%dma_start3A_538, %dma_start3A_539] : memref<128x64xf32, #tpu.memory_space<vmem>> -> memref<8x64xf32, #tpu.memory_space<vmem>>
      %dma_start3A_541 = arith.constant 0 : i32
      %dma_start3A_542 = tpu.memref_slice %arg5[%multiple_of3A_529, %dma_start3A_541] : memref<1000000x64xf32, #tpu.memory_space<hbm>> -> memref<8x64xf32, #tpu.memory_space<hbm>>
      tpu.enqueue_dma source(%dma_start3A_542 : memref<8x64xf32, #tpu.memory_space<hbm>>) target(%dma_start3A_540 : memref<8x64xf32, #tpu.memory_space<vmem>>) target_semaphore(%arg23 : memref<!tpu.dma_semaphore, #tpu.memory_space<semaphore_mem>>)
      %dma_start3A_543 = arith.constant 8 : i32
      %dma_start3A_544 = arith.constant 0 : i32
      %dma_start3A_545 = tpu.memref_slice %arg16[%dma_start3A_543, %dma_start3A_544] : memref<128x64xf32, #tpu.memory_space<vmem>> -> memref<8x64xf32, #tpu.memory_space<vmem>>
      %dma_start3A_546 = arith.constant 0 : i32
      %dma_start3A_547 = tpu.memref_slice %arg5[%multiple_of3A_532, %dma_start3A_546] : memref<1000000x64xf32, #tpu.memory_space<hbm>> -> memref<8x64xf32, #tpu.memory_space<hbm>>
      %dma_start3A_548 = arith.constant 8 : i32
      %dma_start3A_549 = arith.constant 0 : i32
      %dma_start3A_550 = tpu.memref_slice %arg16[%dma_start3A_548, %dma_start3A_549] : memref<128x64xf32, #tpu.memory_space<vmem>> -> memref<8x64xf32, #tpu.memory_space<vmem>>
      %dma_start3A_551 = arith.constant 0 : i32
      %dma_start3A_552 = tpu.memref_slice %arg5[%multiple_of3A_532, %dma_start3A_551] : memref<1000000x64xf32, #tpu.memory_space<hbm>> -> memref<8x64xf32, #tpu.memory_space<hbm>>
      tpu.enqueue_dma source(%dma_start3A_552 : memref<8x64xf32, #tpu.memory_space<hbm>>) target(%dma_start3A_550 : memref<8x64xf32, #tpu.memory_space<vmem>>) target_semaphore(%arg23 : memref<!tpu.dma_semaphore, #tpu.memory_space<semaphore_mem>>)
      %slice3A_553 = vector.extract_strided_slice %mul3A_492 {offsets = [2], sizes = [1], strides = [1]} : vector<16xi32> to vector<1xi32>
      %squeeze3A_554 = vector.extract %slice3A_553[0] : i32 from vector<1xi32>
      %multiple_of3A_555 = tpu.assume_multiple %squeeze3A_554, 8 : i32
      %slice3A_556 = vector.extract_strided_slice %mul3A_500 {offsets = [2], sizes = [1], strides = [1]} : vector<16xi32> to vector<1xi32>
      %squeeze3A_557 = vector.extract %slice3A_556[0] : i32 from vector<1xi32>
      %multiple_of3A_558 = tpu.assume_multiple %squeeze3A_557, 8 : i32
      %dma_start3A_559 = arith.constant 16 : i32
      %dma_start3A_560 = arith.constant 0 : i32
      %dma_start3A_561 = tpu.memref_slice %arg15[%dma_start3A_559, %dma_start3A_560] : memref<128x64xf32, #tpu.memory_space<vmem>> -> memref<8x64xf32, #tpu.memory_space<vmem>>
      %dma_start3A_562 = arith.constant 0 : i32
      %dma_start3A_563 = tpu.memref_slice %arg5[%multiple_of3A_555, %dma_start3A_562] : memref<1000000x64xf32, #tpu.memory_space<hbm>> -> memref<8x64xf32, #tpu.memory_space<hbm>>
      %dma_start3A_564 = arith.constant 16 : i32
      %dma_start3A_565 = arith.constant 0 : i32
      %dma_start3A_566 = tpu.memref_slice %arg15[%dma_start3A_564, %dma_start3A_565] : memref<128x64xf32, #tpu.memory_space<vmem>> -> memref<8x64xf32, #tpu.memory_space<vmem>>
      %dma_start3A_567 = arith.constant 0 : i32
      %dma_start3A_568 = tpu.memref_slice %arg5[%multiple_of3A_555, %dma_start3A_567] : memref<1000000x64xf32, #tpu.memory_space<hbm>> -> memref<8x64xf32, #tpu.memory_space<hbm>>
      tpu.enqueue_dma source(%dma_start3A_568 : memref<8x64xf32, #tpu.memory_space<hbm>>) target(%dma_start3A_566 : memref<8x64xf32, #tpu.memory_space<vmem>>) target_semaphore(%arg23 : memref<!tpu.dma_semaphore, #tpu.memory_space<semaphore_mem>>)
      %dma_start3A_569 = arith.constant 16 : i32
      %dma_start3A_570 = arith.constant 0 : i32
      %dma_start3A_571 = tpu.memref_slice %arg16[%dma_start3A_569, %dma_start3A_570] : memref<128x64xf32, #tpu.memory_space<vmem>> -> memref<8x64xf32, #tpu.memory_space<vmem>>
      %dma_start3A_572 = arith.constant 0 : i32
      %dma_start3A_573 = tpu.memref_slice %arg5[%multiple_of3A_558, %dma_start3A_572] : memref<1000000x64xf32, #tpu.memory_space<hbm>> -> memref<8x64xf32, #tpu.memory_space<hbm>>
      %dma_start3A_574 = arith.constant 16 : i32
      %dma_start3A_575 = arith.constant 0 : i32
      %dma_start3A_576 = tpu.memref_slice %arg16[%dma_start3A_574, %dma_start3A_575] : memref<128x64xf32, #tpu.memory_space<vmem>> -> memref<8x64xf32, #tpu.memory_space<vmem>>
      %dma_start3A_577 = arith.constant 0 : i32
      %dma_start3A_578 = tpu.memref_slice %arg5[%multiple_of3A_558, %dma_start3A_577] : memref<1000000x64xf32, #tpu.memory_space<hbm>> -> memref<8x64xf32, #tpu.memory_space<hbm>>
      tpu.enqueue_dma source(%dma_start3A_578 : memref<8x64xf32, #tpu.memory_space<hbm>>) target(%dma_start3A_576 : memref<8x64xf32, #tpu.memory_space<vmem>>) target_semaphore(%arg23 : memref<!tpu.dma_semaphore, #tpu.memory_space<semaphore_mem>>)
      %slice3A_579 = vector.extract_strided_slice %mul3A_492 {offsets = [3], sizes = [1], strides = [1]} : vector<16xi32> to vector<1xi32>
      %squeeze3A_580 = vector.extract %slice3A_579[0] : i32 from vector<1xi32>
      %multiple_of3A_581 = tpu.assume_multiple %squeeze3A_580, 8 : i32
      %slice3A_582 = vector.extract_strided_slice %mul3A_500 {offsets = [3], sizes = [1], strides = [1]} : vector<16xi32> to vector<1xi32>
      %squeeze3A_583 = vector.extract %slice3A_582[0] : i32 from vector<1xi32>
      %multiple_of3A_584 = tpu.assume_multiple %squeeze3A_583, 8 : i32
      %dma_start3A_585 = arith.constant 24 : i32
      %dma_start3A_586 = arith.constant 0 : i32
      %dma_start3A_587 = tpu.memref_slice %arg15[%dma_start3A_585, %dma_start3A_586] : memref<128x64xf32, #tpu.memory_space<vmem>> -> memref<8x64xf32, #tpu.memory_space<vmem>>
      %dma_start3A_588 = arith.constant 0 : i32
      %dma_start3A_589 = tpu.memref_slice %arg5[%multiple_of3A_581, %dma_start3A_588] : memref<1000000x64xf32, #tpu.memory_space<hbm>> -> memref<8x64xf32, #tpu.memory_space<hbm>>
      %dma_start3A_590 = arith.constant 24 : i32
      %dma_start3A_591 = arith.constant 0 : i32
      %dma_start3A_592 = tpu.memref_slice %arg15[%dma_start3A_590, %dma_start3A_591] : memref<128x64xf32, #tpu.memory_space<vmem>> -> memref<8x64xf32, #tpu.memory_space<vmem>>
      %dma_start3A_593 = arith.constant 0 : i32
      %dma_start3A_594 = tpu.memref_slice %arg5[%multiple_of3A_581, %dma_start3A_593] : memref<1000000x64xf32, #tpu.memory_space<hbm>> -> memref<8x64xf32, #tpu.memory_space<hbm>>
      tpu.enqueue_dma source(%dma_start3A_594 : memref<8x64xf32, #tpu.memory_space<hbm>>) target(%dma_start3A_592 : memref<8x64xf32, #tpu.memory_space<vmem>>) target_semaphore(%arg23 : memref<!tpu.dma_semaphore, #tpu.memory_space<semaphore_mem>>)
      %dma_start3A_595 = arith.constant 24 : i32
      %dma_start3A_596 = arith.constant 0 : i32
      %dma_start3A_597 = tpu.memref_slice %arg16[%dma_start3A_595, %dma_start3A_596] : memref<128x64xf32, #tpu.memory_space<vmem>> -> memref<8x64xf32, #tpu.memory_space<vmem>>
      %dma_start3A_598 = arith.constant 0 : i32
      %dma_start3A_599 = tpu.memref_slice %arg5[%multiple_of3A_584, %dma_start3A_598] : memref<1000000x64xf32, #tpu.memory_space<hbm>> -> memref<8x64xf32, #tpu.memory_space<hbm>>
      %dma_start3A_600 = arith.constant 24 : i32
      %dma_start3A_601 = arith.constant 0 : i32
      %dma_start3A_602 = tpu.memref_slice %arg16[%dma_start3A_600, %dma_start3A_601] : memref<128x64xf32, #tpu.memory_space<vmem>> -> memref<8x64xf32, #tpu.memory_space<vmem>>
      %dma_start3A_603 = arith.constant 0 : i32
      %dma_start3A_604 = tpu.memref_slice %arg5[%multiple_of3A_584, %dma_start3A_603] : memref<1000000x64xf32, #tpu.memory_space<hbm>> -> memref<8x64xf32, #tpu.memory_space<hbm>>
      tpu.enqueue_dma source(%dma_start3A_604 : memref<8x64xf32, #tpu.memory_space<hbm>>) target(%dma_start3A_602 : memref<8x64xf32, #tpu.memory_space<vmem>>) target_semaphore(%arg23 : memref<!tpu.dma_semaphore, #tpu.memory_space<semaphore_mem>>)
      %slice3A_605 = vector.extract_strided_slice %mul3A_492 {offsets = [4], sizes = [1], strides = [1]} : vector<16xi32> to vector<1xi32>
      %squeeze3A_606 = vector.extract %slice3A_605[0] : i32 from vector<1xi32>
      %multiple_of3A_607 = tpu.assume_multiple %squeeze3A_606, 8 : i32
      %slice3A_608 = vector.extract_strided_slice %mul3A_500 {offsets = [4], sizes = [1], strides = [1]} : vector<16xi32> to vector<1xi32>
      %squeeze3A_609 = vector.extract %slice3A_608[0] : i32 from vector<1xi32>
      %multiple_of3A_610 = tpu.assume_multiple %squeeze3A_609, 8 : i32
      %dma_start3A_611 = arith.constant 32 : i32
      %dma_start3A_612 = arith.constant 0 : i32
      %dma_start3A_613 = tpu.memref_slice %arg15[%dma_start3A_611, %dma_start3A_612] : memref<128x64xf32, #tpu.memory_space<vmem>> -> memref<8x64xf32, #tpu.memory_space<vmem>>
      %dma_start3A_614 = arith.constant 0 : i32
      %dma_start3A_615 = tpu.memref_slice %arg5[%multiple_of3A_607, %dma_start3A_614] : memref<1000000x64xf32, #tpu.memory_space<hbm>> -> memref<8x64xf32, #tpu.memory_space<hbm>>
      %dma_start3A_616 = arith.constant 32 : i32
      %dma_start3A_617 = arith.constant 0 : i32
      %dma_start3A_618 = tpu.memref_slice %arg15[%dma_start3A_616, %dma_start3A_617] : memref<128x64xf32, #tpu.memory_space<vmem>> -> memref<8x64xf32, #tpu.memory_space<vmem>>
      %dma_start3A_619 = arith.constant 0 : i32
      %dma_start3A_620 = tpu.memref_slice %arg5[%multiple_of3A_607, %dma_start3A_619] : memref<1000000x64xf32, #tpu.memory_space<hbm>> -> memref<8x64xf32, #tpu.memory_space<hbm>>
      tpu.enqueue_dma source(%dma_start3A_620 : memref<8x64xf32, #tpu.memory_space<hbm>>) target(%dma_start3A_618 : memref<8x64xf32, #tpu.memory_space<vmem>>) target_semaphore(%arg23 : memref<!tpu.dma_semaphore, #tpu.memory_space<semaphore_mem>>)
      %dma_start3A_621 = arith.constant 32 : i32
      %dma_start3A_622 = arith.constant 0 : i32
      %dma_start3A_623 = tpu.memref_slice %arg16[%dma_start3A_621, %dma_start3A_622] : memref<128x64xf32, #tpu.memory_space<vmem>> -> memref<8x64xf32, #tpu.memory_space<vmem>>
      %dma_start3A_624 = arith.constant 0 : i32
      %dma_start3A_625 = tpu.memref_slice %arg5[%multiple_of3A_610, %dma_start3A_624] : memref<1000000x64xf32, #tpu.memory_space<hbm>> -> memref<8x64xf32, #tpu.memory_space<hbm>>
      %dma_start3A_626 = arith.constant 32 : i32
      %dma_start3A_627 = arith.constant 0 : i32
      %dma_start3A_628 = tpu.memref_slice %arg16[%dma_start3A_626, %dma_start3A_627] : memref<128x64xf32, #tpu.memory_space<vmem>> -> memref<8x64xf32, #tpu.memory_space<vmem>>
      %dma_start3A_629 = arith.constant 0 : i32
      %dma_start3A_630 = tpu.memref_slice %arg5[%multiple_of3A_610, %dma_start3A_629] : memref<1000000x64xf32, #tpu.memory_space<hbm>> -> memref<8x64xf32, #tpu.memory_space<hbm>>
      tpu.enqueue_dma source(%dma_start3A_630 : memref<8x64xf32, #tpu.memory_space<hbm>>) target(%dma_start3A_628 : memref<8x64xf32, #tpu.memory_space<vmem>>) target_semaphore(%arg23 : memref<!tpu.dma_semaphore, #tpu.memory_space<semaphore_mem>>)
      %slice3A_631 = vector.extract_strided_slice %mul3A_492 {offsets = [5], sizes = [1], strides = [1]} : vector<16xi32> to vector<1xi32>
      %squeeze3A_632 = vector.extract %slice3A_631[0] : i32 from vector<1xi32>
      %multiple_of3A_633 = tpu.assume_multiple %squeeze3A_632, 8 : i32
      %slice3A_634 = vector.extract_strided_slice %mul3A_500 {offsets = [5], sizes = [1], strides = [1]} : vector<16xi32> to vector<1xi32>
      %squeeze3A_635 = vector.extract %slice3A_634[0] : i32 from vector<1xi32>
      %multiple_of3A_636 = tpu.assume_multiple %squeeze3A_635, 8 : i32
      %dma_start3A_637 = arith.constant 40 : i32
      %dma_start3A_638 = arith.constant 0 : i32
      %dma_start3A_639 = tpu.memref_slice %arg15[%dma_start3A_637, %dma_start3A_638] : memref<128x64xf32, #tpu.memory_space<vmem>> -> memref<8x64xf32, #tpu.memory_space<vmem>>
      %dma_start3A_640 = arith.constant 0 : i32
      %dma_start3A_641 = tpu.memref_slice %arg5[%multiple_of3A_633, %dma_start3A_640] : memref<1000000x64xf32, #tpu.memory_space<hbm>> -> memref<8x64xf32, #tpu.memory_space<hbm>>
      %dma_start3A_642 = arith.constant 40 : i32
      %dma_start3A_643 = arith.constant 0 : i32
      %dma_start3A_644 = tpu.memref_slice %arg15[%dma_start3A_642, %dma_start3A_643] : memref<128x64xf32, #tpu.memory_space<vmem>> -> memref<8x64xf32, #tpu.memory_space<vmem>>
      %dma_start3A_645 = arith.constant 0 : i32
      %dma_start3A_646 = tpu.memref_slice %arg5[%multiple_of3A_633, %dma_start3A_645] : memref<1000000x64xf32, #tpu.memory_space<hbm>> -> memref<8x64xf32, #tpu.memory_space<hbm>>
      tpu.enqueue_dma source(%dma_start3A_646 : memref<8x64xf32, #tpu.memory_space<hbm>>) target(%dma_start3A_644 : memref<8x64xf32, #tpu.memory_space<vmem>>) target_semaphore(%arg23 : memref<!tpu.dma_semaphore, #tpu.memory_space<semaphore_mem>>)
      %dma_start3A_647 = arith.constant 40 : i32
      %dma_start3A_648 = arith.constant 0 : i32
      %dma_start3A_649 = tpu.memref_slice %arg16[%dma_start3A_647, %dma_start3A_648] : memref<128x64xf32, #tpu.memory_space<vmem>> -> memref<8x64xf32, #tpu.memory_space<vmem>>
      %dma_start3A_650 = arith.constant 0 : i32
      %dma_start3A_651 = tpu.memref_slice %arg5[%multiple_of3A_636, %dma_start3A_650] : memref<1000000x64xf32, #tpu.memory_space<hbm>> -> memref<8x64xf32, #tpu.memory_space<hbm>>
      %dma_start3A_652 = arith.constant 40 : i32
      %dma_start3A_653 = arith.constant 0 : i32
      %dma_start3A_654 = tpu.memref_slice %arg16[%dma_start3A_652, %dma_start3A_653] : memref<128x64xf32, #tpu.memory_space<vmem>> -> memref<8x64xf32, #tpu.memory_space<vmem>>
      %dma_start3A_655 = arith.constant 0 : i32
      %dma_start3A_656 = tpu.memref_slice %arg5[%multiple_of3A_636, %dma_start3A_655] : memref<1000000x64xf32, #tpu.memory_space<hbm>> -> memref<8x64xf32, #tpu.memory_space<hbm>>
      tpu.enqueue_dma source(%dma_start3A_656 : memref<8x64xf32, #tpu.memory_space<hbm>>) target(%dma_start3A_654 : memref<8x64xf32, #tpu.memory_space<vmem>>) target_semaphore(%arg23 : memref<!tpu.dma_semaphore, #tpu.memory_space<semaphore_mem>>)
      %slice3A_657 = vector.extract_strided_slice %mul3A_492 {offsets = [6], sizes = [1], strides = [1]} : vector<16xi32> to vector<1xi32>
      %squeeze3A_658 = vector.extract %slice3A_657[0] : i32 from vector<1xi32>
      %multiple_of3A_659 = tpu.assume_multiple %squeeze3A_658, 8 : i32
      %slice3A_660 = vector.extract_strided_slice %mul3A_500 {offsets = [6], sizes = [1], strides = [1]} : vector<16xi32> to vector<1xi32>
      %squeeze3A_661 = vector.extract %slice3A_660[0] : i32 from vector<1xi32>
      %multiple_of3A_662 = tpu.assume_multiple %squeeze3A_661, 8 : i32
      %dma_start3A_663 = arith.constant 48 : i32
      %dma_start3A_664 = arith.constant 0 : i32
      %dma_start3A_665 = tpu.memref_slice %arg15[%dma_start3A_663, %dma_start3A_664] : memref<128x64xf32, #tpu.memory_space<vmem>> -> memref<8x64xf32, #tpu.memory_space<vmem>>
      %dma_start3A_666 = arith.constant 0 : i32
      %dma_start3A_667 = tpu.memref_slice %arg5[%multiple_of3A_659, %dma_start3A_666] : memref<1000000x64xf32, #tpu.memory_space<hbm>> -> memref<8x64xf32, #tpu.memory_space<hbm>>
      %dma_start3A_668 = arith.constant 48 : i32
      %dma_start3A_669 = arith.constant 0 : i32
      %dma_start3A_670 = tpu.memref_slice %arg15[%dma_start3A_668, %dma_start3A_669] : memref<128x64xf32, #tpu.memory_space<vmem>> -> memref<8x64xf32, #tpu.memory_space<vmem>>
      %dma_start3A_671 = arith.constant 0 : i32
      %dma_start3A_672 = tpu.memref_slice %arg5[%multiple_of3A_659, %dma_start3A_671] : memref<1000000x64xf32, #tpu.memory_space<hbm>> -> memref<8x64xf32, #tpu.memory_space<hbm>>
      tpu.enqueue_dma source(%dma_start3A_672 : memref<8x64xf32, #tpu.memory_space<hbm>>) target(%dma_start3A_670 : memref<8x64xf32, #tpu.memory_space<vmem>>) target_semaphore(%arg23 : memref<!tpu.dma_semaphore, #tpu.memory_space<semaphore_mem>>)
      %dma_start3A_673 = arith.constant 48 : i32
      %dma_start3A_674 = arith.constant 0 : i32
      %dma_start3A_675 = tpu.memref_slice %arg16[%dma_start3A_673, %dma_start3A_674] : memref<128x64xf32, #tpu.memory_space<vmem>> -> memref<8x64xf32, #tpu.memory_space<vmem>>
      %dma_start3A_676 = arith.constant 0 : i32
      %dma_start3A_677 = tpu.memref_slice %arg5[%multiple_of3A_662, %dma_start3A_676] : memref<1000000x64xf32, #tpu.memory_space<hbm>> -> memref<8x64xf32, #tpu.memory_space<hbm>>
      %dma_start3A_678 = arith.constant 48 : i32
      %dma_start3A_679 = arith.constant 0 : i32
      %dma_start3A_680 = tpu.memref_slice %arg16[%dma_start3A_678, %dma_start3A_679] : memref<128x64xf32, #tpu.memory_space<vmem>> -> memref<8x64xf32, #tpu.memory_space<vmem>>
      %dma_start3A_681 = arith.constant 0 : i32
      %dma_start3A_682 = tpu.memref_slice %arg5[%multiple_of3A_662, %dma_start3A_681] : memref<1000000x64xf32, #tpu.memory_space<hbm>> -> memref<8x64xf32, #tpu.memory_space<hbm>>
      tpu.enqueue_dma source(%dma_start3A_682 : memref<8x64xf32, #tpu.memory_space<hbm>>) target(%dma_start3A_680 : memref<8x64xf32, #tpu.memory_space<vmem>>) target_semaphore(%arg23 : memref<!tpu.dma_semaphore, #tpu.memory_space<semaphore_mem>>)
      %slice3A_683 = vector.extract_strided_slice %mul3A_492 {offsets = [7], sizes = [1], strides = [1]} : vector<16xi32> to vector<1xi32>
      %squeeze3A_684 = vector.extract %slice3A_683[0] : i32 from vector<1xi32>
      %multiple_of3A_685 = tpu.assume_multiple %squeeze3A_684, 8 : i32
      %slice3A_686 = vector.extract_strided_slice %mul3A_500 {offsets = [7], sizes = [1], strides = [1]} : vector<16xi32> to vector<1xi32>
      %squeeze3A_687 = vector.extract %slice3A_686[0] : i32 from vector<1xi32>
      %multiple_of3A_688 = tpu.assume_multiple %squeeze3A_687, 8 : i32
      %dma_start3A_689 = arith.constant 56 : i32
      %dma_start3A_690 = arith.constant 0 : i32
      %dma_start3A_691 = tpu.memref_slice %arg15[%dma_start3A_689, %dma_start3A_690] : memref<128x64xf32, #tpu.memory_space<vmem>> -> memref<8x64xf32, #tpu.memory_space<vmem>>
      %dma_start3A_692 = arith.constant 0 : i32
      %dma_start3A_693 = tpu.memref_slice %arg5[%multiple_of3A_685, %dma_start3A_692] : memref<1000000x64xf32, #tpu.memory_space<hbm>> -> memref<8x64xf32, #tpu.memory_space<hbm>>
      %dma_start3A_694 = arith.constant 56 : i32
      %dma_start3A_695 = arith.constant 0 : i32
      %dma_start3A_696 = tpu.memref_slice %arg15[%dma_start3A_694, %dma_start3A_695] : memref<128x64xf32, #tpu.memory_space<vmem>> -> memref<8x64xf32, #tpu.memory_space<vmem>>
      %dma_start3A_697 = arith.constant 0 : i32
      %dma_start3A_698 = tpu.memref_slice %arg5[%multiple_of3A_685, %dma_start3A_697] : memref<1000000x64xf32, #tpu.memory_space<hbm>> -> memref<8x64xf32, #tpu.memory_space<hbm>>
      tpu.enqueue_dma source(%dma_start3A_698 : memref<8x64xf32, #tpu.memory_space<hbm>>) target(%dma_start3A_696 : memref<8x64xf32, #tpu.memory_space<vmem>>) target_semaphore(%arg23 : memref<!tpu.dma_semaphore, #tpu.memory_space<semaphore_mem>>)
      %dma_start3A_699 = arith.constant 56 : i32
      %dma_start3A_700 = arith.constant 0 : i32
      %dma_start3A_701 = tpu.memref_slice %arg16[%dma_start3A_699, %dma_start3A_700] : memref<128x64xf32, #tpu.memory_space<vmem>> -> memref<8x64xf32, #tpu.memory_space<vmem>>
      %dma_start3A_702 = arith.constant 0 : i32
      %dma_start3A_703 = tpu.memref_slice %arg5[%multiple_of3A_688, %dma_start3A_702] : memref<1000000x64xf32, #tpu.memory_space<hbm>> -> memref<8x64xf32, #tpu.memory_space<hbm>>
      %dma_start3A_704 = arith.constant 56 : i32
      %dma_start3A_705 = arith.constant 0 : i32
      %dma_start3A_706 = tpu.memref_slice %arg16[%dma_start3A_704, %dma_start3A_705] : memref<128x64xf32, #tpu.memory_space<vmem>> -> memref<8x64xf32, #tpu.memory_space<vmem>>
      %dma_start3A_707 = arith.constant 0 : i32
      %dma_start3A_708 = tpu.memref_slice %arg5[%multiple_of3A_688, %dma_start3A_707] : memref<1000000x64xf32, #tpu.memory_space<hbm>> -> memref<8x64xf32, #tpu.memory_space<hbm>>
      tpu.enqueue_dma source(%dma_start3A_708 : memref<8x64xf32, #tpu.memory_space<hbm>>) target(%dma_start3A_706 : memref<8x64xf32, #tpu.memory_space<vmem>>) target_semaphore(%arg23 : memref<!tpu.dma_semaphore, #tpu.memory_space<semaphore_mem>>)
      %slice3A_709 = vector.extract_strided_slice %mul3A_492 {offsets = [8], sizes = [1], strides = [1]} : vector<16xi32> to vector<1xi32>
      %squeeze3A_710 = vector.extract %slice3A_709[0] : i32 from vector<1xi32>
      %multiple_of3A_711 = tpu.assume_multiple %squeeze3A_710, 8 : i32
      %slice3A_712 = vector.extract_strided_slice %mul3A_500 {offsets = [8], sizes = [1], strides = [1]} : vector<16xi32> to vector<1xi32>
      %squeeze3A_713 = vector.extract %slice3A_712[0] : i32 from vector<1xi32>
      %multiple_of3A_714 = tpu.assume_multiple %squeeze3A_713, 8 : i32
      %dma_start3A_715 = arith.constant 64 : i32
      %dma_start3A_716 = arith.constant 0 : i32
      %dma_start3A_717 = tpu.memref_slice %arg15[%dma_start3A_715, %dma_start3A_716] : memref<128x64xf32, #tpu.memory_space<vmem>> -> memref<8x64xf32, #tpu.memory_space<vmem>>
      %dma_start3A_718 = arith.constant 0 : i32
      %dma_start3A_719 = tpu.memref_slice %arg5[%multiple_of3A_711, %dma_start3A_718] : memref<1000000x64xf32, #tpu.memory_space<hbm>> -> memref<8x64xf32, #tpu.memory_space<hbm>>
      %dma_start3A_720 = arith.constant 64 : i32
      %dma_start3A_721 = arith.constant 0 : i32
      %dma_start3A_722 = tpu.memref_slice %arg15[%dma_start3A_720, %dma_start3A_721] : memref<128x64xf32, #tpu.memory_space<vmem>> -> memref<8x64xf32, #tpu.memory_space<vmem>>
      %dma_start3A_723 = arith.constant 0 : i32
      %dma_start3A_724 = tpu.memref_slice %arg5[%multiple_of3A_711, %dma_start3A_723] : memref<1000000x64xf32, #tpu.memory_space<hbm>> -> memref<8x64xf32, #tpu.memory_space<hbm>>
      tpu.enqueue_dma source(%dma_start3A_724 : memref<8x64xf32, #tpu.memory_space<hbm>>) target(%dma_start3A_722 : memref<8x64xf32, #tpu.memory_space<vmem>>) target_semaphore(%arg23 : memref<!tpu.dma_semaphore, #tpu.memory_space<semaphore_mem>>)
      %dma_start3A_725 = arith.constant 64 : i32
      %dma_start3A_726 = arith.constant 0 : i32
      %dma_start3A_727 = tpu.memref_slice %arg16[%dma_start3A_725, %dma_start3A_726] : memref<128x64xf32, #tpu.memory_space<vmem>> -> memref<8x64xf32, #tpu.memory_space<vmem>>
      %dma_start3A_728 = arith.constant 0 : i32
      %dma_start3A_729 = tpu.memref_slice %arg5[%multiple_of3A_714, %dma_start3A_728] : memref<1000000x64xf32, #tpu.memory_space<hbm>> -> memref<8x64xf32, #tpu.memory_space<hbm>>
      %dma_start3A_730 = arith.constant 64 : i32
      %dma_start3A_731 = arith.constant 0 : i32
      %dma_start3A_732 = tpu.memref_slice %arg16[%dma_start3A_730, %dma_start3A_731] : memref<128x64xf32, #tpu.memory_space<vmem>> -> memref<8x64xf32, #tpu.memory_space<vmem>>
      %dma_start3A_733 = arith.constant 0 : i32
      %dma_start3A_734 = tpu.memref_slice %arg5[%multiple_of3A_714, %dma_start3A_733] : memref<1000000x64xf32, #tpu.memory_space<hbm>> -> memref<8x64xf32, #tpu.memory_space<hbm>>
      tpu.enqueue_dma source(%dma_start3A_734 : memref<8x64xf32, #tpu.memory_space<hbm>>) target(%dma_start3A_732 : memref<8x64xf32, #tpu.memory_space<vmem>>) target_semaphore(%arg23 : memref<!tpu.dma_semaphore, #tpu.memory_space<semaphore_mem>>)
      %slice3A_735 = vector.extract_strided_slice %mul3A_492 {offsets = [9], sizes = [1], strides = [1]} : vector<16xi32> to vector<1xi32>
      %squeeze3A_736 = vector.extract %slice3A_735[0] : i32 from vector<1xi32>
      %multiple_of3A_737 = tpu.assume_multiple %squeeze3A_736, 8 : i32
      %slice3A_738 = vector.extract_strided_slice %mul3A_500 {offsets = [9], sizes = [1], strides = [1]} : vector<16xi32> to vector<1xi32>
      %squeeze3A_739 = vector.extract %slice3A_738[0] : i32 from vector<1xi32>
      %multiple_of3A_740 = tpu.assume_multiple %squeeze3A_739, 8 : i32
      %dma_start3A_741 = arith.constant 72 : i32
      %dma_start3A_742 = arith.constant 0 : i32
      %dma_start3A_743 = tpu.memref_slice %arg15[%dma_start3A_741, %dma_start3A_742] : memref<128x64xf32, #tpu.memory_space<vmem>> -> memref<8x64xf32, #tpu.memory_space<vmem>>
      %dma_start3A_744 = arith.constant 0 : i32
      %dma_start3A_745 = tpu.memref_slice %arg5[%multiple_of3A_737, %dma_start3A_744] : memref<1000000x64xf32, #tpu.memory_space<hbm>> -> memref<8x64xf32, #tpu.memory_space<hbm>>
      %dma_start3A_746 = arith.constant 72 : i32
      %dma_start3A_747 = arith.constant 0 : i32
      %dma_start3A_748 = tpu.memref_slice %arg15[%dma_start3A_746, %dma_start3A_747] : memref<128x64xf32, #tpu.memory_space<vmem>> -> memref<8x64xf32, #tpu.memory_space<vmem>>
      %dma_start3A_749 = arith.constant 0 : i32
      %dma_start3A_750 = tpu.memref_slice %arg5[%multiple_of3A_737, %dma_start3A_749] : memref<1000000x64xf32, #tpu.memory_space<hbm>> -> memref<8x64xf32, #tpu.memory_space<hbm>>
      tpu.enqueue_dma source(%dma_start3A_750 : memref<8x64xf32, #tpu.memory_space<hbm>>) target(%dma_start3A_748 : memref<8x64xf32, #tpu.memory_space<vmem>>) target_semaphore(%arg23 : memref<!tpu.dma_semaphore, #tpu.memory_space<semaphore_mem>>)
      %dma_start3A_751 = arith.constant 72 : i32
      %dma_start3A_752 = arith.constant 0 : i32
      %dma_start3A_753 = tpu.memref_slice %arg16[%dma_start3A_751, %dma_start3A_752] : memref<128x64xf32, #tpu.memory_space<vmem>> -> memref<8x64xf32, #tpu.memory_space<vmem>>
      %dma_start3A_754 = arith.constant 0 : i32
      %dma_start3A_755 = tpu.memref_slice %arg5[%multiple_of3A_740, %dma_start3A_754] : memref<1000000x64xf32, #tpu.memory_space<hbm>> -> memref<8x64xf32, #tpu.memory_space<hbm>>
      %dma_start3A_756 = arith.constant 72 : i32
      %dma_start3A_757 = arith.constant 0 : i32
      %dma_start3A_758 = tpu.memref_slice %arg16[%dma_start3A_756, %dma_start3A_757] : memref<128x64xf32, #tpu.memory_space<vmem>> -> memref<8x64xf32, #tpu.memory_space<vmem>>
      %dma_start3A_759 = arith.constant 0 : i32
      %dma_start3A_760 = tpu.memref_slice %arg5[%multiple_of3A_740, %dma_start3A_759] : memref<1000000x64xf32, #tpu.memory_space<hbm>> -> memref<8x64xf32, #tpu.memory_space<hbm>>
      tpu.enqueue_dma source(%dma_start3A_760 : memref<8x64xf32, #tpu.memory_space<hbm>>) target(%dma_start3A_758 : memref<8x64xf32, #tpu.memory_space<vmem>>) target_semaphore(%arg23 : memref<!tpu.dma_semaphore, #tpu.memory_space<semaphore_mem>>)
      %slice3A_761 = vector.extract_strided_slice %mul3A_492 {offsets = [10], sizes = [1], strides = [1]} : vector<16xi32> to vector<1xi32>
      %squeeze3A_762 = vector.extract %slice3A_761[0] : i32 from vector<1xi32>
      %multiple_of3A_763 = tpu.assume_multiple %squeeze3A_762, 8 : i32
      %slice3A_764 = vector.extract_strided_slice %mul3A_500 {offsets = [10], sizes = [1], strides = [1]} : vector<16xi32> to vector<1xi32>
      %squeeze3A_765 = vector.extract %slice3A_764[0] : i32 from vector<1xi32>
      %multiple_of3A_766 = tpu.assume_multiple %squeeze3A_765, 8 : i32
      %dma_start3A_767 = arith.constant 80 : i32
      %dma_start3A_768 = arith.constant 0 : i32
      %dma_start3A_769 = tpu.memref_slice %arg15[%dma_start3A_767, %dma_start3A_768] : memref<128x64xf32, #tpu.memory_space<vmem>> -> memref<8x64xf32, #tpu.memory_space<vmem>>
      %dma_start3A_770 = arith.constant 0 : i32
      %dma_start3A_771 = tpu.memref_slice %arg5[%multiple_of3A_763, %dma_start3A_770] : memref<1000000x64xf32, #tpu.memory_space<hbm>> -> memref<8x64xf32, #tpu.memory_space<hbm>>
      %dma_start3A_772 = arith.constant 80 : i32
      %dma_start3A_773 = arith.constant 0 : i32
      %dma_start3A_774 = tpu.memref_slice %arg15[%dma_start3A_772, %dma_start3A_773] : memref<128x64xf32, #tpu.memory_space<vmem>> -> memref<8x64xf32, #tpu.memory_space<vmem>>
      %dma_start3A_775 = arith.constant 0 : i32
      %dma_start3A_776 = tpu.memref_slice %arg5[%multiple_of3A_763, %dma_start3A_775] : memref<1000000x64xf32, #tpu.memory_space<hbm>> -> memref<8x64xf32, #tpu.memory_space<hbm>>
      tpu.enqueue_dma source(%dma_start3A_776 : memref<8x64xf32, #tpu.memory_space<hbm>>) target(%dma_start3A_774 : memref<8x64xf32, #tpu.memory_space<vmem>>) target_semaphore(%arg23 : memref<!tpu.dma_semaphore, #tpu.memory_space<semaphore_mem>>)
      %dma_start3A_777 = arith.constant 80 : i32
      %dma_start3A_778 = arith.constant 0 : i32
      %dma_start3A_779 = tpu.memref_slice %arg16[%dma_start3A_777, %dma_start3A_778] : memref<128x64xf32, #tpu.memory_space<vmem>> -> memref<8x64xf32, #tpu.memory_space<vmem>>
      %dma_start3A_780 = arith.constant 0 : i32
      %dma_start3A_781 = tpu.memref_slice %arg5[%multiple_of3A_766, %dma_start3A_780] : memref<1000000x64xf32, #tpu.memory_space<hbm>> -> memref<8x64xf32, #tpu.memory_space<hbm>>
      %dma_start3A_782 = arith.constant 80 : i32
      %dma_start3A_783 = arith.constant 0 : i32
      %dma_start3A_784 = tpu.memref_slice %arg16[%dma_start3A_782, %dma_start3A_783] : memref<128x64xf32, #tpu.memory_space<vmem>> -> memref<8x64xf32, #tpu.memory_space<vmem>>
      %dma_start3A_785 = arith.constant 0 : i32
      %dma_start3A_786 = tpu.memref_slice %arg5[%multiple_of3A_766, %dma_start3A_785] : memref<1000000x64xf32, #tpu.memory_space<hbm>> -> memref<8x64xf32, #tpu.memory_space<hbm>>
      tpu.enqueue_dma source(%dma_start3A_786 : memref<8x64xf32, #tpu.memory_space<hbm>>) target(%dma_start3A_784 : memref<8x64xf32, #tpu.memory_space<vmem>>) target_semaphore(%arg23 : memref<!tpu.dma_semaphore, #tpu.memory_space<semaphore_mem>>)
      %slice3A_787 = vector.extract_strided_slice %mul3A_492 {offsets = [11], sizes = [1], strides = [1]} : vector<16xi32> to vector<1xi32>
      %squeeze3A_788 = vector.extract %slice3A_787[0] : i32 from vector<1xi32>
      %multiple_of3A_789 = tpu.assume_multiple %squeeze3A_788, 8 : i32
      %slice3A_790 = vector.extract_strided_slice %mul3A_500 {offsets = [11], sizes = [1], strides = [1]} : vector<16xi32> to vector<1xi32>
      %squeeze3A_791 = vector.extract %slice3A_790[0] : i32 from vector<1xi32>
      %multiple_of3A_792 = tpu.assume_multiple %squeeze3A_791, 8 : i32
      %dma_start3A_793 = arith.constant 88 : i32
      %dma_start3A_794 = arith.constant 0 : i32
      %dma_start3A_795 = tpu.memref_slice %arg15[%dma_start3A_793, %dma_start3A_794] : memref<128x64xf32, #tpu.memory_space<vmem>> -> memref<8x64xf32, #tpu.memory_space<vmem>>
      %dma_start3A_796 = arith.constant 0 : i32
      %dma_start3A_797 = tpu.memref_slice %arg5[%multiple_of3A_789, %dma_start3A_796] : memref<1000000x64xf32, #tpu.memory_space<hbm>> -> memref<8x64xf32, #tpu.memory_space<hbm>>
      %dma_start3A_798 = arith.constant 88 : i32
      %dma_start3A_799 = arith.constant 0 : i32
      %dma_start3A_800 = tpu.memref_slice %arg15[%dma_start3A_798, %dma_start3A_799] : memref<128x64xf32, #tpu.memory_space<vmem>> -> memref<8x64xf32, #tpu.memory_space<vmem>>
      %dma_start3A_801 = arith.constant 0 : i32
      %dma_start3A_802 = tpu.memref_slice %arg5[%multiple_of3A_789, %dma_start3A_801] : memref<1000000x64xf32, #tpu.memory_space<hbm>> -> memref<8x64xf32, #tpu.memory_space<hbm>>
      tpu.enqueue_dma source(%dma_start3A_802 : memref<8x64xf32, #tpu.memory_space<hbm>>) target(%dma_start3A_800 : memref<8x64xf32, #tpu.memory_space<vmem>>) target_semaphore(%arg23 : memref<!tpu.dma_semaphore, #tpu.memory_space<semaphore_mem>>)
      %dma_start3A_803 = arith.constant 88 : i32
      %dma_start3A_804 = arith.constant 0 : i32
      %dma_start3A_805 = tpu.memref_slice %arg16[%dma_start3A_803, %dma_start3A_804] : memref<128x64xf32, #tpu.memory_space<vmem>> -> memref<8x64xf32, #tpu.memory_space<vmem>>
      %dma_start3A_806 = arith.constant 0 : i32
      %dma_start3A_807 = tpu.memref_slice %arg5[%multiple_of3A_792, %dma_start3A_806] : memref<1000000x64xf32, #tpu.memory_space<hbm>> -> memref<8x64xf32, #tpu.memory_space<hbm>>
      %dma_start3A_808 = arith.constant 88 : i32
      %dma_start3A_809 = arith.constant 0 : i32
      %dma_start3A_810 = tpu.memref_slice %arg16[%dma_start3A_808, %dma_start3A_809] : memref<128x64xf32, #tpu.memory_space<vmem>> -> memref<8x64xf32, #tpu.memory_space<vmem>>
      %dma_start3A_811 = arith.constant 0 : i32
      %dma_start3A_812 = tpu.memref_slice %arg5[%multiple_of3A_792, %dma_start3A_811] : memref<1000000x64xf32, #tpu.memory_space<hbm>> -> memref<8x64xf32, #tpu.memory_space<hbm>>
      tpu.enqueue_dma source(%dma_start3A_812 : memref<8x64xf32, #tpu.memory_space<hbm>>) target(%dma_start3A_810 : memref<8x64xf32, #tpu.memory_space<vmem>>) target_semaphore(%arg23 : memref<!tpu.dma_semaphore, #tpu.memory_space<semaphore_mem>>)
      %slice3A_813 = vector.extract_strided_slice %mul3A_492 {offsets = [12], sizes = [1], strides = [1]} : vector<16xi32> to vector<1xi32>
      %squeeze3A_814 = vector.extract %slice3A_813[0] : i32 from vector<1xi32>
      %multiple_of3A_815 = tpu.assume_multiple %squeeze3A_814, 8 : i32
      %slice3A_816 = vector.extract_strided_slice %mul3A_500 {offsets = [12], sizes = [1], strides = [1]} : vector<16xi32> to vector<1xi32>
      %squeeze3A_817 = vector.extract %slice3A_816[0] : i32 from vector<1xi32>
      %multiple_of3A_818 = tpu.assume_multiple %squeeze3A_817, 8 : i32
      %dma_start3A_819 = arith.constant 96 : i32
      %dma_start3A_820 = arith.constant 0 : i32
      %dma_start3A_821 = tpu.memref_slice %arg15[%dma_start3A_819, %dma_start3A_820] : memref<128x64xf32, #tpu.memory_space<vmem>> -> memref<8x64xf32, #tpu.memory_space<vmem>>
      %dma_start3A_822 = arith.constant 0 : i32
      %dma_start3A_823 = tpu.memref_slice %arg5[%multiple_of3A_815, %dma_start3A_822] : memref<1000000x64xf32, #tpu.memory_space<hbm>> -> memref<8x64xf32, #tpu.memory_space<hbm>>
      %dma_start3A_824 = arith.constant 96 : i32
      %dma_start3A_825 = arith.constant 0 : i32
      %dma_start3A_826 = tpu.memref_slice %arg15[%dma_start3A_824, %dma_start3A_825] : memref<128x64xf32, #tpu.memory_space<vmem>> -> memref<8x64xf32, #tpu.memory_space<vmem>>
      %dma_start3A_827 = arith.constant 0 : i32
      %dma_start3A_828 = tpu.memref_slice %arg5[%multiple_of3A_815, %dma_start3A_827] : memref<1000000x64xf32, #tpu.memory_space<hbm>> -> memref<8x64xf32, #tpu.memory_space<hbm>>
      tpu.enqueue_dma source(%dma_start3A_828 : memref<8x64xf32, #tpu.memory_space<hbm>>) target(%dma_start3A_826 : memref<8x64xf32, #tpu.memory_space<vmem>>) target_semaphore(%arg23 : memref<!tpu.dma_semaphore, #tpu.memory_space<semaphore_mem>>)
      %dma_start3A_829 = arith.constant 96 : i32
      %dma_start3A_830 = arith.constant 0 : i32
      %dma_start3A_831 = tpu.memref_slice %arg16[%dma_start3A_829, %dma_start3A_830] : memref<128x64xf32, #tpu.memory_space<vmem>> -> memref<8x64xf32, #tpu.memory_space<vmem>>
      %dma_start3A_832 = arith.constant 0 : i32
      %dma_start3A_833 = tpu.memref_slice %arg5[%multiple_of3A_818, %dma_start3A_832] : memref<1000000x64xf32, #tpu.memory_space<hbm>> -> memref<8x64xf32, #tpu.memory_space<hbm>>
      %dma_start3A_834 = arith.constant 96 : i32
      %dma_start3A_835 = arith.constant 0 : i32
      %dma_start3A_836 = tpu.memref_slice %arg16[%dma_start3A_834, %dma_start3A_835] : memref<128x64xf32, #tpu.memory_space<vmem>> -> memref<8x64xf32, #tpu.memory_space<vmem>>
      %dma_start3A_837 = arith.constant 0 : i32
      %dma_start3A_838 = tpu.memref_slice %arg5[%multiple_of3A_818, %dma_start3A_837] : memref<1000000x64xf32, #tpu.memory_space<hbm>> -> memref<8x64xf32, #tpu.memory_space<hbm>>
      tpu.enqueue_dma source(%dma_start3A_838 : memref<8x64xf32, #tpu.memory_space<hbm>>) target(%dma_start3A_836 : memref<8x64xf32, #tpu.memory_space<vmem>>) target_semaphore(%arg23 : memref<!tpu.dma_semaphore, #tpu.memory_space<semaphore_mem>>)
      %slice3A_839 = vector.extract_strided_slice %mul3A_492 {offsets = [13], sizes = [1], strides = [1]} : vector<16xi32> to vector<1xi32>
      %squeeze3A_840 = vector.extract %slice3A_839[0] : i32 from vector<1xi32>
      %multiple_of3A_841 = tpu.assume_multiple %squeeze3A_840, 8 : i32
      %slice3A_842 = vector.extract_strided_slice %mul3A_500 {offsets = [13], sizes = [1], strides = [1]} : vector<16xi32> to vector<1xi32>
      %squeeze3A_843 = vector.extract %slice3A_842[0] : i32 from vector<1xi32>
      %multiple_of3A_844 = tpu.assume_multiple %squeeze3A_843, 8 : i32
      %dma_start3A_845 = arith.constant 104 : i32
      %dma_start3A_846 = arith.constant 0 : i32
      %dma_start3A_847 = tpu.memref_slice %arg15[%dma_start3A_845, %dma_start3A_846] : memref<128x64xf32, #tpu.memory_space<vmem>> -> memref<8x64xf32, #tpu.memory_space<vmem>>
      %dma_start3A_848 = arith.constant 0 : i32
      %dma_start3A_849 = tpu.memref_slice %arg5[%multiple_of3A_841, %dma_start3A_848] : memref<1000000x64xf32, #tpu.memory_space<hbm>> -> memref<8x64xf32, #tpu.memory_space<hbm>>
      %dma_start3A_850 = arith.constant 104 : i32
      %dma_start3A_851 = arith.constant 0 : i32
      %dma_start3A_852 = tpu.memref_slice %arg15[%dma_start3A_850, %dma_start3A_851] : memref<128x64xf32, #tpu.memory_space<vmem>> -> memref<8x64xf32, #tpu.memory_space<vmem>>
      %dma_start3A_853 = arith.constant 0 : i32
      %dma_start3A_854 = tpu.memref_slice %arg5[%multiple_of3A_841, %dma_start3A_853] : memref<1000000x64xf32, #tpu.memory_space<hbm>> -> memref<8x64xf32, #tpu.memory_space<hbm>>
      tpu.enqueue_dma source(%dma_start3A_854 : memref<8x64xf32, #tpu.memory_space<hbm>>) target(%dma_start3A_852 : memref<8x64xf32, #tpu.memory_space<vmem>>) target_semaphore(%arg23 : memref<!tpu.dma_semaphore, #tpu.memory_space<semaphore_mem>>)
      %dma_start3A_855 = arith.constant 104 : i32
      %dma_start3A_856 = arith.constant 0 : i32
      %dma_start3A_857 = tpu.memref_slice %arg16[%dma_start3A_855, %dma_start3A_856] : memref<128x64xf32, #tpu.memory_space<vmem>> -> memref<8x64xf32, #tpu.memory_space<vmem>>
      %dma_start3A_858 = arith.constant 0 : i32
      %dma_start3A_859 = tpu.memref_slice %arg5[%multiple_of3A_844, %dma_start3A_858] : memref<1000000x64xf32, #tpu.memory_space<hbm>> -> memref<8x64xf32, #tpu.memory_space<hbm>>
      %dma_start3A_860 = arith.constant 104 : i32
      %dma_start3A_861 = arith.constant 0 : i32
      %dma_start3A_862 = tpu.memref_slice %arg16[%dma_start3A_860, %dma_start3A_861] : memref<128x64xf32, #tpu.memory_space<vmem>> -> memref<8x64xf32, #tpu.memory_space<vmem>>
      %dma_start3A_863 = arith.constant 0 : i32
      %dma_start3A_864 = tpu.memref_slice %arg5[%multiple_of3A_844, %dma_start3A_863] : memref<1000000x64xf32, #tpu.memory_space<hbm>> -> memref<8x64xf32, #tpu.memory_space<hbm>>
      tpu.enqueue_dma source(%dma_start3A_864 : memref<8x64xf32, #tpu.memory_space<hbm>>) target(%dma_start3A_862 : memref<8x64xf32, #tpu.memory_space<vmem>>) target_semaphore(%arg23 : memref<!tpu.dma_semaphore, #tpu.memory_space<semaphore_mem>>)
      %slice3A_865 = vector.extract_strided_slice %mul3A_492 {offsets = [14], sizes = [1], strides = [1]} : vector<16xi32> to vector<1xi32>
      %squeeze3A_866 = vector.extract %slice3A_865[0] : i32 from vector<1xi32>
      %multiple_of3A_867 = tpu.assume_multiple %squeeze3A_866, 8 : i32
      %slice3A_868 = vector.extract_strided_slice %mul3A_500 {offsets = [14], sizes = [1], strides = [1]} : vector<16xi32> to vector<1xi32>
      %squeeze3A_869 = vector.extract %slice3A_868[0] : i32 from vector<1xi32>
      %multiple_of3A_870 = tpu.assume_multiple %squeeze3A_869, 8 : i32
      %dma_start3A_871 = arith.constant 112 : i32
      %dma_start3A_872 = arith.constant 0 : i32
      %dma_start3A_873 = tpu.memref_slice %arg15[%dma_start3A_871, %dma_start3A_872] : memref<128x64xf32, #tpu.memory_space<vmem>> -> memref<8x64xf32, #tpu.memory_space<vmem>>
      %dma_start3A_874 = arith.constant 0 : i32
      %dma_start3A_875 = tpu.memref_slice %arg5[%multiple_of3A_867, %dma_start3A_874] : memref<1000000x64xf32, #tpu.memory_space<hbm>> -> memref<8x64xf32, #tpu.memory_space<hbm>>
      %dma_start3A_876 = arith.constant 112 : i32
      %dma_start3A_877 = arith.constant 0 : i32
      %dma_start3A_878 = tpu.memref_slice %arg15[%dma_start3A_876, %dma_start3A_877] : memref<128x64xf32, #tpu.memory_space<vmem>> -> memref<8x64xf32, #tpu.memory_space<vmem>>
      %dma_start3A_879 = arith.constant 0 : i32
      %dma_start3A_880 = tpu.memref_slice %arg5[%multiple_of3A_867, %dma_start3A_879] : memref<1000000x64xf32, #tpu.memory_space<hbm>> -> memref<8x64xf32, #tpu.memory_space<hbm>>
      tpu.enqueue_dma source(%dma_start3A_880 : memref<8x64xf32, #tpu.memory_space<hbm>>) target(%dma_start3A_878 : memref<8x64xf32, #tpu.memory_space<vmem>>) target_semaphore(%arg23 : memref<!tpu.dma_semaphore, #tpu.memory_space<semaphore_mem>>)
      %dma_start3A_881 = arith.constant 112 : i32
      %dma_start3A_882 = arith.constant 0 : i32
      %dma_start3A_883 = tpu.memref_slice %arg16[%dma_start3A_881, %dma_start3A_882] : memref<128x64xf32, #tpu.memory_space<vmem>> -> memref<8x64xf32, #tpu.memory_space<vmem>>
      %dma_start3A_884 = arith.constant 0 : i32
      %dma_start3A_885 = tpu.memref_slice %arg5[%multiple_of3A_870, %dma_start3A_884] : memref<1000000x64xf32, #tpu.memory_space<hbm>> -> memref<8x64xf32, #tpu.memory_space<hbm>>
      %dma_start3A_886 = arith.constant 112 : i32
      %dma_start3A_887 = arith.constant 0 : i32
      %dma_start3A_888 = tpu.memref_slice %arg16[%dma_start3A_886, %dma_start3A_887] : memref<128x64xf32, #tpu.memory_space<vmem>> -> memref<8x64xf32, #tpu.memory_space<vmem>>
      %dma_start3A_889 = arith.constant 0 : i32
      %dma_start3A_890 = tpu.memref_slice %arg5[%multiple_of3A_870, %dma_start3A_889] : memref<1000000x64xf32, #tpu.memory_space<hbm>> -> memref<8x64xf32, #tpu.memory_space<hbm>>
      tpu.enqueue_dma source(%dma_start3A_890 : memref<8x64xf32, #tpu.memory_space<hbm>>) target(%dma_start3A_888 : memref<8x64xf32, #tpu.memory_space<vmem>>) target_semaphore(%arg23 : memref<!tpu.dma_semaphore, #tpu.memory_space<semaphore_mem>>)
      %slice3A_891 = vector.extract_strided_slice %mul3A_492 {offsets = [15], sizes = [1], strides = [1]} : vector<16xi32> to vector<1xi32>
      %squeeze3A_892 = vector.extract %slice3A_891[0] : i32 from vector<1xi32>
      %multiple_of3A_893 = tpu.assume_multiple %squeeze3A_892, 8 : i32
      %slice3A_894 = vector.extract_strided_slice %mul3A_500 {offsets = [15], sizes = [1], strides = [1]} : vector<16xi32> to vector<1xi32>
      %squeeze3A_895 = vector.extract %slice3A_894[0] : i32 from vector<1xi32>
      %multiple_of3A_896 = tpu.assume_multiple %squeeze3A_895, 8 : i32
      %dma_start3A_897 = arith.constant 120 : i32
      %dma_start3A_898 = arith.constant 0 : i32
      %dma_start3A_899 = tpu.memref_slice %arg15[%dma_start3A_897, %dma_start3A_898] : memref<128x64xf32, #tpu.memory_space<vmem>> -> memref<8x64xf32, #tpu.memory_space<vmem>>
      %dma_start3A_900 = arith.constant 0 : i32
      %dma_start3A_901 = tpu.memref_slice %arg5[%multiple_of3A_893, %dma_start3A_900] : memref<1000000x64xf32, #tpu.memory_space<hbm>> -> memref<8x64xf32, #tpu.memory_space<hbm>>
      %dma_start3A_902 = arith.constant 120 : i32
      %dma_start3A_903 = arith.constant 0 : i32
      %dma_start3A_904 = tpu.memref_slice %arg15[%dma_start3A_902, %dma_start3A_903] : memref<128x64xf32, #tpu.memory_space<vmem>> -> memref<8x64xf32, #tpu.memory_space<vmem>>
      %dma_start3A_905 = arith.constant 0 : i32
      %dma_start3A_906 = tpu.memref_slice %arg5[%multiple_of3A_893, %dma_start3A_905] : memref<1000000x64xf32, #tpu.memory_space<hbm>> -> memref<8x64xf32, #tpu.memory_space<hbm>>
      tpu.enqueue_dma source(%dma_start3A_906 : memref<8x64xf32, #tpu.memory_space<hbm>>) target(%dma_start3A_904 : memref<8x64xf32, #tpu.memory_space<vmem>>) target_semaphore(%arg23 : memref<!tpu.dma_semaphore, #tpu.memory_space<semaphore_mem>>)
      %dma_start3A_907 = arith.constant 120 : i32
      %dma_start3A_908 = arith.constant 0 : i32
      %dma_start3A_909 = tpu.memref_slice %arg16[%dma_start3A_907, %dma_start3A_908] : memref<128x64xf32, #tpu.memory_space<vmem>> -> memref<8x64xf32, #tpu.memory_space<vmem>>
      %dma_start3A_910 = arith.constant 0 : i32
      %dma_start3A_911 = tpu.memref_slice %arg5[%multiple_of3A_896, %dma_start3A_910] : memref<1000000x64xf32, #tpu.memory_space<hbm>> -> memref<8x64xf32, #tpu.memory_space<hbm>>
      %dma_start3A_912 = arith.constant 120 : i32
      %dma_start3A_913 = arith.constant 0 : i32
      %dma_start3A_914 = tpu.memref_slice %arg16[%dma_start3A_912, %dma_start3A_913] : memref<128x64xf32, #tpu.memory_space<vmem>> -> memref<8x64xf32, #tpu.memory_space<vmem>>
      %dma_start3A_915 = arith.constant 0 : i32
      %dma_start3A_916 = tpu.memref_slice %arg5[%multiple_of3A_896, %dma_start3A_915] : memref<1000000x64xf32, #tpu.memory_space<hbm>> -> memref<8x64xf32, #tpu.memory_space<hbm>>
      tpu.enqueue_dma source(%dma_start3A_916 : memref<8x64xf32, #tpu.memory_space<hbm>>) target(%dma_start3A_914 : memref<8x64xf32, #tpu.memory_space<vmem>>) target_semaphore(%arg23 : memref<!tpu.dma_semaphore, #tpu.memory_space<semaphore_mem>>)
      %mul3A_917 = arith.constant 16 : i32
      %mul3A_918 = arith.muli %add3A_482, %mul3A_917 : i32
      %dma_start3A_919 = tpu.memref_slice %arg12[%mul3A_918] : memref<512xi32, #tpu.memory_space<vmem>> -> memref<16xi32, #tpu.memory_space<vmem>>
      %dma_start3A_920 = arith.constant 0 : i32
      %dma_start3A_921 = arith.constant 0 : i32
      %dma_start3A_922 = tpu.memref_slice %arg6[%dma_start3A_920, %dma_start3A_921] : memref<500x128xf32, #tpu.memory_space<hbm>> -> memref<500x128xf32, #tpu.memory_space<hbm>>
      tpu.enqueue_indirect_dma source(%dma_start3A_922 : memref<500x128xf32, #tpu.memory_space<hbm>>) target(%arg19 : memref<16x128xf32, #tpu.memory_space<vmem>>) offsets(%dma_start3A_919 : memref<16xi32, #tpu.memory_space<vmem>>) semaphore(%arg23 : memref<!tpu.dma_semaphore, #tpu.memory_space<semaphore_mem>>)
      %dma_start3A_923 = tpu.memref_slice %arg12[%mul3A_918] : memref<512xi32, #tpu.memory_space<vmem>> -> memref<16xi32, #tpu.memory_space<vmem>>
      %dma_start3A_924 = arith.constant 0 : i32
      %dma_start3A_925 = arith.constant 0 : i32
      %dma_start3A_926 = tpu.memref_slice %arg7[%dma_start3A_924, %dma_start3A_925] : memref<500x128xf32, #tpu.memory_space<hbm>> -> memref<500x128xf32, #tpu.memory_space<hbm>>
      tpu.enqueue_indirect_dma source(%dma_start3A_926 : memref<500x128xf32, #tpu.memory_space<hbm>>) target(%arg20 : memref<16x128xf32, #tpu.memory_space<vmem>>) offsets(%dma_start3A_923 : memref<16xi32, #tpu.memory_space<vmem>>) semaphore(%arg23 : memref<!tpu.dma_semaphore, #tpu.memory_space<semaphore_mem>>)
      %dma_wait3A_927 = arith.constant 0 : i32
      %dma_wait3A_928 = arith.constant 0 : i32
      %dma_wait3A_929 = tpu.memref_slice %arg5[%dma_wait3A_927, %dma_wait3A_928] : memref<1000000x64xf32, #tpu.memory_space<hbm>> -> memref<128x64xf32, #tpu.memory_space<hbm>>
      %dma_wait3A_930 = arith.constant 0 : i32
      %dma_wait3A_931 = arith.constant 0 : i32
      %dma_wait3A_932 = tpu.memref_slice %arg5[%dma_wait3A_930, %dma_wait3A_931] : memref<1000000x64xf32, #tpu.memory_space<hbm>> -> memref<128x64xf32, #tpu.memory_space<hbm>>
      tpu.wait_dma2 semaphore(%arg22 : memref<!tpu.dma_semaphore, #tpu.memory_space<semaphore_mem>>) src(%dma_wait3A_932 : memref<128x64xf32, #tpu.memory_space<hbm>>) dst(%arg13 : memref<128x64xf32, #tpu.memory_space<vmem>>)
      %dma_wait3A_933 = arith.constant 0 : i32
      %dma_wait3A_934 = arith.constant 0 : i32
      %dma_wait3A_935 = tpu.memref_slice %arg5[%dma_wait3A_933, %dma_wait3A_934] : memref<1000000x64xf32, #tpu.memory_space<hbm>> -> memref<128x64xf32, #tpu.memory_space<hbm>>
      %dma_wait3A_936 = arith.constant 0 : i32
      %dma_wait3A_937 = arith.constant 0 : i32
      %dma_wait3A_938 = tpu.memref_slice %arg5[%dma_wait3A_936, %dma_wait3A_937] : memref<1000000x64xf32, #tpu.memory_space<hbm>> -> memref<128x64xf32, #tpu.memory_space<hbm>>
      tpu.wait_dma2 semaphore(%arg22 : memref<!tpu.dma_semaphore, #tpu.memory_space<semaphore_mem>>) src(%dma_wait3A_938 : memref<128x64xf32, #tpu.memory_space<hbm>>) dst(%arg14 : memref<128x64xf32, #tpu.memory_space<vmem>>)
      %dma_wait3A_939 = arith.constant 0 : i32
      %dma_wait3A_940 = arith.constant 0 : i32
      %dma_wait3A_941 = tpu.memref_slice %arg6[%dma_wait3A_939, %dma_wait3A_940] : memref<500x128xf32, #tpu.memory_space<hbm>> -> memref<16x128xf32, #tpu.memory_space<hbm>>
      %dma_wait3A_942 = arith.constant 0 : i32
      %dma_wait3A_943 = arith.constant 0 : i32
      %dma_wait3A_944 = tpu.memref_slice %arg6[%dma_wait3A_942, %dma_wait3A_943] : memref<500x128xf32, #tpu.memory_space<hbm>> -> memref<16x128xf32, #tpu.memory_space<hbm>>
      tpu.wait_dma2 semaphore(%arg22 : memref<!tpu.dma_semaphore, #tpu.memory_space<semaphore_mem>>) src(%dma_wait3A_944 : memref<16x128xf32, #tpu.memory_space<hbm>>) dst(%arg17 : memref<16x128xf32, #tpu.memory_space<vmem>>)
      %dma_wait3A_945 = arith.constant 0 : i32
      %dma_wait3A_946 = arith.constant 0 : i32
      %dma_wait3A_947 = tpu.memref_slice %arg7[%dma_wait3A_945, %dma_wait3A_946] : memref<500x128xf32, #tpu.memory_space<hbm>> -> memref<16x128xf32, #tpu.memory_space<hbm>>
      %dma_wait3A_948 = arith.constant 0 : i32
      %dma_wait3A_949 = arith.constant 0 : i32
      %dma_wait3A_950 = tpu.memref_slice %arg7[%dma_wait3A_948, %dma_wait3A_949] : memref<500x128xf32, #tpu.memory_space<hbm>> -> memref<16x128xf32, #tpu.memory_space<hbm>>
      tpu.wait_dma2 semaphore(%arg22 : memref<!tpu.dma_semaphore, #tpu.memory_space<semaphore_mem>>) src(%dma_wait3A_950 : memref<16x128xf32, #tpu.memory_space<hbm>>) dst(%arg18 : memref<16x128xf32, #tpu.memory_space<vmem>>)
      %mul3A_951 = arith.constant 16 : i32
      %mul3A_952 = arith.muli %mul3A_478, %mul3A_951 : i32
      %iota3A = tpu.iota {dimensions = array<i32: 0>} : vector<16xi32>
      %mul3A_953 = arith.constant 8 : i32
      %mul3A_954 = vector.broadcast %mul3A_953 : i32 to vector<16xi32>
      %mul3A_955 = arith.muli %iota3A, %mul3A_954 : vector<16xi32>
      %iota3A_956 = tpu.iota {dimensions = array<i32: 0>} : vector<16xi32>
      %get3A_957 = arith.index_cast %mul3A_952 : i32 to index
      %get3A_958 = tpu.vector_load %arg9[%get3A_957] {strides = array<i32>} : memref<512xi32, #tpu.memory_space<vmem>>, vector<16xi32>,
      %and3A = arith.constant 7 : i32
      %and3A_959 = vector.broadcast %and3A : i32 to vector<16xi32>
      %and3A_960 = arith.andi %get3A_958, %and3A_959 : vector<16xi32>
      %add3A_961 = arith.addi %mul3A_955, %and3A_960 : vector<16xi32>
      %get3A_962 = arith.index_cast %mul3A_952 : i32 to index
      %get3A_963 = tpu.vector_load %arg10[%get3A_962] {strides = array<i32>} : memref<512xi32, #tpu.memory_space<vmem>>, vector<16xi32>,
      %and3A_964 = arith.constant 7 : i32
      %and3A_965 = vector.broadcast %and3A_964 : i32 to vector<16xi32>
      %and3A_966 = arith.andi %get3A_963, %and3A_965 : vector<16xi32>
      %add3A_967 = arith.addi %mul3A_955, %and3A_966 : vector<16xi32>
      %get3A_968 = arith.index_cast %mul3A_952 : i32 to index
      %get3A_969 = tpu.vector_load %arg11[%get3A_968] {strides = array<i32>} : memref<512xi32, #tpu.memory_space<vmem>>, vector<16xi32>,
      %and3A_970 = arith.constant 1 : i32
      %and3A_971 = vector.broadcast %and3A_970 : i32 to vector<16xi32>
      %and3A_972 = arith.andi %get3A_969, %and3A_971 : vector<16xi32>
      %mul3A_973 = arith.constant 64 : i32
      %mul3A_974 = vector.broadcast %mul3A_973 : i32 to vector<16xi32>
      %mul3A_975 = arith.muli %and3A_972, %mul3A_974 : vector<16xi32>
      %broadcast_in_dim3A = arith.constant 0.000000e+00 : f32
      %broadcast_in_dim3A_976 = vector.broadcast %broadcast_in_dim3A : f32 to vector<16xf32>
      %scan3A_977 = arith.constant 0 : i32
      %scan3A_978 = arith.constant 64 : i32
      %scan3A_979 = arith.addi %scan3A_977, %scan3A_978 : i32
      %scan3A_980 = arith.constant 8 : i32
      %scan3A_981:4 = scf.for %scan3A_1599 = %scan3A_977 to %scan3A_979 step %scan3A_980 iter_args(%scan3A_1600 = %broadcast_in_dim3A_976, %scan3A_1601 = %broadcast_in_dim3A_976, %scan3A_1602 = %broadcast_in_dim3A_976, %scan3A_1603 = %broadcast_in_dim3A_976) -> (vector<16xf32>, vector<16xf32>, vector<16xf32>, vector<16xf32>)  : i32 {
        %broadcast_in_dim3A_1604 = arith.constant 0 : i32
        %broadcast_in_dim3A_1605 = vector.broadcast %broadcast_in_dim3A_1604 : i32 to vector<16xi32>
        %add3A_1606 = vector.broadcast %scan3A_1599 : i32 to vector<16xi32>
        %add3A_1607 = arith.addi %broadcast_in_dim3A_1605, %add3A_1606 : vector<16xi32>
        %gather3A = tpu.vector_load_idx %arg13[%add3A_961, %add3A_1607] : memref<128x64xf32, #tpu.memory_space<vmem>>[vector<16xi32>, vector<16xi32>], vector<16xf32>,
        %gather3A_1608 = tpu.vector_load_idx %arg14[%add3A_967, %add3A_1607] : memref<128x64xf32, #tpu.memory_space<vmem>>[vector<16xi32>, vector<16xi32>], vector<16xf32>,
        %add3A_1609 = vector.broadcast %scan3A_1599 : i32 to vector<16xi32>
        %add3A_1610 = arith.addi %mul3A_975, %add3A_1609 : vector<16xi32>
        %gather3A_1611 = tpu.vector_load_idx %arg17[%iota3A_956, %add3A_1610] : memref<16x128xf32, #tpu.memory_space<vmem>>[vector<16xi32>, vector<16xi32>], vector<16xf32>,
        %add3A_1612 = vector.broadcast %scan3A_1599 : i32 to vector<16xi32>
        %add3A_1613 = arith.addi %mul3A_975, %add3A_1612 : vector<16xi32>
        %gather3A_1614 = tpu.vector_load_idx %arg18[%iota3A_956, %add3A_1613] : memref<16x128xf32, #tpu.memory_space<vmem>>[vector<16xi32>, vector<16xi32>], vector<16xf32>,
        %sub3A_1615 = arith.subf %gather3A, %gather3A_1608 : vector<16xf32>
        %add3A_1616 = arith.addf %sub3A_1615, %gather3A_1611 : vector<16xf32>
        %mul3A_1617 = arith.mulf %add3A_1616, %add3A_1616 : vector<16xf32>
        %add3A_1618 = arith.addf %scan3A_1600, %mul3A_1617 : vector<16xf32>
        %mul3A_1619 = arith.mulf %add3A_1616, %gather3A_1614 : vector<16xf32>
        %add3A_1620 = arith.addf %scan3A_1601, %mul3A_1619 : vector<16xf32>
        %mul3A_1621 = arith.mulf %gather3A_1611, %gather3A_1614 : vector<16xf32>
        %add3A_1622 = arith.addf %scan3A_1602, %mul3A_1621 : vector<16xf32>
        %mul3A_1623 = arith.mulf %gather3A_1614, %gather3A_1614 : vector<16xf32>
        %add3A_1624 = arith.addf %scan3A_1603, %mul3A_1623 : vector<16xf32>
        %scan3A_1625 = arith.constant 1 : i32
        %scan3A_1626 = arith.addi %scan3A_1599, %scan3A_1625 : i32
        %broadcast_in_dim3A_1627 = arith.constant 0 : i32
        %broadcast_in_dim3A_1628 = vector.broadcast %broadcast_in_dim3A_1627 : i32 to vector<16xi32>
        %add3A_1629 = vector.broadcast %scan3A_1626 : i32 to vector<16xi32>
        %add3A_1630 = arith.addi %broadcast_in_dim3A_1628, %add3A_1629 : vector<16xi32>
        %gather3A_1631 = tpu.vector_load_idx %arg13[%add3A_961, %add3A_1630] : memref<128x64xf32, #tpu.memory_space<vmem>>[vector<16xi32>, vector<16xi32>], vector<16xf32>,
        %gather3A_1632 = tpu.vector_load_idx %arg14[%add3A_967, %add3A_1630] : memref<128x64xf32, #tpu.memory_space<vmem>>[vector<16xi32>, vector<16xi32>], vector<16xf32>,
        %add3A_1633 = vector.broadcast %scan3A_1626 : i32 to vector<16xi32>
        %add3A_1634 = arith.addi %mul3A_975, %add3A_1633 : vector<16xi32>
        %gather3A_1635 = tpu.vector_load_idx %arg17[%iota3A_956, %add3A_1634] : memref<16x128xf32, #tpu.memory_space<vmem>>[vector<16xi32>, vector<16xi32>], vector<16xf32>,
        %add3A_1636 = vector.broadcast %scan3A_1626 : i32 to vector<16xi32>
        %add3A_1637 = arith.addi %mul3A_975, %add3A_1636 : vector<16xi32>
        %gather3A_1638 = tpu.vector_load_idx %arg18[%iota3A_956, %add3A_1637] : memref<16x128xf32, #tpu.memory_space<vmem>>[vector<16xi32>, vector<16xi32>], vector<16xf32>,
        %sub3A_1639 = arith.subf %gather3A_1631, %gather3A_1632 : vector<16xf32>
        %add3A_1640 = arith.addf %sub3A_1639, %gather3A_1635 : vector<16xf32>
        %mul3A_1641 = arith.mulf %add3A_1640, %add3A_1640 : vector<16xf32>
        %add3A_1642 = arith.addf %add3A_1618, %mul3A_1641 : vector<16xf32>
        %mul3A_1643 = arith.mulf %add3A_1640, %gather3A_1638 : vector<16xf32>
        %add3A_1644 = arith.addf %add3A_1620, %mul3A_1643 : vector<16xf32>
        %mul3A_1645 = arith.mulf %gather3A_1635, %gather3A_1638 : vector<16xf32>
        %add3A_1646 = arith.addf %add3A_1622, %mul3A_1645 : vector<16xf32>
        %mul3A_1647 = arith.mulf %gather3A_1638, %gather3A_1638 : vector<16xf32>
        %add3A_1648 = arith.addf %add3A_1624, %mul3A_1647 : vector<16xf32>
        %scan3A_1649 = arith.constant 2 : i32
        %scan3A_1650 = arith.addi %scan3A_1599, %scan3A_1649 : i32
        %broadcast_in_dim3A_1651 = arith.constant 0 : i32
        %broadcast_in_dim3A_1652 = vector.broadcast %broadcast_in_dim3A_1651 : i32 to vector<16xi32>
        %add3A_1653 = vector.broadcast %scan3A_1650 : i32 to vector<16xi32>
        %add3A_1654 = arith.addi %broadcast_in_dim3A_1652, %add3A_1653 : vector<16xi32>
        %gather3A_1655 = tpu.vector_load_idx %arg13[%add3A_961, %add3A_1654] : memref<128x64xf32, #tpu.memory_space<vmem>>[vector<16xi32>, vector<16xi32>], vector<16xf32>,
        %gather3A_1656 = tpu.vector_load_idx %arg14[%add3A_967, %add3A_1654] : memref<128x64xf32, #tpu.memory_space<vmem>>[vector<16xi32>, vector<16xi32>], vector<16xf32>,
        %add3A_1657 = vector.broadcast %scan3A_1650 : i32 to vector<16xi32>
        %add3A_1658 = arith.addi %mul3A_975, %add3A_1657 : vector<16xi32>
        %gather3A_1659 = tpu.vector_load_idx %arg17[%iota3A_956, %add3A_1658] : memref<16x128xf32, #tpu.memory_space<vmem>>[vector<16xi32>, vector<16xi32>], vector<16xf32>,
        %add3A_1660 = vector.broadcast %scan3A_1650 : i32 to vector<16xi32>
        %add3A_1661 = arith.addi %mul3A_975, %add3A_1660 : vector<16xi32>
        %gather3A_1662 = tpu.vector_load_idx %arg18[%iota3A_956, %add3A_1661] : memref<16x128xf32, #tpu.memory_space<vmem>>[vector<16xi32>, vector<16xi32>], vector<16xf32>,
        %sub3A_1663 = arith.subf %gather3A_1655, %gather3A_1656 : vector<16xf32>
        %add3A_1664 = arith.addf %sub3A_1663, %gather3A_1659 : vector<16xf32>
        %mul3A_1665 = arith.mulf %add3A_1664, %add3A_1664 : vector<16xf32>
        %add3A_1666 = arith.addf %add3A_1642, %mul3A_1665 : vector<16xf32>
        %mul3A_1667 = arith.mulf %add3A_1664, %gather3A_1662 : vector<16xf32>
        %add3A_1668 = arith.addf %add3A_1644, %mul3A_1667 : vector<16xf32>
        %mul3A_1669 = arith.mulf %gather3A_1659, %gather3A_1662 : vector<16xf32>
        %add3A_1670 = arith.addf %add3A_1646, %mul3A_1669 : vector<16xf32>
        %mul3A_1671 = arith.mulf %gather3A_1662, %gather3A_1662 : vector<16xf32>
        %add3A_1672 = arith.addf %add3A_1648, %mul3A_1671 : vector<16xf32>
        %scan3A_1673 = arith.constant 3 : i32
        %scan3A_1674 = arith.addi %scan3A_1599, %scan3A_1673 : i32
        %broadcast_in_dim3A_1675 = arith.constant 0 : i32
        %broadcast_in_dim3A_1676 = vector.broadcast %broadcast_in_dim3A_1675 : i32 to vector<16xi32>
        %add3A_1677 = vector.broadcast %scan3A_1674 : i32 to vector<16xi32>
        %add3A_1678 = arith.addi %broadcast_in_dim3A_1676, %add3A_1677 : vector<16xi32>
        %gather3A_1679 = tpu.vector_load_idx %arg13[%add3A_961, %add3A_1678] : memref<128x64xf32, #tpu.memory_space<vmem>>[vector<16xi32>, vector<16xi32>], vector<16xf32>,
        %gather3A_1680 = tpu.vector_load_idx %arg14[%add3A_967, %add3A_1678] : memref<128x64xf32, #tpu.memory_space<vmem>>[vector<16xi32>, vector<16xi32>], vector<16xf32>,
        %add3A_1681 = vector.broadcast %scan3A_1674 : i32 to vector<16xi32>
        %add3A_1682 = arith.addi %mul3A_975, %add3A_1681 : vector<16xi32>
        %gather3A_1683 = tpu.vector_load_idx %arg17[%iota3A_956, %add3A_1682] : memref<16x128xf32, #tpu.memory_space<vmem>>[vector<16xi32>, vector<16xi32>], vector<16xf32>,
        %add3A_1684 = vector.broadcast %scan3A_1674 : i32 to vector<16xi32>
        %add3A_1685 = arith.addi %mul3A_975, %add3A_1684 : vector<16xi32>
        %gather3A_1686 = tpu.vector_load_idx %arg18[%iota3A_956, %add3A_1685] : memref<16x128xf32, #tpu.memory_space<vmem>>[vector<16xi32>, vector<16xi32>], vector<16xf32>,
        %sub3A_1687 = arith.subf %gather3A_1679, %gather3A_1680 : vector<16xf32>
        %add3A_1688 = arith.addf %sub3A_1687, %gather3A_1683 : vector<16xf32>
        %mul3A_1689 = arith.mulf %add3A_1688, %add3A_1688 : vector<16xf32>
        %add3A_1690 = arith.addf %add3A_1666, %mul3A_1689 : vector<16xf32>
        %mul3A_1691 = arith.mulf %add3A_1688, %gather3A_1686 : vector<16xf32>
        %add3A_1692 = arith.addf %add3A_1668, %mul3A_1691 : vector<16xf32>
        %mul3A_1693 = arith.mulf %gather3A_1683, %gather3A_1686 : vector<16xf32>
        %add3A_1694 = arith.addf %add3A_1670, %mul3A_1693 : vector<16xf32>
        %mul3A_1695 = arith.mulf %gather3A_1686, %gather3A_1686 : vector<16xf32>
        %add3A_1696 = arith.addf %add3A_1672, %mul3A_1695 : vector<16xf32>
        %scan3A_1697 = arith.constant 4 : i32
        %scan3A_1698 = arith.addi %scan3A_1599, %scan3A_1697 : i32
        %broadcast_in_dim3A_1699 = arith.constant 0 : i32
        %broadcast_in_dim3A_1700 = vector.broadcast %broadcast_in_dim3A_1699 : i32 to vector<16xi32>
        %add3A_1701 = vector.broadcast %scan3A_1698 : i32 to vector<16xi32>
        %add3A_1702 = arith.addi %broadcast_in_dim3A_1700, %add3A_1701 : vector<16xi32>
        %gather3A_1703 = tpu.vector_load_idx %arg13[%add3A_961, %add3A_1702] : memref<128x64xf32, #tpu.memory_space<vmem>>[vector<16xi32>, vector<16xi32>], vector<16xf32>,
        %gather3A_1704 = tpu.vector_load_idx %arg14[%add3A_967, %add3A_1702] : memref<128x64xf32, #tpu.memory_space<vmem>>[vector<16xi32>, vector<16xi32>], vector<16xf32>,
        %add3A_1705 = vector.broadcast %scan3A_1698 : i32 to vector<16xi32>
        %add3A_1706 = arith.addi %mul3A_975, %add3A_1705 : vector<16xi32>
        %gather3A_1707 = tpu.vector_load_idx %arg17[%iota3A_956, %add3A_1706] : memref<16x128xf32, #tpu.memory_space<vmem>>[vector<16xi32>, vector<16xi32>], vector<16xf32>,
        %add3A_1708 = vector.broadcast %scan3A_1698 : i32 to vector<16xi32>
        %add3A_1709 = arith.addi %mul3A_975, %add3A_1708 : vector<16xi32>
        %gather3A_1710 = tpu.vector_load_idx %arg18[%iota3A_956, %add3A_1709] : memref<16x128xf32, #tpu.memory_space<vmem>>[vector<16xi32>, vector<16xi32>], vector<16xf32>,
        %sub3A_1711 = arith.subf %gather3A_1703, %gather3A_1704 : vector<16xf32>
        %add3A_1712 = arith.addf %sub3A_1711, %gather3A_1707 : vector<16xf32>
        %mul3A_1713 = arith.mulf %add3A_1712, %add3A_1712 : vector<16xf32>
        %add3A_1714 = arith.addf %add3A_1690, %mul3A_1713 : vector<16xf32>
        %mul3A_1715 = arith.mulf %add3A_1712, %gather3A_1710 : vector<16xf32>
        %add3A_1716 = arith.addf %add3A_1692, %mul3A_1715 : vector<16xf32>
        %mul3A_1717 = arith.mulf %gather3A_1707, %gather3A_1710 : vector<16xf32>
        %add3A_1718 = arith.addf %add3A_1694, %mul3A_1717 : vector<16xf32>
        %mul3A_1719 = arith.mulf %gather3A_1710, %gather3A_1710 : vector<16xf32>
        %add3A_1720 = arith.addf %add3A_1696, %mul3A_1719 : vector<16xf32>
        %scan3A_1721 = arith.constant 5 : i32
        %scan3A_1722 = arith.addi %scan3A_1599, %scan3A_1721 : i32
        %broadcast_in_dim3A_1723 = arith.constant 0 : i32
        %broadcast_in_dim3A_1724 = vector.broadcast %broadcast_in_dim3A_1723 : i32 to vector<16xi32>
        %add3A_1725 = vector.broadcast %scan3A_1722 : i32 to vector<16xi32>
        %add3A_1726 = arith.addi %broadcast_in_dim3A_1724, %add3A_1725 : vector<16xi32>
        %gather3A_1727 = tpu.vector_load_idx %arg13[%add3A_961, %add3A_1726] : memref<128x64xf32, #tpu.memory_space<vmem>>[vector<16xi32>, vector<16xi32>], vector<16xf32>,
        %gather3A_1728 = tpu.vector_load_idx %arg14[%add3A_967, %add3A_1726] : memref<128x64xf32, #tpu.memory_space<vmem>>[vector<16xi32>, vector<16xi32>], vector<16xf32>,
        %add3A_1729 = vector.broadcast %scan3A_1722 : i32 to vector<16xi32>
        %add3A_1730 = arith.addi %mul3A_975, %add3A_1729 : vector<16xi32>
        %gather3A_1731 = tpu.vector_load_idx %arg17[%iota3A_956, %add3A_1730] : memref<16x128xf32, #tpu.memory_space<vmem>>[vector<16xi32>, vector<16xi32>], vector<16xf32>,
        %add3A_1732 = vector.broadcast %scan3A_1722 : i32 to vector<16xi32>
        %add3A_1733 = arith.addi %mul3A_975, %add3A_1732 : vector<16xi32>
        %gather3A_1734 = tpu.vector_load_idx %arg18[%iota3A_956, %add3A_1733] : memref<16x128xf32, #tpu.memory_space<vmem>>[vector<16xi32>, vector<16xi32>], vector<16xf32>,
        %sub3A_1735 = arith.subf %gather3A_1727, %gather3A_1728 : vector<16xf32>
        %add3A_1736 = arith.addf %sub3A_1735, %gather3A_1731 : vector<16xf32>
        %mul3A_1737 = arith.mulf %add3A_1736, %add3A_1736 : vector<16xf32>
        %add3A_1738 = arith.addf %add3A_1714, %mul3A_1737 : vector<16xf32>
        %mul3A_1739 = arith.mulf %add3A_1736, %gather3A_1734 : vector<16xf32>
        %add3A_1740 = arith.addf %add3A_1716, %mul3A_1739 : vector<16xf32>
        %mul3A_1741 = arith.mulf %gather3A_1731, %gather3A_1734 : vector<16xf32>
        %add3A_1742 = arith.addf %add3A_1718, %mul3A_1741 : vector<16xf32>
        %mul3A_1743 = arith.mulf %gather3A_1734, %gather3A_1734 : vector<16xf32>
        %add3A_1744 = arith.addf %add3A_1720, %mul3A_1743 : vector<16xf32>
        %scan3A_1745 = arith.constant 6 : i32
        %scan3A_1746 = arith.addi %scan3A_1599, %scan3A_1745 : i32
        %broadcast_in_dim3A_1747 = arith.constant 0 : i32
        %broadcast_in_dim3A_1748 = vector.broadcast %broadcast_in_dim3A_1747 : i32 to vector<16xi32>
        %add3A_1749 = vector.broadcast %scan3A_1746 : i32 to vector<16xi32>
        %add3A_1750 = arith.addi %broadcast_in_dim3A_1748, %add3A_1749 : vector<16xi32>
        %gather3A_1751 = tpu.vector_load_idx %arg13[%add3A_961, %add3A_1750] : memref<128x64xf32, #tpu.memory_space<vmem>>[vector<16xi32>, vector<16xi32>], vector<16xf32>,
        %gather3A_1752 = tpu.vector_load_idx %arg14[%add3A_967, %add3A_1750] : memref<128x64xf32, #tpu.memory_space<vmem>>[vector<16xi32>, vector<16xi32>], vector<16xf32>,
        %add3A_1753 = vector.broadcast %scan3A_1746 : i32 to vector<16xi32>
        %add3A_1754 = arith.addi %mul3A_975, %add3A_1753 : vector<16xi32>
        %gather3A_1755 = tpu.vector_load_idx %arg17[%iota3A_956, %add3A_1754] : memref<16x128xf32, #tpu.memory_space<vmem>>[vector<16xi32>, vector<16xi32>], vector<16xf32>,
        %add3A_1756 = vector.broadcast %scan3A_1746 : i32 to vector<16xi32>
        %add3A_1757 = arith.addi %mul3A_975, %add3A_1756 : vector<16xi32>
        %gather3A_1758 = tpu.vector_load_idx %arg18[%iota3A_956, %add3A_1757] : memref<16x128xf32, #tpu.memory_space<vmem>>[vector<16xi32>, vector<16xi32>], vector<16xf32>,
        %sub3A_1759 = arith.subf %gather3A_1751, %gather3A_1752 : vector<16xf32>
        %add3A_1760 = arith.addf %sub3A_1759, %gather3A_1755 : vector<16xf32>
        %mul3A_1761 = arith.mulf %add3A_1760, %add3A_1760 : vector<16xf32>
        %add3A_1762 = arith.addf %add3A_1738, %mul3A_1761 : vector<16xf32>
        %mul3A_1763 = arith.mulf %add3A_1760, %gather3A_1758 : vector<16xf32>
        %add3A_1764 = arith.addf %add3A_1740, %mul3A_1763 : vector<16xf32>
        %mul3A_1765 = arith.mulf %gather3A_1755, %gather3A_1758 : vector<16xf32>
        %add3A_1766 = arith.addf %add3A_1742, %mul3A_1765 : vector<16xf32>
        %mul3A_1767 = arith.mulf %gather3A_1758, %gather3A_1758 : vector<16xf32>
        %add3A_1768 = arith.addf %add3A_1744, %mul3A_1767 : vector<16xf32>
        %scan3A_1769 = arith.constant 7 : i32
        %scan3A_1770 = arith.addi %scan3A_1599, %scan3A_1769 : i32
        %broadcast_in_dim3A_1771 = arith.constant 0 : i32
        %broadcast_in_dim3A_1772 = vector.broadcast %broadcast_in_dim3A_1771 : i32 to vector<16xi32>
        %add3A_1773 = vector.broadcast %scan3A_1770 : i32 to vector<16xi32>
        %add3A_1774 = arith.addi %broadcast_in_dim3A_1772, %add3A_1773 : vector<16xi32>
        %gather3A_1775 = tpu.vector_load_idx %arg13[%add3A_961, %add3A_1774] : memref<128x64xf32, #tpu.memory_space<vmem>>[vector<16xi32>, vector<16xi32>], vector<16xf32>,
        %gather3A_1776 = tpu.vector_load_idx %arg14[%add3A_967, %add3A_1774] : memref<128x64xf32, #tpu.memory_space<vmem>>[vector<16xi32>, vector<16xi32>], vector<16xf32>,
        %add3A_1777 = vector.broadcast %scan3A_1770 : i32 to vector<16xi32>
        %add3A_1778 = arith.addi %mul3A_975, %add3A_1777 : vector<16xi32>
        %gather3A_1779 = tpu.vector_load_idx %arg17[%iota3A_956, %add3A_1778] : memref<16x128xf32, #tpu.memory_space<vmem>>[vector<16xi32>, vector<16xi32>], vector<16xf32>,
        %add3A_1780 = vector.broadcast %scan3A_1770 : i32 to vector<16xi32>
        %add3A_1781 = arith.addi %mul3A_975, %add3A_1780 : vector<16xi32>
        %gather3A_1782 = tpu.vector_load_idx %arg18[%iota3A_956, %add3A_1781] : memref<16x128xf32, #tpu.memory_space<vmem>>[vector<16xi32>, vector<16xi32>], vector<16xf32>,
        %sub3A_1783 = arith.subf %gather3A_1775, %gather3A_1776 : vector<16xf32>
        %add3A_1784 = arith.addf %sub3A_1783, %gather3A_1779 : vector<16xf32>
        %mul3A_1785 = arith.mulf %add3A_1784, %add3A_1784 : vector<16xf32>
        %add3A_1786 = arith.addf %add3A_1762, %mul3A_1785 : vector<16xf32>
        %mul3A_1787 = arith.mulf %add3A_1784, %gather3A_1782 : vector<16xf32>
        %add3A_1788 = arith.addf %add3A_1764, %mul3A_1787 : vector<16xf32>
        %mul3A_1789 = arith.mulf %gather3A_1779, %gather3A_1782 : vector<16xf32>
        %add3A_1790 = arith.addf %add3A_1766, %mul3A_1789 : vector<16xf32>
        %mul3A_1791 = arith.mulf %gather3A_1782, %gather3A_1782 : vector<16xf32>
        %add3A_1792 = arith.addf %add3A_1768, %mul3A_1791 : vector<16xf32>
        scf.yield %add3A_1786, %add3A_1788, %add3A_1790, %add3A_1792 : vector<16xf32>, vector<16xf32>, vector<16xf32>, vector<16xf32>
      }
      %scan3A_982 = arith.constant 64 : i32
      %sub3A = arith.subf %scan3A_981#1, %scan3A_981#2 : vector<16xf32>
      %max3A = arith.constant 1.000000e-24 : f32
      %max3A_983 = vector.broadcast %max3A : f32 to vector<16xf32>
      %max3A_984 = arith.maximumf %scan3A_981#3, %max3A_983 : vector<16xf32>
      %div3A = arith.divf %sub3A, %max3A_984 : vector<16xf32>
      %mul3A_985 = arith.constant 2.000000e+00 : f32
      %mul3A_986 = vector.broadcast %mul3A_985 : f32 to vector<16xf32>
      %mul3A_987 = arith.mulf %mul3A_986, %div3A : vector<16xf32>
      %mul3A_988 = arith.mulf %mul3A_987, %scan3A_981#1 : vector<16xf32>
      %sub3A_989 = arith.subf %scan3A_981#0, %mul3A_988 : vector<16xf32>
      %mul3A_990 = arith.mulf %div3A, %div3A : vector<16xf32>
      %mul3A_991 = arith.mulf %mul3A_990, %scan3A_981#3 : vector<16xf32>
      %add3A_992 = arith.addf %sub3A_989, %mul3A_991 : vector<16xf32>
      %max3A_993 = arith.constant 0.000000e+00 : f32
      %max3A_994 = vector.broadcast %max3A_993 : f32 to vector<16xf32>
      %max3A_995 = arith.maximumf %add3A_992, %max3A_994 : vector<16xf32>
      %max3A_996 = arith.constant 1.000000e-30 : f32
      %max3A_997 = vector.broadcast %max3A_996 : f32 to vector<16xf32>
      %max3A_998 = arith.maximumf %max3A_995, %max3A_997 : vector<16xf32>
      %bitcast3A = vector.bitcast %max3A_998 : vector<16xf32> to vector<16xi32>
      %shift_right_arithmetic3A_999 = arith.constant 1 : i32
      %shift_right_arithmetic3A_1000 = vector.broadcast %shift_right_arithmetic3A_999 : i32 to vector<16xi32>
      %shift_right_arithmetic3A_1001 = arith.shrsi %bitcast3A, %shift_right_arithmetic3A_1000 : vector<16xi32>
      %sub3A_1002 = arith.constant 1597463007 : i32
      %sub3A_1003 = vector.broadcast %sub3A_1002 : i32 to vector<16xi32>
      %sub3A_1004 = arith.subi %sub3A_1003, %shift_right_arithmetic3A_1001 : vector<16xi32>
      %bitcast3A_1005 = vector.bitcast %sub3A_1004 : vector<16xi32> to vector<16xf32>
      %mul3A_1006 = arith.constant 5.000000e-01 : f32
      %mul3A_1007 = vector.broadcast %mul3A_1006 : f32 to vector<16xf32>
      %mul3A_1008 = arith.mulf %mul3A_1007, %max3A_998 : vector<16xf32>
      %mul3A_1009 = arith.mulf %mul3A_1008, %bitcast3A_1005 : vector<16xf32>
      %mul3A_1010 = arith.mulf %mul3A_1009, %bitcast3A_1005 : vector<16xf32>
      %sub3A_1011 = arith.constant 1.500000e+00 : f32
      %sub3A_1012 = vector.broadcast %sub3A_1011 : f32 to vector<16xf32>
      %sub3A_1013 = arith.subf %sub3A_1012, %mul3A_1010 : vector<16xf32>
      %mul3A_1014 = arith.mulf %bitcast3A_1005, %sub3A_1013 : vector<16xf32>
      %mul3A_1015 = arith.constant 5.000000e-01 : f32
      %mul3A_1016 = vector.broadcast %mul3A_1015 : f32 to vector<16xf32>
      %mul3A_1017 = arith.mulf %mul3A_1016, %max3A_998 : vector<16xf32>
      %mul3A_1018 = arith.mulf %mul3A_1017, %mul3A_1014 : vector<16xf32>
      %mul3A_1019 = arith.mulf %mul3A_1018, %mul3A_1014 : vector<16xf32>
      %sub3A_1020 = arith.constant 1.500000e+00 : f32
      %sub3A_1021 = vector.broadcast %sub3A_1020 : f32 to vector<16xf32>
      %sub3A_1022 = arith.subf %sub3A_1021, %mul3A_1019 : vector<16xf32>
      %mul3A_1023 = arith.mulf %mul3A_1014, %sub3A_1022 : vector<16xf32>
      %mul3A_1024 = arith.constant 5.000000e-01 : f32
      %mul3A_1025 = vector.broadcast %mul3A_1024 : f32 to vector<16xf32>
      %mul3A_1026 = arith.mulf %mul3A_1025, %max3A_998 : vector<16xf32>
      %mul3A_1027 = arith.mulf %mul3A_1026, %mul3A_1023 : vector<16xf32>
      %mul3A_1028 = arith.mulf %mul3A_1027, %mul3A_1023 : vector<16xf32>
      %sub3A_1029 = arith.constant 1.500000e+00 : f32
      %sub3A_1030 = vector.broadcast %sub3A_1029 : f32 to vector<16xf32>
      %sub3A_1031 = arith.subf %sub3A_1030, %mul3A_1028 : vector<16xf32>
      %mul3A_1032 = arith.mulf %mul3A_1023, %sub3A_1031 : vector<16xf32>
      %mul3A_1033 = arith.mulf %max3A_998, %mul3A_1032 : vector<16xf32>
      %swap3A = arith.index_cast %mul3A_952 : i32 to index
      %swap3A_1034 = tpu.vector_load %arg21[%swap3A] {strides = array<i32>} : memref<512xf32, #tpu.memory_space<vmem>>, vector<16xf32>,
      tpu.vector_store %arg21[%swap3A], %mul3A_1033 {strides = array<i32>} : memref<512xf32, #tpu.memory_space<vmem>>, vector<16xf32>,
      %add3A_1035 = arith.constant 1 : i32
      %add3A_1036 = arith.addi %add3A_482, %add3A_1035 : i32
      %min3A = arith.constant 31 : i32
      %min3A_1037 = arith.minsi %add3A_1036, %min3A : i32
      %mul3A_1038 = arith.constant 16 : i32
      %mul3A_1039 = arith.muli %min3A_1037, %mul3A_1038 : i32
      %get3A_1040 = arith.index_cast %mul3A_1039 : i32 to index
      %get3A_1041 = tpu.vector_load %arg9[%get3A_1040] {strides = array<i32>} : memref<512xi32, #tpu.memory_space<vmem>>, vector<16xi32>,
      %shift_right_arithmetic3A_1042 = arith.constant 3 : i32
      %shift_right_arithmetic3A_1043 = vector.broadcast %shift_right_arithmetic3A_1042 : i32 to vector<16xi32>
      %shift_right_arithmetic3A_1044 = arith.shrsi %get3A_1041, %shift_right_arithmetic3A_1043 : vector<16xi32>
      %mul3A_1045 = arith.constant 8 : i32
      %mul3A_1046 = vector.broadcast %mul3A_1045 : i32 to vector<16xi32>
      %mul3A_1047 = arith.muli %shift_right_arithmetic3A_1044, %mul3A_1046 : vector<16xi32>
      %get3A_1048 = arith.index_cast %mul3A_1039 : i32 to index
      %get3A_1049 = tpu.vector_load %arg10[%get3A_1048] {strides = array<i32>} : memref<512xi32, #tpu.memory_space<vmem>>, vector<16xi32>,
      %shift_right_arithmetic3A_1050 = arith.constant 3 : i32
      %shift_right_arithmetic3A_1051 = vector.broadcast %shift_right_arithmetic3A_1050 : i32 to vector<16xi32>
      %shift_right_arithmetic3A_1052 = arith.shrsi %get3A_1049, %shift_right_arithmetic3A_1051 : vector<16xi32>
      %mul3A_1053 = arith.constant 8 : i32
      %mul3A_1054 = vector.broadcast %mul3A_1053 : i32 to vector<16xi32>
      %mul3A_1055 = arith.muli %shift_right_arithmetic3A_1052, %mul3A_1054 : vector<16xi32>
      %slice3A_1056 = vector.extract_strided_slice %mul3A_1047 {offsets = [0], sizes = [1], strides = [1]} : vector<16xi32> to vector<1xi32>
      %squeeze3A_1057 = vector.extract %slice3A_1056[0] : i32 from vector<1xi32>
      %multiple_of3A_1058 = tpu.assume_multiple %squeeze3A_1057, 8 : i32
      %slice3A_1059 = vector.extract_strided_slice %mul3A_1055 {offsets = [0], sizes = [1], strides = [1]} : vector<16xi32> to vector<1xi32>
      %squeeze3A_1060 = vector.extract %slice3A_1059[0] : i32 from vector<1xi32>
      %multiple_of3A_1061 = tpu.assume_multiple %squeeze3A_1060, 8 : i32
      %dma_start3A_1062 = arith.constant 0 : i32
      %dma_start3A_1063 = arith.constant 0 : i32
      %dma_start3A_1064 = tpu.memref_slice %arg13[%dma_start3A_1062, %dma_start3A_1063] : memref<128x64xf32, #tpu.memory_space<vmem>> -> memref<8x64xf32, #tpu.memory_space<vmem>>
      %dma_start3A_1065 = arith.constant 0 : i32
      %dma_start3A_1066 = tpu.memref_slice %arg5[%multiple_of3A_1058, %dma_start3A_1065] : memref<1000000x64xf32, #tpu.memory_space<hbm>> -> memref<8x64xf32, #tpu.memory_space<hbm>>
      %dma_start3A_1067 = arith.constant 0 : i32
      %dma_start3A_1068 = arith.constant 0 : i32
      %dma_start3A_1069 = tpu.memref_slice %arg13[%dma_start3A_1067, %dma_start3A_1068] : memref<128x64xf32, #tpu.memory_space<vmem>> -> memref<8x64xf32, #tpu.memory_space<vmem>>
      %dma_start3A_1070 = arith.constant 0 : i32
      %dma_start3A_1071 = tpu.memref_slice %arg5[%multiple_of3A_1058, %dma_start3A_1070] : memref<1000000x64xf32, #tpu.memory_space<hbm>> -> memref<8x64xf32, #tpu.memory_space<hbm>>
      tpu.enqueue_dma source(%dma_start3A_1071 : memref<8x64xf32, #tpu.memory_space<hbm>>) target(%dma_start3A_1069 : memref<8x64xf32, #tpu.memory_space<vmem>>) target_semaphore(%arg22 : memref<!tpu.dma_semaphore, #tpu.memory_space<semaphore_mem>>)
      %dma_start3A_1072 = arith.constant 0 : i32
      %dma_start3A_1073 = arith.constant 0 : i32
      %dma_start3A_1074 = tpu.memref_slice %arg14[%dma_start3A_1072, %dma_start3A_1073] : memref<128x64xf32, #tpu.memory_space<vmem>> -> memref<8x64xf32, #tpu.memory_space<vmem>>
      %dma_start3A_1075 = arith.constant 0 : i32
      %dma_start3A_1076 = tpu.memref_slice %arg5[%multiple_of3A_1061, %dma_start3A_1075] : memref<1000000x64xf32, #tpu.memory_space<hbm>> -> memref<8x64xf32, #tpu.memory_space<hbm>>
      %dma_start3A_1077 = arith.constant 0 : i32
      %dma_start3A_1078 = arith.constant 0 : i32
      %dma_start3A_1079 = tpu.memref_slice %arg14[%dma_start3A_1077, %dma_start3A_1078] : memref<128x64xf32, #tpu.memory_space<vmem>> -> memref<8x64xf32, #tpu.memory_space<vmem>>
      %dma_start3A_1080 = arith.constant 0 : i32
      %dma_start3A_1081 = tpu.memref_slice %arg5[%multiple_of3A_1061, %dma_start3A_1080] : memref<1000000x64xf32, #tpu.memory_space<hbm>> -> memref<8x64xf32, #tpu.memory_space<hbm>>
      tpu.enqueue_dma source(%dma_start3A_1081 : memref<8x64xf32, #tpu.memory_space<hbm>>) target(%dma_start3A_1079 : memref<8x64xf32, #tpu.memory_space<vmem>>) target_semaphore(%arg22 : memref<!tpu.dma_semaphore, #tpu.memory_space<semaphore_mem>>)
      %slice3A_1082 = vector.extract_strided_slice %mul3A_1047 {offsets = [1], sizes = [1], strides = [1]} : vector<16xi32> to vector<1xi32>
      %squeeze3A_1083 = vector.extract %slice3A_1082[0] : i32 from vector<1xi32>
      %multiple_of3A_1084 = tpu.assume_multiple %squeeze3A_1083, 8 : i32
      %slice3A_1085 = vector.extract_strided_slice %mul3A_1055 {offsets = [1], sizes = [1], strides = [1]} : vector<16xi32> to vector<1xi32>
      %squeeze3A_1086 = vector.extract %slice3A_1085[0] : i32 from vector<1xi32>
      %multiple_of3A_1087 = tpu.assume_multiple %squeeze3A_1086, 8 : i32
      %dma_start3A_1088 = arith.constant 8 : i32
      %dma_start3A_1089 = arith.constant 0 : i32
      %dma_start3A_1090 = tpu.memref_slice %arg13[%dma_start3A_1088, %dma_start3A_1089] : memref<128x64xf32, #tpu.memory_space<vmem>> -> memref<8x64xf32, #tpu.memory_space<vmem>>
      %dma_start3A_1091 = arith.constant 0 : i32
      %dma_start3A_1092 = tpu.memref_slice %arg5[%multiple_of3A_1084, %dma_start3A_1091] : memref<1000000x64xf32, #tpu.memory_space<hbm>> -> memref<8x64xf32, #tpu.memory_space<hbm>>
      %dma_start3A_1093 = arith.constant 8 : i32
      %dma_start3A_1094 = arith.constant 0 : i32
      %dma_start3A_1095 = tpu.memref_slice %arg13[%dma_start3A_1093, %dma_start3A_1094] : memref<128x64xf32, #tpu.memory_space<vmem>> -> memref<8x64xf32, #tpu.memory_space<vmem>>
      %dma_start3A_1096 = arith.constant 0 : i32
      %dma_start3A_1097 = tpu.memref_slice %arg5[%multiple_of3A_1084, %dma_start3A_1096] : memref<1000000x64xf32, #tpu.memory_space<hbm>> -> memref<8x64xf32, #tpu.memory_space<hbm>>
      tpu.enqueue_dma source(%dma_start3A_1097 : memref<8x64xf32, #tpu.memory_space<hbm>>) target(%dma_start3A_1095 : memref<8x64xf32, #tpu.memory_space<vmem>>) target_semaphore(%arg22 : memref<!tpu.dma_semaphore, #tpu.memory_space<semaphore_mem>>)
      %dma_start3A_1098 = arith.constant 8 : i32
      %dma_start3A_1099 = arith.constant 0 : i32
      %dma_start3A_1100 = tpu.memref_slice %arg14[%dma_start3A_1098, %dma_start3A_1099] : memref<128x64xf32, #tpu.memory_space<vmem>> -> memref<8x64xf32, #tpu.memory_space<vmem>>
      %dma_start3A_1101 = arith.constant 0 : i32
      %dma_start3A_1102 = tpu.memref_slice %arg5[%multiple_of3A_1087, %dma_start3A_1101] : memref<1000000x64xf32, #tpu.memory_space<hbm>> -> memref<8x64xf32, #tpu.memory_space<hbm>>
      %dma_start3A_1103 = arith.constant 8 : i32
      %dma_start3A_1104 = arith.constant 0 : i32
      %dma_start3A_1105 = tpu.memref_slice %arg14[%dma_start3A_1103, %dma_start3A_1104] : memref<128x64xf32, #tpu.memory_space<vmem>> -> memref<8x64xf32, #tpu.memory_space<vmem>>
      %dma_start3A_1106 = arith.constant 0 : i32
      %dma_start3A_1107 = tpu.memref_slice %arg5[%multiple_of3A_1087, %dma_start3A_1106] : memref<1000000x64xf32, #tpu.memory_space<hbm>> -> memref<8x64xf32, #tpu.memory_space<hbm>>
      tpu.enqueue_dma source(%dma_start3A_1107 : memref<8x64xf32, #tpu.memory_space<hbm>>) target(%dma_start3A_1105 : memref<8x64xf32, #tpu.memory_space<vmem>>) target_semaphore(%arg22 : memref<!tpu.dma_semaphore, #tpu.memory_space<semaphore_mem>>)
      %slice3A_1108 = vector.extract_strided_slice %mul3A_1047 {offsets = [2], sizes = [1], strides = [1]} : vector<16xi32> to vector<1xi32>
      %squeeze3A_1109 = vector.extract %slice3A_1108[0] : i32 from vector<1xi32>
      %multiple_of3A_1110 = tpu.assume_multiple %squeeze3A_1109, 8 : i32
      %slice3A_1111 = vector.extract_strided_slice %mul3A_1055 {offsets = [2], sizes = [1], strides = [1]} : vector<16xi32> to vector<1xi32>
      %squeeze3A_1112 = vector.extract %slice3A_1111[0] : i32 from vector<1xi32>
      %multiple_of3A_1113 = tpu.assume_multiple %squeeze3A_1112, 8 : i32
      %dma_start3A_1114 = arith.constant 16 : i32
      %dma_start3A_1115 = arith.constant 0 : i32
      %dma_start3A_1116 = tpu.memref_slice %arg13[%dma_start3A_1114, %dma_start3A_1115] : memref<128x64xf32, #tpu.memory_space<vmem>> -> memref<8x64xf32, #tpu.memory_space<vmem>>
      %dma_start3A_1117 = arith.constant 0 : i32
      %dma_start3A_1118 = tpu.memref_slice %arg5[%multiple_of3A_1110, %dma_start3A_1117] : memref<1000000x64xf32, #tpu.memory_space<hbm>> -> memref<8x64xf32, #tpu.memory_space<hbm>>
      %dma_start3A_1119 = arith.constant 16 : i32
      %dma_start3A_1120 = arith.constant 0 : i32
      %dma_start3A_1121 = tpu.memref_slice %arg13[%dma_start3A_1119, %dma_start3A_1120] : memref<128x64xf32, #tpu.memory_space<vmem>> -> memref<8x64xf32, #tpu.memory_space<vmem>>
      %dma_start3A_1122 = arith.constant 0 : i32
      %dma_start3A_1123 = tpu.memref_slice %arg5[%multiple_of3A_1110, %dma_start3A_1122] : memref<1000000x64xf32, #tpu.memory_space<hbm>> -> memref<8x64xf32, #tpu.memory_space<hbm>>
      tpu.enqueue_dma source(%dma_start3A_1123 : memref<8x64xf32, #tpu.memory_space<hbm>>) target(%dma_start3A_1121 : memref<8x64xf32, #tpu.memory_space<vmem>>) target_semaphore(%arg22 : memref<!tpu.dma_semaphore, #tpu.memory_space<semaphore_mem>>)
      %dma_start3A_1124 = arith.constant 16 : i32
      %dma_start3A_1125 = arith.constant 0 : i32
      %dma_start3A_1126 = tpu.memref_slice %arg14[%dma_start3A_1124, %dma_start3A_1125] : memref<128x64xf32, #tpu.memory_space<vmem>> -> memref<8x64xf32, #tpu.memory_space<vmem>>
      %dma_start3A_1127 = arith.constant 0 : i32
      %dma_start3A_1128 = tpu.memref_slice %arg5[%multiple_of3A_1113, %dma_start3A_1127] : memref<1000000x64xf32, #tpu.memory_space<hbm>> -> memref<8x64xf32, #tpu.memory_space<hbm>>
      %dma_start3A_1129 = arith.constant 16 : i32
      %dma_start3A_1130 = arith.constant 0 : i32
      %dma_start3A_1131 = tpu.memref_slice %arg14[%dma_start3A_1129, %dma_start3A_1130] : memref<128x64xf32, #tpu.memory_space<vmem>> -> memref<8x64xf32, #tpu.memory_space<vmem>>
      %dma_start3A_1132 = arith.constant 0 : i32
      %dma_start3A_1133 = tpu.memref_slice %arg5[%multiple_of3A_1113, %dma_start3A_1132] : memref<1000000x64xf32, #tpu.memory_space<hbm>> -> memref<8x64xf32, #tpu.memory_space<hbm>>
      tpu.enqueue_dma source(%dma_start3A_1133 : memref<8x64xf32, #tpu.memory_space<hbm>>) target(%dma_start3A_1131 : memref<8x64xf32, #tpu.memory_space<vmem>>) target_semaphore(%arg22 : memref<!tpu.dma_semaphore, #tpu.memory_space<semaphore_mem>>)
      %slice3A_1134 = vector.extract_strided_slice %mul3A_1047 {offsets = [3], sizes = [1], strides = [1]} : vector<16xi32> to vector<1xi32>
      %squeeze3A_1135 = vector.extract %slice3A_1134[0] : i32 from vector<1xi32>
      %multiple_of3A_1136 = tpu.assume_multiple %squeeze3A_1135, 8 : i32
      %slice3A_1137 = vector.extract_strided_slice %mul3A_1055 {offsets = [3], sizes = [1], strides = [1]} : vector<16xi32> to vector<1xi32>
      %squeeze3A_1138 = vector.extract %slice3A_1137[0] : i32 from vector<1xi32>
      %multiple_of3A_1139 = tpu.assume_multiple %squeeze3A_1138, 8 : i32
      %dma_start3A_1140 = arith.constant 24 : i32
      %dma_start3A_1141 = arith.constant 0 : i32
      %dma_start3A_1142 = tpu.memref_slice %arg13[%dma_start3A_1140, %dma_start3A_1141] : memref<128x64xf32, #tpu.memory_space<vmem>> -> memref<8x64xf32, #tpu.memory_space<vmem>>
      %dma_start3A_1143 = arith.constant 0 : i32
      %dma_start3A_1144 = tpu.memref_slice %arg5[%multiple_of3A_1136, %dma_start3A_1143] : memref<1000000x64xf32, #tpu.memory_space<hbm>> -> memref<8x64xf32, #tpu.memory_space<hbm>>
      %dma_start3A_1145 = arith.constant 24 : i32
      %dma_start3A_1146 = arith.constant 0 : i32
      %dma_start3A_1147 = tpu.memref_slice %arg13[%dma_start3A_1145, %dma_start3A_1146] : memref<128x64xf32, #tpu.memory_space<vmem>> -> memref<8x64xf32, #tpu.memory_space<vmem>>
      %dma_start3A_1148 = arith.constant 0 : i32
      %dma_start3A_1149 = tpu.memref_slice %arg5[%multiple_of3A_1136, %dma_start3A_1148] : memref<1000000x64xf32, #tpu.memory_space<hbm>> -> memref<8x64xf32, #tpu.memory_space<hbm>>
      tpu.enqueue_dma source(%dma_start3A_1149 : memref<8x64xf32, #tpu.memory_space<hbm>>) target(%dma_start3A_1147 : memref<8x64xf32, #tpu.memory_space<vmem>>) target_semaphore(%arg22 : memref<!tpu.dma_semaphore, #tpu.memory_space<semaphore_mem>>)
      %dma_start3A_1150 = arith.constant 24 : i32
      %dma_start3A_1151 = arith.constant 0 : i32
      %dma_start3A_1152 = tpu.memref_slice %arg14[%dma_start3A_1150, %dma_start3A_1151] : memref<128x64xf32, #tpu.memory_space<vmem>> -> memref<8x64xf32, #tpu.memory_space<vmem>>
      %dma_start3A_1153 = arith.constant 0 : i32
      %dma_start3A_1154 = tpu.memref_slice %arg5[%multiple_of3A_1139, %dma_start3A_1153] : memref<1000000x64xf32, #tpu.memory_space<hbm>> -> memref<8x64xf32, #tpu.memory_space<hbm>>
      %dma_start3A_1155 = arith.constant 24 : i32
      %dma_start3A_1156 = arith.constant 0 : i32
      %dma_start3A_1157 = tpu.memref_slice %arg14[%dma_start3A_1155, %dma_start3A_1156] : memref<128x64xf32, #tpu.memory_space<vmem>> -> memref<8x64xf32, #tpu.memory_space<vmem>>
      %dma_start3A_1158 = arith.constant 0 : i32
      %dma_start3A_1159 = tpu.memref_slice %arg5[%multiple_of3A_1139, %dma_start3A_1158] : memref<1000000x64xf32, #tpu.memory_space<hbm>> -> memref<8x64xf32, #tpu.memory_space<hbm>>
      tpu.enqueue_dma source(%dma_start3A_1159 : memref<8x64xf32, #tpu.memory_space<hbm>>) target(%dma_start3A_1157 : memref<8x64xf32, #tpu.memory_space<vmem>>) target_semaphore(%arg22 : memref<!tpu.dma_semaphore, #tpu.memory_space<semaphore_mem>>)
      %slice3A_1160 = vector.extract_strided_slice %mul3A_1047 {offsets = [4], sizes = [1], strides = [1]} : vector<16xi32> to vector<1xi32>
      %squeeze3A_1161 = vector.extract %slice3A_1160[0] : i32 from vector<1xi32>
      %multiple_of3A_1162 = tpu.assume_multiple %squeeze3A_1161, 8 : i32
      %slice3A_1163 = vector.extract_strided_slice %mul3A_1055 {offsets = [4], sizes = [1], strides = [1]} : vector<16xi32> to vector<1xi32>
      %squeeze3A_1164 = vector.extract %slice3A_1163[0] : i32 from vector<1xi32>
      %multiple_of3A_1165 = tpu.assume_multiple %squeeze3A_1164, 8 : i32
      %dma_start3A_1166 = arith.constant 32 : i32
      %dma_start3A_1167 = arith.constant 0 : i32
      %dma_start3A_1168 = tpu.memref_slice %arg13[%dma_start3A_1166, %dma_start3A_1167] : memref<128x64xf32, #tpu.memory_space<vmem>> -> memref<8x64xf32, #tpu.memory_space<vmem>>
      %dma_start3A_1169 = arith.constant 0 : i32
      %dma_start3A_1170 = tpu.memref_slice %arg5[%multiple_of3A_1162, %dma_start3A_1169] : memref<1000000x64xf32, #tpu.memory_space<hbm>> -> memref<8x64xf32, #tpu.memory_space<hbm>>
      %dma_start3A_1171 = arith.constant 32 : i32
      %dma_start3A_1172 = arith.constant 0 : i32
      %dma_start3A_1173 = tpu.memref_slice %arg13[%dma_start3A_1171, %dma_start3A_1172] : memref<128x64xf32, #tpu.memory_space<vmem>> -> memref<8x64xf32, #tpu.memory_space<vmem>>
      %dma_start3A_1174 = arith.constant 0 : i32
      %dma_start3A_1175 = tpu.memref_slice %arg5[%multiple_of3A_1162, %dma_start3A_1174] : memref<1000000x64xf32, #tpu.memory_space<hbm>> -> memref<8x64xf32, #tpu.memory_space<hbm>>
      tpu.enqueue_dma source(%dma_start3A_1175 : memref<8x64xf32, #tpu.memory_space<hbm>>) target(%dma_start3A_1173 : memref<8x64xf32, #tpu.memory_space<vmem>>) target_semaphore(%arg22 : memref<!tpu.dma_semaphore, #tpu.memory_space<semaphore_mem>>)
      %dma_start3A_1176 = arith.constant 32 : i32
      %dma_start3A_1177 = arith.constant 0 : i32
      %dma_start3A_1178 = tpu.memref_slice %arg14[%dma_start3A_1176, %dma_start3A_1177] : memref<128x64xf32, #tpu.memory_space<vmem>> -> memref<8x64xf32, #tpu.memory_space<vmem>>
      %dma_start3A_1179 = arith.constant 0 : i32
      %dma_start3A_1180 = tpu.memref_slice %arg5[%multiple_of3A_1165, %dma_start3A_1179] : memref<1000000x64xf32, #tpu.memory_space<hbm>> -> memref<8x64xf32, #tpu.memory_space<hbm>>
      %dma_start3A_1181 = arith.constant 32 : i32
      %dma_start3A_1182 = arith.constant 0 : i32
      %dma_start3A_1183 = tpu.memref_slice %arg14[%dma_start3A_1181, %dma_start3A_1182] : memref<128x64xf32, #tpu.memory_space<vmem>> -> memref<8x64xf32, #tpu.memory_space<vmem>>
      %dma_start3A_1184 = arith.constant 0 : i32
      %dma_start3A_1185 = tpu.memref_slice %arg5[%multiple_of3A_1165, %dma_start3A_1184] : memref<1000000x64xf32, #tpu.memory_space<hbm>> -> memref<8x64xf32, #tpu.memory_space<hbm>>
      tpu.enqueue_dma source(%dma_start3A_1185 : memref<8x64xf32, #tpu.memory_space<hbm>>) target(%dma_start3A_1183 : memref<8x64xf32, #tpu.memory_space<vmem>>) target_semaphore(%arg22 : memref<!tpu.dma_semaphore, #tpu.memory_space<semaphore_mem>>)
      %slice3A_1186 = vector.extract_strided_slice %mul3A_1047 {offsets = [5], sizes = [1], strides = [1]} : vector<16xi32> to vector<1xi32>
      %squeeze3A_1187 = vector.extract %slice3A_1186[0] : i32 from vector<1xi32>
      %multiple_of3A_1188 = tpu.assume_multiple %squeeze3A_1187, 8 : i32
      %slice3A_1189 = vector.extract_strided_slice %mul3A_1055 {offsets = [5], sizes = [1], strides = [1]} : vector<16xi32> to vector<1xi32>
      %squeeze3A_1190 = vector.extract %slice3A_1189[0] : i32 from vector<1xi32>
      %multiple_of3A_1191 = tpu.assume_multiple %squeeze3A_1190, 8 : i32
      %dma_start3A_1192 = arith.constant 40 : i32
      %dma_start3A_1193 = arith.constant 0 : i32
      %dma_start3A_1194 = tpu.memref_slice %arg13[%dma_start3A_1192, %dma_start3A_1193] : memref<128x64xf32, #tpu.memory_space<vmem>> -> memref<8x64xf32, #tpu.memory_space<vmem>>
      %dma_start3A_1195 = arith.constant 0 : i32
      %dma_start3A_1196 = tpu.memref_slice %arg5[%multiple_of3A_1188, %dma_start3A_1195] : memref<1000000x64xf32, #tpu.memory_space<hbm>> -> memref<8x64xf32, #tpu.memory_space<hbm>>
      %dma_start3A_1197 = arith.constant 40 : i32
      %dma_start3A_1198 = arith.constant 0 : i32
      %dma_start3A_1199 = tpu.memref_slice %arg13[%dma_start3A_1197, %dma_start3A_1198] : memref<128x64xf32, #tpu.memory_space<vmem>> -> memref<8x64xf32, #tpu.memory_space<vmem>>
      %dma_start3A_1200 = arith.constant 0 : i32
      %dma_start3A_1201 = tpu.memref_slice %arg5[%multiple_of3A_1188, %dma_start3A_1200] : memref<1000000x64xf32, #tpu.memory_space<hbm>> -> memref<8x64xf32, #tpu.memory_space<hbm>>
      tpu.enqueue_dma source(%dma_start3A_1201 : memref<8x64xf32, #tpu.memory_space<hbm>>) target(%dma_start3A_1199 : memref<8x64xf32, #tpu.memory_space<vmem>>) target_semaphore(%arg22 : memref<!tpu.dma_semaphore, #tpu.memory_space<semaphore_mem>>)
      %dma_start3A_1202 = arith.constant 40 : i32
      %dma_start3A_1203 = arith.constant 0 : i32
      %dma_start3A_1204 = tpu.memref_slice %arg14[%dma_start3A_1202, %dma_start3A_1203] : memref<128x64xf32, #tpu.memory_space<vmem>> -> memref<8x64xf32, #tpu.memory_space<vmem>>
      %dma_start3A_1205 = arith.constant 0 : i32
      %dma_start3A_1206 = tpu.memref_slice %arg5[%multiple_of3A_1191, %dma_start3A_1205] : memref<1000000x64xf32, #tpu.memory_space<hbm>> -> memref<8x64xf32, #tpu.memory_space<hbm>>
      %dma_start3A_1207 = arith.constant 40 : i32
      %dma_start3A_1208 = arith.constant 0 : i32
      %dma_start3A_1209 = tpu.memref_slice %arg14[%dma_start3A_1207, %dma_start3A_1208] : memref<128x64xf32, #tpu.memory_space<vmem>> -> memref<8x64xf32, #tpu.memory_space<vmem>>
      %dma_start3A_1210 = arith.constant 0 : i32
      %dma_start3A_1211 = tpu.memref_slice %arg5[%multiple_of3A_1191, %dma_start3A_1210] : memref<1000000x64xf32, #tpu.memory_space<hbm>> -> memref<8x64xf32, #tpu.memory_space<hbm>>
      tpu.enqueue_dma source(%dma_start3A_1211 : memref<8x64xf32, #tpu.memory_space<hbm>>) target(%dma_start3A_1209 : memref<8x64xf32, #tpu.memory_space<vmem>>) target_semaphore(%arg22 : memref<!tpu.dma_semaphore, #tpu.memory_space<semaphore_mem>>)
      %slice3A_1212 = vector.extract_strided_slice %mul3A_1047 {offsets = [6], sizes = [1], strides = [1]} : vector<16xi32> to vector<1xi32>
      %squeeze3A_1213 = vector.extract %slice3A_1212[0] : i32 from vector<1xi32>
      %multiple_of3A_1214 = tpu.assume_multiple %squeeze3A_1213, 8 : i32
      %slice3A_1215 = vector.extract_strided_slice %mul3A_1055 {offsets = [6], sizes = [1], strides = [1]} : vector<16xi32> to vector<1xi32>
      %squeeze3A_1216 = vector.extract %slice3A_1215[0] : i32 from vector<1xi32>
      %multiple_of3A_1217 = tpu.assume_multiple %squeeze3A_1216, 8 : i32
      %dma_start3A_1218 = arith.constant 48 : i32
      %dma_start3A_1219 = arith.constant 0 : i32
      %dma_start3A_1220 = tpu.memref_slice %arg13[%dma_start3A_1218, %dma_start3A_1219] : memref<128x64xf32, #tpu.memory_space<vmem>> -> memref<8x64xf32, #tpu.memory_space<vmem>>
      %dma_start3A_1221 = arith.constant 0 : i32
      %dma_start3A_1222 = tpu.memref_slice %arg5[%multiple_of3A_1214, %dma_start3A_1221] : memref<1000000x64xf32, #tpu.memory_space<hbm>> -> memref<8x64xf32, #tpu.memory_space<hbm>>
      %dma_start3A_1223 = arith.constant 48 : i32
      %dma_start3A_1224 = arith.constant 0 : i32
      %dma_start3A_1225 = tpu.memref_slice %arg13[%dma_start3A_1223, %dma_start3A_1224] : memref<128x64xf32, #tpu.memory_space<vmem>> -> memref<8x64xf32, #tpu.memory_space<vmem>>
      %dma_start3A_1226 = arith.constant 0 : i32
      %dma_start3A_1227 = tpu.memref_slice %arg5[%multiple_of3A_1214, %dma_start3A_1226] : memref<1000000x64xf32, #tpu.memory_space<hbm>> -> memref<8x64xf32, #tpu.memory_space<hbm>>
      tpu.enqueue_dma source(%dma_start3A_1227 : memref<8x64xf32, #tpu.memory_space<hbm>>) target(%dma_start3A_1225 : memref<8x64xf32, #tpu.memory_space<vmem>>) target_semaphore(%arg22 : memref<!tpu.dma_semaphore, #tpu.memory_space<semaphore_mem>>)
      %dma_start3A_1228 = arith.constant 48 : i32
      %dma_start3A_1229 = arith.constant 0 : i32
      %dma_start3A_1230 = tpu.memref_slice %arg14[%dma_start3A_1228, %dma_start3A_1229] : memref<128x64xf32, #tpu.memory_space<vmem>> -> memref<8x64xf32, #tpu.memory_space<vmem>>
      %dma_start3A_1231 = arith.constant 0 : i32
      %dma_start3A_1232 = tpu.memref_slice %arg5[%multiple_of3A_1217, %dma_start3A_1231] : memref<1000000x64xf32, #tpu.memory_space<hbm>> -> memref<8x64xf32, #tpu.memory_space<hbm>>
      %dma_start3A_1233 = arith.constant 48 : i32
      %dma_start3A_1234 = arith.constant 0 : i32
      %dma_start3A_1235 = tpu.memref_slice %arg14[%dma_start3A_1233, %dma_start3A_1234] : memref<128x64xf32, #tpu.memory_space<vmem>> -> memref<8x64xf32, #tpu.memory_space<vmem>>
      %dma_start3A_1236 = arith.constant 0 : i32
      %dma_start3A_1237 = tpu.memref_slice %arg5[%multiple_of3A_1217, %dma_start3A_1236] : memref<1000000x64xf32, #tpu.memory_space<hbm>> -> memref<8x64xf32, #tpu.memory_space<hbm>>
      tpu.enqueue_dma source(%dma_start3A_1237 : memref<8x64xf32, #tpu.memory_space<hbm>>) target(%dma_start3A_1235 : memref<8x64xf32, #tpu.memory_space<vmem>>) target_semaphore(%arg22 : memref<!tpu.dma_semaphore, #tpu.memory_space<semaphore_mem>>)
      %slice3A_1238 = vector.extract_strided_slice %mul3A_1047 {offsets = [7], sizes = [1], strides = [1]} : vector<16xi32> to vector<1xi32>
      %squeeze3A_1239 = vector.extract %slice3A_1238[0] : i32 from vector<1xi32>
      %multiple_of3A_1240 = tpu.assume_multiple %squeeze3A_1239, 8 : i32
      %slice3A_1241 = vector.extract_strided_slice %mul3A_1055 {offsets = [7], sizes = [1], strides = [1]} : vector<16xi32> to vector<1xi32>
      %squeeze3A_1242 = vector.extract %slice3A_1241[0] : i32 from vector<1xi32>
      %multiple_of3A_1243 = tpu.assume_multiple %squeeze3A_1242, 8 : i32
      %dma_start3A_1244 = arith.constant 56 : i32
      %dma_start3A_1245 = arith.constant 0 : i32
      %dma_start3A_1246 = tpu.memref_slice %arg13[%dma_start3A_1244, %dma_start3A_1245] : memref<128x64xf32, #tpu.memory_space<vmem>> -> memref<8x64xf32, #tpu.memory_space<vmem>>
      %dma_start3A_1247 = arith.constant 0 : i32
      %dma_start3A_1248 = tpu.memref_slice %arg5[%multiple_of3A_1240, %dma_start3A_1247] : memref<1000000x64xf32, #tpu.memory_space<hbm>> -> memref<8x64xf32, #tpu.memory_space<hbm>>
      %dma_start3A_1249 = arith.constant 56 : i32
      %dma_start3A_1250 = arith.constant 0 : i32
      %dma_start3A_1251 = tpu.memref_slice %arg13[%dma_start3A_1249, %dma_start3A_1250] : memref<128x64xf32, #tpu.memory_space<vmem>> -> memref<8x64xf32, #tpu.memory_space<vmem>>
      %dma_start3A_1252 = arith.constant 0 : i32
      %dma_start3A_1253 = tpu.memref_slice %arg5[%multiple_of3A_1240, %dma_start3A_1252] : memref<1000000x64xf32, #tpu.memory_space<hbm>> -> memref<8x64xf32, #tpu.memory_space<hbm>>
      tpu.enqueue_dma source(%dma_start3A_1253 : memref<8x64xf32, #tpu.memory_space<hbm>>) target(%dma_start3A_1251 : memref<8x64xf32, #tpu.memory_space<vmem>>) target_semaphore(%arg22 : memref<!tpu.dma_semaphore, #tpu.memory_space<semaphore_mem>>)
      %dma_start3A_1254 = arith.constant 56 : i32
      %dma_start3A_1255 = arith.constant 0 : i32
      %dma_start3A_1256 = tpu.memref_slice %arg14[%dma_start3A_1254, %dma_start3A_1255] : memref<128x64xf32, #tpu.memory_space<vmem>> -> memref<8x64xf32, #tpu.memory_space<vmem>>
      %dma_start3A_1257 = arith.constant 0 : i32
      %dma_start3A_1258 = tpu.memref_slice %arg5[%multiple_of3A_1243, %dma_start3A_1257] : memref<1000000x64xf32, #tpu.memory_space<hbm>> -> memref<8x64xf32, #tpu.memory_space<hbm>>
      %dma_start3A_1259 = arith.constant 56 : i32
      %dma_start3A_1260 = arith.constant 0 : i32
      %dma_start3A_1261 = tpu.memref_slice %arg14[%dma_start3A_1259, %dma_start3A_1260] : memref<128x64xf32, #tpu.memory_space<vmem>> -> memref<8x64xf32, #tpu.memory_space<vmem>>
      %dma_start3A_1262 = arith.constant 0 : i32
      %dma_start3A_1263 = tpu.memref_slice %arg5[%multiple_of3A_1243, %dma_start3A_1262] : memref<1000000x64xf32, #tpu.memory_space<hbm>> -> memref<8x64xf32, #tpu.memory_space<hbm>>
      tpu.enqueue_dma source(%dma_start3A_1263 : memref<8x64xf32, #tpu.memory_space<hbm>>) target(%dma_start3A_1261 : memref<8x64xf32, #tpu.memory_space<vmem>>) target_semaphore(%arg22 : memref<!tpu.dma_semaphore, #tpu.memory_space<semaphore_mem>>)
      %slice3A_1264 = vector.extract_strided_slice %mul3A_1047 {offsets = [8], sizes = [1], strides = [1]} : vector<16xi32> to vector<1xi32>
      %squeeze3A_1265 = vector.extract %slice3A_1264[0] : i32 from vector<1xi32>
      %multiple_of3A_1266 = tpu.assume_multiple %squeeze3A_1265, 8 : i32
      %slice3A_1267 = vector.extract_strided_slice %mul3A_1055 {offsets = [8], sizes = [1], strides = [1]} : vector<16xi32> to vector<1xi32>
      %squeeze3A_1268 = vector.extract %slice3A_1267[0] : i32 from vector<1xi32>
      %multiple_of3A_1269 = tpu.assume_multiple %squeeze3A_1268, 8 : i32
      %dma_start3A_1270 = arith.constant 64 : i32
      %dma_start3A_1271 = arith.constant 0 : i32
      %dma_start3A_1272 = tpu.memref_slice %arg13[%dma_start3A_1270, %dma_start3A_1271] : memref<128x64xf32, #tpu.memory_space<vmem>> -> memref<8x64xf32, #tpu.memory_space<vmem>>
      %dma_start3A_1273 = arith.constant 0 : i32
      %dma_start3A_1274 = tpu.memref_slice %arg5[%multiple_of3A_1266, %dma_start3A_1273] : memref<1000000x64xf32, #tpu.memory_space<hbm>> -> memref<8x64xf32, #tpu.memory_space<hbm>>
      %dma_start3A_1275 = arith.constant 64 : i32
      %dma_start3A_1276 = arith.constant 0 : i32
      %dma_start3A_1277 = tpu.memref_slice %arg13[%dma_start3A_1275, %dma_start3A_1276] : memref<128x64xf32, #tpu.memory_space<vmem>> -> memref<8x64xf32, #tpu.memory_space<vmem>>
      %dma_start3A_1278 = arith.constant 0 : i32
      %dma_start3A_1279 = tpu.memref_slice %arg5[%multiple_of3A_1266, %dma_start3A_1278] : memref<1000000x64xf32, #tpu.memory_space<hbm>> -> memref<8x64xf32, #tpu.memory_space<hbm>>
      tpu.enqueue_dma source(%dma_start3A_1279 : memref<8x64xf32, #tpu.memory_space<hbm>>) target(%dma_start3A_1277 : memref<8x64xf32, #tpu.memory_space<vmem>>) target_semaphore(%arg22 : memref<!tpu.dma_semaphore, #tpu.memory_space<semaphore_mem>>)
      %dma_start3A_1280 = arith.constant 64 : i32
      %dma_start3A_1281 = arith.constant 0 : i32
      %dma_start3A_1282 = tpu.memref_slice %arg14[%dma_start3A_1280, %dma_start3A_1281] : memref<128x64xf32, #tpu.memory_space<vmem>> -> memref<8x64xf32, #tpu.memory_space<vmem>>
      %dma_start3A_1283 = arith.constant 0 : i32
      %dma_start3A_1284 = tpu.memref_slice %arg5[%multiple_of3A_1269, %dma_start3A_1283] : memref<1000000x64xf32, #tpu.memory_space<hbm>> -> memref<8x64xf32, #tpu.memory_space<hbm>>
      %dma_start3A_1285 = arith.constant 64 : i32
      %dma_start3A_1286 = arith.constant 0 : i32
      %dma_start3A_1287 = tpu.memref_slice %arg14[%dma_start3A_1285, %dma_start3A_1286] : memref<128x64xf32, #tpu.memory_space<vmem>> -> memref<8x64xf32, #tpu.memory_space<vmem>>
      %dma_start3A_1288 = arith.constant 0 : i32
      %dma_start3A_1289 = tpu.memref_slice %arg5[%multiple_of3A_1269, %dma_start3A_1288] : memref<1000000x64xf32, #tpu.memory_space<hbm>> -> memref<8x64xf32, #tpu.memory_space<hbm>>
      tpu.enqueue_dma source(%dma_start3A_1289 : memref<8x64xf32, #tpu.memory_space<hbm>>) target(%dma_start3A_1287 : memref<8x64xf32, #tpu.memory_space<vmem>>) target_semaphore(%arg22 : memref<!tpu.dma_semaphore, #tpu.memory_space<semaphore_mem>>)
      %slice3A_1290 = vector.extract_strided_slice %mul3A_1047 {offsets = [9], sizes = [1], strides = [1]} : vector<16xi32> to vector<1xi32>
      %squeeze3A_1291 = vector.extract %slice3A_1290[0] : i32 from vector<1xi32>
      %multiple_of3A_1292 = tpu.assume_multiple %squeeze3A_1291, 8 : i32
      %slice3A_1293 = vector.extract_strided_slice %mul3A_1055 {offsets = [9], sizes = [1], strides = [1]} : vector<16xi32> to vector<1xi32>
      %squeeze3A_1294 = vector.extract %slice3A_1293[0] : i32 from vector<1xi32>
      %multiple_of3A_1295 = tpu.assume_multiple %squeeze3A_1294, 8 : i32
      %dma_start3A_1296 = arith.constant 72 : i32
      %dma_start3A_1297 = arith.constant 0 : i32
      %dma_start3A_1298 = tpu.memref_slice %arg13[%dma_start3A_1296, %dma_start3A_1297] : memref<128x64xf32, #tpu.memory_space<vmem>> -> memref<8x64xf32, #tpu.memory_space<vmem>>
      %dma_start3A_1299 = arith.constant 0 : i32
      %dma_start3A_1300 = tpu.memref_slice %arg5[%multiple_of3A_1292, %dma_start3A_1299] : memref<1000000x64xf32, #tpu.memory_space<hbm>> -> memref<8x64xf32, #tpu.memory_space<hbm>>
      %dma_start3A_1301 = arith.constant 72 : i32
      %dma_start3A_1302 = arith.constant 0 : i32
      %dma_start3A_1303 = tpu.memref_slice %arg13[%dma_start3A_1301, %dma_start3A_1302] : memref<128x64xf32, #tpu.memory_space<vmem>> -> memref<8x64xf32, #tpu.memory_space<vmem>>
      %dma_start3A_1304 = arith.constant 0 : i32
      %dma_start3A_1305 = tpu.memref_slice %arg5[%multiple_of3A_1292, %dma_start3A_1304] : memref<1000000x64xf32, #tpu.memory_space<hbm>> -> memref<8x64xf32, #tpu.memory_space<hbm>>
      tpu.enqueue_dma source(%dma_start3A_1305 : memref<8x64xf32, #tpu.memory_space<hbm>>) target(%dma_start3A_1303 : memref<8x64xf32, #tpu.memory_space<vmem>>) target_semaphore(%arg22 : memref<!tpu.dma_semaphore, #tpu.memory_space<semaphore_mem>>)
      %dma_start3A_1306 = arith.constant 72 : i32
      %dma_start3A_1307 = arith.constant 0 : i32
      %dma_start3A_1308 = tpu.memref_slice %arg14[%dma_start3A_1306, %dma_start3A_1307] : memref<128x64xf32, #tpu.memory_space<vmem>> -> memref<8x64xf32, #tpu.memory_space<vmem>>
      %dma_start3A_1309 = arith.constant 0 : i32
      %dma_start3A_1310 = tpu.memref_slice %arg5[%multiple_of3A_1295, %dma_start3A_1309] : memref<1000000x64xf32, #tpu.memory_space<hbm>> -> memref<8x64xf32, #tpu.memory_space<hbm>>
      %dma_start3A_1311 = arith.constant 72 : i32
      %dma_start3A_1312 = arith.constant 0 : i32
      %dma_start3A_1313 = tpu.memref_slice %arg14[%dma_start3A_1311, %dma_start3A_1312] : memref<128x64xf32, #tpu.memory_space<vmem>> -> memref<8x64xf32, #tpu.memory_space<vmem>>
      %dma_start3A_1314 = arith.constant 0 : i32
      %dma_start3A_1315 = tpu.memref_slice %arg5[%multiple_of3A_1295, %dma_start3A_1314] : memref<1000000x64xf32, #tpu.memory_space<hbm>> -> memref<8x64xf32, #tpu.memory_space<hbm>>
      tpu.enqueue_dma source(%dma_start3A_1315 : memref<8x64xf32, #tpu.memory_space<hbm>>) target(%dma_start3A_1313 : memref<8x64xf32, #tpu.memory_space<vmem>>) target_semaphore(%arg22 : memref<!tpu.dma_semaphore, #tpu.memory_space<semaphore_mem>>)
      %slice3A_1316 = vector.extract_strided_slice %mul3A_1047 {offsets = [10], sizes = [1], strides = [1]} : vector<16xi32> to vector<1xi32>
      %squeeze3A_1317 = vector.extract %slice3A_1316[0] : i32 from vector<1xi32>
      %multiple_of3A_1318 = tpu.assume_multiple %squeeze3A_1317, 8 : i32
      %slice3A_1319 = vector.extract_strided_slice %mul3A_1055 {offsets = [10], sizes = [1], strides = [1]} : vector<16xi32> to vector<1xi32>
      %squeeze3A_1320 = vector.extract %slice3A_1319[0] : i32 from vector<1xi32>
      %multiple_of3A_1321 = tpu.assume_multiple %squeeze3A_1320, 8 : i32
      %dma_start3A_1322 = arith.constant 80 : i32
      %dma_start3A_1323 = arith.constant 0 : i32
      %dma_start3A_1324 = tpu.memref_slice %arg13[%dma_start3A_1322, %dma_start3A_1323] : memref<128x64xf32, #tpu.memory_space<vmem>> -> memref<8x64xf32, #tpu.memory_space<vmem>>
      %dma_start3A_1325 = arith.constant 0 : i32
      %dma_start3A_1326 = tpu.memref_slice %arg5[%multiple_of3A_1318, %dma_start3A_1325] : memref<1000000x64xf32, #tpu.memory_space<hbm>> -> memref<8x64xf32, #tpu.memory_space<hbm>>
      %dma_start3A_1327 = arith.constant 80 : i32
      %dma_start3A_1328 = arith.constant 0 : i32
      %dma_start3A_1329 = tpu.memref_slice %arg13[%dma_start3A_1327, %dma_start3A_1328] : memref<128x64xf32, #tpu.memory_space<vmem>> -> memref<8x64xf32, #tpu.memory_space<vmem>>
      %dma_start3A_1330 = arith.constant 0 : i32
      %dma_start3A_1331 = tpu.memref_slice %arg5[%multiple_of3A_1318, %dma_start3A_1330] : memref<1000000x64xf32, #tpu.memory_space<hbm>> -> memref<8x64xf32, #tpu.memory_space<hbm>>
      tpu.enqueue_dma source(%dma_start3A_1331 : memref<8x64xf32, #tpu.memory_space<hbm>>) target(%dma_start3A_1329 : memref<8x64xf32, #tpu.memory_space<vmem>>) target_semaphore(%arg22 : memref<!tpu.dma_semaphore, #tpu.memory_space<semaphore_mem>>)
      %dma_start3A_1332 = arith.constant 80 : i32
      %dma_start3A_1333 = arith.constant 0 : i32
      %dma_start3A_1334 = tpu.memref_slice %arg14[%dma_start3A_1332, %dma_start3A_1333] : memref<128x64xf32, #tpu.memory_space<vmem>> -> memref<8x64xf32, #tpu.memory_space<vmem>>
      %dma_start3A_1335 = arith.constant 0 : i32
      %dma_start3A_1336 = tpu.memref_slice %arg5[%multiple_of3A_1321, %dma_start3A_1335] : memref<1000000x64xf32, #tpu.memory_space<hbm>> -> memref<8x64xf32, #tpu.memory_space<hbm>>
      %dma_start3A_1337 = arith.constant 80 : i32
      %dma_start3A_1338 = arith.constant 0 : i32
      %dma_start3A_1339 = tpu.memref_slice %arg14[%dma_start3A_1337, %dma_start3A_1338] : memref<128x64xf32, #tpu.memory_space<vmem>> -> memref<8x64xf32, #tpu.memory_space<vmem>>
      %dma_start3A_1340 = arith.constant 0 : i32
      %dma_start3A_1341 = tpu.memref_slice %arg5[%multiple_of3A_1321, %dma_start3A_1340] : memref<1000000x64xf32, #tpu.memory_space<hbm>> -> memref<8x64xf32, #tpu.memory_space<hbm>>
      tpu.enqueue_dma source(%dma_start3A_1341 : memref<8x64xf32, #tpu.memory_space<hbm>>) target(%dma_start3A_1339 : memref<8x64xf32, #tpu.memory_space<vmem>>) target_semaphore(%arg22 : memref<!tpu.dma_semaphore, #tpu.memory_space<semaphore_mem>>)
      %slice3A_1342 = vector.extract_strided_slice %mul3A_1047 {offsets = [11], sizes = [1], strides = [1]} : vector<16xi32> to vector<1xi32>
      %squeeze3A_1343 = vector.extract %slice3A_1342[0] : i32 from vector<1xi32>
      %multiple_of3A_1344 = tpu.assume_multiple %squeeze3A_1343, 8 : i32
      %slice3A_1345 = vector.extract_strided_slice %mul3A_1055 {offsets = [11], sizes = [1], strides = [1]} : vector<16xi32> to vector<1xi32>
      %squeeze3A_1346 = vector.extract %slice3A_1345[0] : i32 from vector<1xi32>
      %multiple_of3A_1347 = tpu.assume_multiple %squeeze3A_1346, 8 : i32
      %dma_start3A_1348 = arith.constant 88 : i32
      %dma_start3A_1349 = arith.constant 0 : i32
      %dma_start3A_1350 = tpu.memref_slice %arg13[%dma_start3A_1348, %dma_start3A_1349] : memref<128x64xf32, #tpu.memory_space<vmem>> -> memref<8x64xf32, #tpu.memory_space<vmem>>
      %dma_start3A_1351 = arith.constant 0 : i32
      %dma_start3A_1352 = tpu.memref_slice %arg5[%multiple_of3A_1344, %dma_start3A_1351] : memref<1000000x64xf32, #tpu.memory_space<hbm>> -> memref<8x64xf32, #tpu.memory_space<hbm>>
      %dma_start3A_1353 = arith.constant 88 : i32
      %dma_start3A_1354 = arith.constant 0 : i32
      %dma_start3A_1355 = tpu.memref_slice %arg13[%dma_start3A_1353, %dma_start3A_1354] : memref<128x64xf32, #tpu.memory_space<vmem>> -> memref<8x64xf32, #tpu.memory_space<vmem>>
      %dma_start3A_1356 = arith.constant 0 : i32
      %dma_start3A_1357 = tpu.memref_slice %arg5[%multiple_of3A_1344, %dma_start3A_1356] : memref<1000000x64xf32, #tpu.memory_space<hbm>> -> memref<8x64xf32, #tpu.memory_space<hbm>>
      tpu.enqueue_dma source(%dma_start3A_1357 : memref<8x64xf32, #tpu.memory_space<hbm>>) target(%dma_start3A_1355 : memref<8x64xf32, #tpu.memory_space<vmem>>) target_semaphore(%arg22 : memref<!tpu.dma_semaphore, #tpu.memory_space<semaphore_mem>>)
      %dma_start3A_1358 = arith.constant 88 : i32
      %dma_start3A_1359 = arith.constant 0 : i32
      %dma_start3A_1360 = tpu.memref_slice %arg14[%dma_start3A_1358, %dma_start3A_1359] : memref<128x64xf32, #tpu.memory_space<vmem>> -> memref<8x64xf32, #tpu.memory_space<vmem>>
      %dma_start3A_1361 = arith.constant 0 : i32
      %dma_start3A_1362 = tpu.memref_slice %arg5[%multiple_of3A_1347, %dma_start3A_1361] : memref<1000000x64xf32, #tpu.memory_space<hbm>> -> memref<8x64xf32, #tpu.memory_space<hbm>>
      %dma_start3A_1363 = arith.constant 88 : i32
      %dma_start3A_1364 = arith.constant 0 : i32
      %dma_start3A_1365 = tpu.memref_slice %arg14[%dma_start3A_1363, %dma_start3A_1364] : memref<128x64xf32, #tpu.memory_space<vmem>> -> memref<8x64xf32, #tpu.memory_space<vmem>>
      %dma_start3A_1366 = arith.constant 0 : i32
      %dma_start3A_1367 = tpu.memref_slice %arg5[%multiple_of3A_1347, %dma_start3A_1366] : memref<1000000x64xf32, #tpu.memory_space<hbm>> -> memref<8x64xf32, #tpu.memory_space<hbm>>
      tpu.enqueue_dma source(%dma_start3A_1367 : memref<8x64xf32, #tpu.memory_space<hbm>>) target(%dma_start3A_1365 : memref<8x64xf32, #tpu.memory_space<vmem>>) target_semaphore(%arg22 : memref<!tpu.dma_semaphore, #tpu.memory_space<semaphore_mem>>)
      %slice3A_1368 = vector.extract_strided_slice %mul3A_1047 {offsets = [12], sizes = [1], strides = [1]} : vector<16xi32> to vector<1xi32>
      %squeeze3A_1369 = vector.extract %slice3A_1368[0] : i32 from vector<1xi32>
      %multiple_of3A_1370 = tpu.assume_multiple %squeeze3A_1369, 8 : i32
      %slice3A_1371 = vector.extract_strided_slice %mul3A_1055 {offsets = [12], sizes = [1], strides = [1]} : vector<16xi32> to vector<1xi32>
      %squeeze3A_1372 = vector.extract %slice3A_1371[0] : i32 from vector<1xi32>
      %multiple_of3A_1373 = tpu.assume_multiple %squeeze3A_1372, 8 : i32
      %dma_start3A_1374 = arith.constant 96 : i32
      %dma_start3A_1375 = arith.constant 0 : i32
      %dma_start3A_1376 = tpu.memref_slice %arg13[%dma_start3A_1374, %dma_start3A_1375] : memref<128x64xf32, #tpu.memory_space<vmem>> -> memref<8x64xf32, #tpu.memory_space<vmem>>
      %dma_start3A_1377 = arith.constant 0 : i32
      %dma_start3A_1378 = tpu.memref_slice %arg5[%multiple_of3A_1370, %dma_start3A_1377] : memref<1000000x64xf32, #tpu.memory_space<hbm>> -> memref<8x64xf32, #tpu.memory_space<hbm>>
      %dma_start3A_1379 = arith.constant 96 : i32
      %dma_start3A_1380 = arith.constant 0 : i32
      %dma_start3A_1381 = tpu.memref_slice %arg13[%dma_start3A_1379, %dma_start3A_1380] : memref<128x64xf32, #tpu.memory_space<vmem>> -> memref<8x64xf32, #tpu.memory_space<vmem>>
      %dma_start3A_1382 = arith.constant 0 : i32
      %dma_start3A_1383 = tpu.memref_slice %arg5[%multiple_of3A_1370, %dma_start3A_1382] : memref<1000000x64xf32, #tpu.memory_space<hbm>> -> memref<8x64xf32, #tpu.memory_space<hbm>>
      tpu.enqueue_dma source(%dma_start3A_1383 : memref<8x64xf32, #tpu.memory_space<hbm>>) target(%dma_start3A_1381 : memref<8x64xf32, #tpu.memory_space<vmem>>) target_semaphore(%arg22 : memref<!tpu.dma_semaphore, #tpu.memory_space<semaphore_mem>>)
      %dma_start3A_1384 = arith.constant 96 : i32
      %dma_start3A_1385 = arith.constant 0 : i32
      %dma_start3A_1386 = tpu.memref_slice %arg14[%dma_start3A_1384, %dma_start3A_1385] : memref<128x64xf32, #tpu.memory_space<vmem>> -> memref<8x64xf32, #tpu.memory_space<vmem>>
      %dma_start3A_1387 = arith.constant 0 : i32
      %dma_start3A_1388 = tpu.memref_slice %arg5[%multiple_of3A_1373, %dma_start3A_1387] : memref<1000000x64xf32, #tpu.memory_space<hbm>> -> memref<8x64xf32, #tpu.memory_space<hbm>>
      %dma_start3A_1389 = arith.constant 96 : i32
      %dma_start3A_1390 = arith.constant 0 : i32
      %dma_start3A_1391 = tpu.memref_slice %arg14[%dma_start3A_1389, %dma_start3A_1390] : memref<128x64xf32, #tpu.memory_space<vmem>> -> memref<8x64xf32, #tpu.memory_space<vmem>>
      %dma_start3A_1392 = arith.constant 0 : i32
      %dma_start3A_1393 = tpu.memref_slice %arg5[%multiple_of3A_1373, %dma_start3A_1392] : memref<1000000x64xf32, #tpu.memory_space<hbm>> -> memref<8x64xf32, #tpu.memory_space<hbm>>
      tpu.enqueue_dma source(%dma_start3A_1393 : memref<8x64xf32, #tpu.memory_space<hbm>>) target(%dma_start3A_1391 : memref<8x64xf32, #tpu.memory_space<vmem>>) target_semaphore(%arg22 : memref<!tpu.dma_semaphore, #tpu.memory_space<semaphore_mem>>)
      %slice3A_1394 = vector.extract_strided_slice %mul3A_1047 {offsets = [13], sizes = [1], strides = [1]} : vector<16xi32> to vector<1xi32>
      %squeeze3A_1395 = vector.extract %slice3A_1394[0] : i32 from vector<1xi32>
      %multiple_of3A_1396 = tpu.assume_multiple %squeeze3A_1395, 8 : i32
      %slice3A_1397 = vector.extract_strided_slice %mul3A_1055 {offsets = [13], sizes = [1], strides = [1]} : vector<16xi32> to vector<1xi32>
      %squeeze3A_1398 = vector.extract %slice3A_1397[0] : i32 from vector<1xi32>
      %multiple_of3A_1399 = tpu.assume_multiple %squeeze3A_1398, 8 : i32
      %dma_start3A_1400 = arith.constant 104 : i32
      %dma_start3A_1401 = arith.constant 0 : i32
      %dma_start3A_1402 = tpu.memref_slice %arg13[%dma_start3A_1400, %dma_start3A_1401] : memref<128x64xf32, #tpu.memory_space<vmem>> -> memref<8x64xf32, #tpu.memory_space<vmem>>
      %dma_start3A_1403 = arith.constant 0 : i32
      %dma_start3A_1404 = tpu.memref_slice %arg5[%multiple_of3A_1396, %dma_start3A_1403] : memref<1000000x64xf32, #tpu.memory_space<hbm>> -> memref<8x64xf32, #tpu.memory_space<hbm>>
      %dma_start3A_1405 = arith.constant 104 : i32
      %dma_start3A_1406 = arith.constant 0 : i32
      %dma_start3A_1407 = tpu.memref_slice %arg13[%dma_start3A_1405, %dma_start3A_1406] : memref<128x64xf32, #tpu.memory_space<vmem>> -> memref<8x64xf32, #tpu.memory_space<vmem>>
      %dma_start3A_1408 = arith.constant 0 : i32
      %dma_start3A_1409 = tpu.memref_slice %arg5[%multiple_of3A_1396, %dma_start3A_1408] : memref<1000000x64xf32, #tpu.memory_space<hbm>> -> memref<8x64xf32, #tpu.memory_space<hbm>>
      tpu.enqueue_dma source(%dma_start3A_1409 : memref<8x64xf32, #tpu.memory_space<hbm>>) target(%dma_start3A_1407 : memref<8x64xf32, #tpu.memory_space<vmem>>) target_semaphore(%arg22 : memref<!tpu.dma_semaphore, #tpu.memory_space<semaphore_mem>>)
      %dma_start3A_1410 = arith.constant 104 : i32
      %dma_start3A_1411 = arith.constant 0 : i32
      %dma_start3A_1412 = tpu.memref_slice %arg14[%dma_start3A_1410, %dma_start3A_1411] : memref<128x64xf32, #tpu.memory_space<vmem>> -> memref<8x64xf32, #tpu.memory_space<vmem>>
      %dma_start3A_1413 = arith.constant 0 : i32
      %dma_start3A_1414 = tpu.memref_slice %arg5[%multiple_of3A_1399, %dma_start3A_1413] : memref<1000000x64xf32, #tpu.memory_space<hbm>> -> memref<8x64xf32, #tpu.memory_space<hbm>>
      %dma_start3A_1415 = arith.constant 104 : i32
      %dma_start3A_1416 = arith.constant 0 : i32
      %dma_start3A_1417 = tpu.memref_slice %arg14[%dma_start3A_1415, %dma_start3A_1416] : memref<128x64xf32, #tpu.memory_space<vmem>> -> memref<8x64xf32, #tpu.memory_space<vmem>>
      %dma_start3A_1418 = arith.constant 0 : i32
      %dma_start3A_1419 = tpu.memref_slice %arg5[%multiple_of3A_1399, %dma_start3A_1418] : memref<1000000x64xf32, #tpu.memory_space<hbm>> -> memref<8x64xf32, #tpu.memory_space<hbm>>
      tpu.enqueue_dma source(%dma_start3A_1419 : memref<8x64xf32, #tpu.memory_space<hbm>>) target(%dma_start3A_1417 : memref<8x64xf32, #tpu.memory_space<vmem>>) target_semaphore(%arg22 : memref<!tpu.dma_semaphore, #tpu.memory_space<semaphore_mem>>)
      %slice3A_1420 = vector.extract_strided_slice %mul3A_1047 {offsets = [14], sizes = [1], strides = [1]} : vector<16xi32> to vector<1xi32>
      %squeeze3A_1421 = vector.extract %slice3A_1420[0] : i32 from vector<1xi32>
      %multiple_of3A_1422 = tpu.assume_multiple %squeeze3A_1421, 8 : i32
      %slice3A_1423 = vector.extract_strided_slice %mul3A_1055 {offsets = [14], sizes = [1], strides = [1]} : vector<16xi32> to vector<1xi32>
      %squeeze3A_1424 = vector.extract %slice3A_1423[0] : i32 from vector<1xi32>
      %multiple_of3A_1425 = tpu.assume_multiple %squeeze3A_1424, 8 : i32
      %dma_start3A_1426 = arith.constant 112 : i32
      %dma_start3A_1427 = arith.constant 0 : i32
      %dma_start3A_1428 = tpu.memref_slice %arg13[%dma_start3A_1426, %dma_start3A_1427] : memref<128x64xf32, #tpu.memory_space<vmem>> -> memref<8x64xf32, #tpu.memory_space<vmem>>
      %dma_start3A_1429 = arith.constant 0 : i32
      %dma_start3A_1430 = tpu.memref_slice %arg5[%multiple_of3A_1422, %dma_start3A_1429] : memref<1000000x64xf32, #tpu.memory_space<hbm>> -> memref<8x64xf32, #tpu.memory_space<hbm>>
      %dma_start3A_1431 = arith.constant 112 : i32
      %dma_start3A_1432 = arith.constant 0 : i32
      %dma_start3A_1433 = tpu.memref_slice %arg13[%dma_start3A_1431, %dma_start3A_1432] : memref<128x64xf32, #tpu.memory_space<vmem>> -> memref<8x64xf32, #tpu.memory_space<vmem>>
      %dma_start3A_1434 = arith.constant 0 : i32
      %dma_start3A_1435 = tpu.memref_slice %arg5[%multiple_of3A_1422, %dma_start3A_1434] : memref<1000000x64xf32, #tpu.memory_space<hbm>> -> memref<8x64xf32, #tpu.memory_space<hbm>>
      tpu.enqueue_dma source(%dma_start3A_1435 : memref<8x64xf32, #tpu.memory_space<hbm>>) target(%dma_start3A_1433 : memref<8x64xf32, #tpu.memory_space<vmem>>) target_semaphore(%arg22 : memref<!tpu.dma_semaphore, #tpu.memory_space<semaphore_mem>>)
      %dma_start3A_1436 = arith.constant 112 : i32
      %dma_start3A_1437 = arith.constant 0 : i32
      %dma_start3A_1438 = tpu.memref_slice %arg14[%dma_start3A_1436, %dma_start3A_1437] : memref<128x64xf32, #tpu.memory_space<vmem>> -> memref<8x64xf32, #tpu.memory_space<vmem>>
      %dma_start3A_1439 = arith.constant 0 : i32
      %dma_start3A_1440 = tpu.memref_slice %arg5[%multiple_of3A_1425, %dma_start3A_1439] : memref<1000000x64xf32, #tpu.memory_space<hbm>> -> memref<8x64xf32, #tpu.memory_space<hbm>>
      %dma_start3A_1441 = arith.constant 112 : i32
      %dma_start3A_1442 = arith.constant 0 : i32
      %dma_start3A_1443 = tpu.memref_slice %arg14[%dma_start3A_1441, %dma_start3A_1442] : memref<128x64xf32, #tpu.memory_space<vmem>> -> memref<8x64xf32, #tpu.memory_space<vmem>>
      %dma_start3A_1444 = arith.constant 0 : i32
      %dma_start3A_1445 = tpu.memref_slice %arg5[%multiple_of3A_1425, %dma_start3A_1444] : memref<1000000x64xf32, #tpu.memory_space<hbm>> -> memref<8x64xf32, #tpu.memory_space<hbm>>
      tpu.enqueue_dma source(%dma_start3A_1445 : memref<8x64xf32, #tpu.memory_space<hbm>>) target(%dma_start3A_1443 : memref<8x64xf32, #tpu.memory_space<vmem>>) target_semaphore(%arg22 : memref<!tpu.dma_semaphore, #tpu.memory_space<semaphore_mem>>)
      %slice3A_1446 = vector.extract_strided_slice %mul3A_1047 {offsets = [15], sizes = [1], strides = [1]} : vector<16xi32> to vector<1xi32>
      %squeeze3A_1447 = vector.extract %slice3A_1446[0] : i32 from vector<1xi32>
      %multiple_of3A_1448 = tpu.assume_multiple %squeeze3A_1447, 8 : i32
      %slice3A_1449 = vector.extract_strided_slice %mul3A_1055 {offsets = [15], sizes = [1], strides = [1]} : vector<16xi32> to vector<1xi32>
      %squeeze3A_1450 = vector.extract %slice3A_1449[0] : i32 from vector<1xi32>
      %multiple_of3A_1451 = tpu.assume_multiple %squeeze3A_1450, 8 : i32
      %dma_start3A_1452 = arith.constant 120 : i32
      %dma_start3A_1453 = arith.constant 0 : i32
      %dma_start3A_1454 = tpu.memref_slice %arg13[%dma_start3A_1452, %dma_start3A_1453] : memref<128x64xf32, #tpu.memory_space<vmem>> -> memref<8x64xf32, #tpu.memory_space<vmem>>
      %dma_start3A_1455 = arith.constant 0 : i32
      %dma_start3A_1456 = tpu.memref_slice %arg5[%multiple_of3A_1448, %dma_start3A_1455] : memref<1000000x64xf32, #tpu.memory_space<hbm>> -> memref<8x64xf32, #tpu.memory_space<hbm>>
      %dma_start3A_1457 = arith.constant 120 : i32
      %dma_start3A_1458 = arith.constant 0 : i32
      %dma_start3A_1459 = tpu.memref_slice %arg13[%dma_start3A_1457, %dma_start3A_1458] : memref<128x64xf32, #tpu.memory_space<vmem>> -> memref<8x64xf32, #tpu.memory_space<vmem>>
      %dma_start3A_1460 = arith.constant 0 : i32
      %dma_start3A_1461 = tpu.memref_slice %arg5[%multiple_of3A_1448, %dma_start3A_1460] : memref<1000000x64xf32, #tpu.memory_space<hbm>> -> memref<8x64xf32, #tpu.memory_space<hbm>>
      tpu.enqueue_dma source(%dma_start3A_1461 : memref<8x64xf32, #tpu.memory_space<hbm>>) target(%dma_start3A_1459 : memref<8x64xf32, #tpu.memory_space<vmem>>) target_semaphore(%arg22 : memref<!tpu.dma_semaphore, #tpu.memory_space<semaphore_mem>>)
      %dma_start3A_1462 = arith.constant 120 : i32
      %dma_start3A_1463 = arith.constant 0 : i32
      %dma_start3A_1464 = tpu.memref_slice %arg14[%dma_start3A_1462, %dma_start3A_1463] : memref<128x64xf32, #tpu.memory_space<vmem>> -> memref<8x64xf32, #tpu.memory_space<vmem>>
      %dma_start3A_1465 = arith.constant 0 : i32
      %dma_start3A_1466 = tpu.memref_slice %arg5[%multiple_of3A_1451, %dma_start3A_1465] : memref<1000000x64xf32, #tpu.memory_space<hbm>> -> memref<8x64xf32, #tpu.memory_space<hbm>>
      %dma_start3A_1467 = arith.constant 120 : i32
      %dma_start3A_1468 = arith.constant 0 : i32
      %dma_start3A_1469 = tpu.memref_slice %arg14[%dma_start3A_1467, %dma_start3A_1468] : memref<128x64xf32, #tpu.memory_space<vmem>> -> memref<8x64xf32, #tpu.memory_space<vmem>>
      %dma_start3A_1470 = arith.constant 0 : i32
      %dma_start3A_1471 = tpu.memref_slice %arg5[%multiple_of3A_1451, %dma_start3A_1470] : memref<1000000x64xf32, #tpu.memory_space<hbm>> -> memref<8x64xf32, #tpu.memory_space<hbm>>
      tpu.enqueue_dma source(%dma_start3A_1471 : memref<8x64xf32, #tpu.memory_space<hbm>>) target(%dma_start3A_1469 : memref<8x64xf32, #tpu.memory_space<vmem>>) target_semaphore(%arg22 : memref<!tpu.dma_semaphore, #tpu.memory_space<semaphore_mem>>)
      %mul3A_1472 = arith.constant 16 : i32
      %mul3A_1473 = arith.muli %min3A_1037, %mul3A_1472 : i32
      %dma_start3A_1474 = tpu.memref_slice %arg12[%mul3A_1473] : memref<512xi32, #tpu.memory_space<vmem>> -> memref<16xi32, #tpu.memory_space<vmem>>
      %dma_start3A_1475 = arith.constant 0 : i32
      %dma_start3A_1476 = arith.constant 0 : i32
      %dma_start3A_1477 = tpu.memref_slice %arg6[%dma_start3A_1475, %dma_start3A_1476] : memref<500x128xf32, #tpu.memory_space<hbm>> -> memref<500x128xf32, #tpu.memory_space<hbm>>
      tpu.enqueue_indirect_dma source(%dma_start3A_1477 : memref<500x128xf32, #tpu.memory_space<hbm>>) target(%arg17 : memref<16x128xf32, #tpu.memory_space<vmem>>) offsets(%dma_start3A_1474 : memref<16xi32, #tpu.memory_space<vmem>>) semaphore(%arg22 : memref<!tpu.dma_semaphore, #tpu.memory_space<semaphore_mem>>)
      %dma_start3A_1478 = tpu.memref_slice %arg12[%mul3A_1473] : memref<512xi32, #tpu.memory_space<vmem>> -> memref<16xi32, #tpu.memory_space<vmem>>
      %dma_start3A_1479 = arith.constant 0 : i32
      %dma_start3A_1480 = arith.constant 0 : i32
      %dma_start3A_1481 = tpu.memref_slice %arg7[%dma_start3A_1479, %dma_start3A_1480] : memref<500x128xf32, #tpu.memory_space<hbm>> -> memref<500x128xf32, #tpu.memory_space<hbm>>
      tpu.enqueue_indirect_dma source(%dma_start3A_1481 : memref<500x128xf32, #tpu.memory_space<hbm>>) target(%arg18 : memref<16x128xf32, #tpu.memory_space<vmem>>) offsets(%dma_start3A_1478 : memref<16xi32, #tpu.memory_space<vmem>>) semaphore(%arg22 : memref<!tpu.dma_semaphore, #tpu.memory_space<semaphore_mem>>)
      %dma_wait3A_1482 = arith.constant 0 : i32
      %dma_wait3A_1483 = arith.constant 0 : i32
      %dma_wait3A_1484 = tpu.memref_slice %arg5[%dma_wait3A_1482, %dma_wait3A_1483] : memref<1000000x64xf32, #tpu.memory_space<hbm>> -> memref<128x64xf32, #tpu.memory_space<hbm>>
      %dma_wait3A_1485 = arith.constant 0 : i32
      %dma_wait3A_1486 = arith.constant 0 : i32
      %dma_wait3A_1487 = tpu.memref_slice %arg5[%dma_wait3A_1485, %dma_wait3A_1486] : memref<1000000x64xf32, #tpu.memory_space<hbm>> -> memref<128x64xf32, #tpu.memory_space<hbm>>
      tpu.wait_dma2 semaphore(%arg23 : memref<!tpu.dma_semaphore, #tpu.memory_space<semaphore_mem>>) src(%dma_wait3A_1487 : memref<128x64xf32, #tpu.memory_space<hbm>>) dst(%arg15 : memref<128x64xf32, #tpu.memory_space<vmem>>)
      %dma_wait3A_1488 = arith.constant 0 : i32
      %dma_wait3A_1489 = arith.constant 0 : i32
      %dma_wait3A_1490 = tpu.memref_slice %arg5[%dma_wait3A_1488, %dma_wait3A_1489] : memref<1000000x64xf32, #tpu.memory_space<hbm>> -> memref<128x64xf32, #tpu.memory_space<hbm>>
      %dma_wait3A_1491 = arith.constant 0 : i32
      %dma_wait3A_1492 = arith.constant 0 : i32
      %dma_wait3A_1493 = tpu.memref_slice %arg5[%dma_wait3A_1491, %dma_wait3A_1492] : memref<1000000x64xf32, #tpu.memory_space<hbm>> -> memref<128x64xf32, #tpu.memory_space<hbm>>
      tpu.wait_dma2 semaphore(%arg23 : memref<!tpu.dma_semaphore, #tpu.memory_space<semaphore_mem>>) src(%dma_wait3A_1493 : memref<128x64xf32, #tpu.memory_space<hbm>>) dst(%arg16 : memref<128x64xf32, #tpu.memory_space<vmem>>)
      %dma_wait3A_1494 = arith.constant 0 : i32
      %dma_wait3A_1495 = arith.constant 0 : i32
      %dma_wait3A_1496 = tpu.memref_slice %arg6[%dma_wait3A_1494, %dma_wait3A_1495] : memref<500x128xf32, #tpu.memory_space<hbm>> -> memref<16x128xf32, #tpu.memory_space<hbm>>
      %dma_wait3A_1497 = arith.constant 0 : i32
      %dma_wait3A_1498 = arith.constant 0 : i32
      %dma_wait3A_1499 = tpu.memref_slice %arg6[%dma_wait3A_1497, %dma_wait3A_1498] : memref<500x128xf32, #tpu.memory_space<hbm>> -> memref<16x128xf32, #tpu.memory_space<hbm>>
      tpu.wait_dma2 semaphore(%arg23 : memref<!tpu.dma_semaphore, #tpu.memory_space<semaphore_mem>>) src(%dma_wait3A_1499 : memref<16x128xf32, #tpu.memory_space<hbm>>) dst(%arg19 : memref<16x128xf32, #tpu.memory_space<vmem>>)
      %dma_wait3A_1500 = arith.constant 0 : i32
      %dma_wait3A_1501 = arith.constant 0 : i32
      %dma_wait3A_1502 = tpu.memref_slice %arg7[%dma_wait3A_1500, %dma_wait3A_1501] : memref<500x128xf32, #tpu.memory_space<hbm>> -> memref<16x128xf32, #tpu.memory_space<hbm>>
      %dma_wait3A_1503 = arith.constant 0 : i32
      %dma_wait3A_1504 = arith.constant 0 : i32
      %dma_wait3A_1505 = tpu.memref_slice %arg7[%dma_wait3A_1503, %dma_wait3A_1504] : memref<500x128xf32, #tpu.memory_space<hbm>> -> memref<16x128xf32, #tpu.memory_space<hbm>>
      tpu.wait_dma2 semaphore(%arg23 : memref<!tpu.dma_semaphore, #tpu.memory_space<semaphore_mem>>) src(%dma_wait3A_1505 : memref<16x128xf32, #tpu.memory_space<hbm>>) dst(%arg20 : memref<16x128xf32, #tpu.memory_space<vmem>>)
      %mul3A_1506 = arith.constant 16 : i32
      %mul3A_1507 = arith.muli %add3A_482, %mul3A_1506 : i32
      %iota3A_1508 = tpu.iota {dimensions = array<i32: 0>} : vector<16xi32>
      %mul3A_1509 = arith.constant 8 : i32
      %mul3A_1510 = vector.broadcast %mul3A_1509 : i32 to vector<16xi32>
      %mul3A_1511 = arith.muli %iota3A_1508, %mul3A_1510 : vector<16xi32>
      %iota3A_1512 = tpu.iota {dimensions = array<i32: 0>} : vector<16xi32>
      %get3A_1513 = arith.index_cast %mul3A_1507 : i32 to index
      %get3A_1514 = tpu.vector_load %arg9[%get3A_1513] {strides = array<i32>} : memref<512xi32, #tpu.memory_space<vmem>>, vector<16xi32>,
      %and3A_1515 = arith.constant 7 : i32
      %and3A_1516 = vector.broadcast %and3A_1515 : i32 to vector<16xi32>
      %and3A_1517 = arith.andi %get3A_1514, %and3A_1516 : vector<16xi32>
      %add3A_1518 = arith.addi %mul3A_1511, %and3A_1517 : vector<16xi32>
      %get3A_1519 = arith.index_cast %mul3A_1507 : i32 to index
      %get3A_1520 = tpu.vector_load %arg10[%get3A_1519] {strides = array<i32>} : memref<512xi32, #tpu.memory_space<vmem>>, vector<16xi32>,
      %and3A_1521 = arith.constant 7 : i32
      %and3A_1522 = vector.broadcast %and3A_1521 : i32 to vector<16xi32>
      %and3A_1523 = arith.andi %get3A_1520, %and3A_1522 : vector<16xi32>
      %add3A_1524 = arith.addi %mul3A_1511, %and3A_1523 : vector<16xi32>
      %get3A_1525 = arith.index_cast %mul3A_1507 : i32 to index
      %get3A_1526 = tpu.vector_load %arg11[%get3A_1525] {strides = array<i32>} : memref<512xi32, #tpu.memory_space<vmem>>, vector<16xi32>,
      %and3A_1527 = arith.constant 1 : i32
      %and3A_1528 = vector.broadcast %and3A_1527 : i32 to vector<16xi32>
      %and3A_1529 = arith.andi %get3A_1526, %and3A_1528 : vector<16xi32>
      %mul3A_1530 = arith.constant 64 : i32
      %mul3A_1531 = vector.broadcast %mul3A_1530 : i32 to vector<16xi32>
      %mul3A_1532 = arith.muli %and3A_1529, %mul3A_1531 : vector<16xi32>
      %broadcast_in_dim3A_1533 = arith.constant 0.000000e+00 : f32
      %broadcast_in_dim3A_1534 = vector.broadcast %broadcast_in_dim3A_1533 : f32 to vector<16xf32>
      %scan3A_1535 = arith.constant 0 : i32
      %scan3A_1536 = arith.constant 64 : i32
      %scan3A_1537 = arith.addi %scan3A_1535, %scan3A_1536 : i32
      %scan3A_1538 = arith.constant 8 : i32
      %scan3A_1539:4 = scf.for %scan3A_1599 = %scan3A_1535 to %scan3A_1537 step %scan3A_1538 iter_args(%scan3A_1600 = %broadcast_in_dim3A_1534, %scan3A_1601 = %broadcast_in_dim3A_1534, %scan3A_1602 = %broadcast_in_dim3A_1534, %scan3A_1603 = %broadcast_in_dim3A_1534) -> (vector<16xf32>, vector<16xf32>, vector<16xf32>, vector<16xf32>)  : i32 {
        %broadcast_in_dim3A_1604 = arith.constant 0 : i32
        %broadcast_in_dim3A_1605 = vector.broadcast %broadcast_in_dim3A_1604 : i32 to vector<16xi32>
        %add3A_1606 = vector.broadcast %scan3A_1599 : i32 to vector<16xi32>
        %add3A_1607 = arith.addi %broadcast_in_dim3A_1605, %add3A_1606 : vector<16xi32>
        %gather3A = tpu.vector_load_idx %arg15[%add3A_1518, %add3A_1607] : memref<128x64xf32, #tpu.memory_space<vmem>>[vector<16xi32>, vector<16xi32>], vector<16xf32>,
        %gather3A_1608 = tpu.vector_load_idx %arg16[%add3A_1524, %add3A_1607] : memref<128x64xf32, #tpu.memory_space<vmem>>[vector<16xi32>, vector<16xi32>], vector<16xf32>,
        %add3A_1609 = vector.broadcast %scan3A_1599 : i32 to vector<16xi32>
        %add3A_1610 = arith.addi %mul3A_1532, %add3A_1609 : vector<16xi32>
        %gather3A_1611 = tpu.vector_load_idx %arg19[%iota3A_1512, %add3A_1610] : memref<16x128xf32, #tpu.memory_space<vmem>>[vector<16xi32>, vector<16xi32>], vector<16xf32>,
        %add3A_1612 = vector.broadcast %scan3A_1599 : i32 to vector<16xi32>
        %add3A_1613 = arith.addi %mul3A_1532, %add3A_1612 : vector<16xi32>
        %gather3A_1614 = tpu.vector_load_idx %arg20[%iota3A_1512, %add3A_1613] : memref<16x128xf32, #tpu.memory_space<vmem>>[vector<16xi32>, vector<16xi32>], vector<16xf32>,
        %sub3A_1615 = arith.subf %gather3A, %gather3A_1608 : vector<16xf32>
        %add3A_1616 = arith.addf %sub3A_1615, %gather3A_1611 : vector<16xf32>
        %mul3A_1617 = arith.mulf %add3A_1616, %add3A_1616 : vector<16xf32>
        %add3A_1618 = arith.addf %scan3A_1600, %mul3A_1617 : vector<16xf32>
        %mul3A_1619 = arith.mulf %add3A_1616, %gather3A_1614 : vector<16xf32>
        %add3A_1620 = arith.addf %scan3A_1601, %mul3A_1619 : vector<16xf32>
        %mul3A_1621 = arith.mulf %gather3A_1611, %gather3A_1614 : vector<16xf32>
        %add3A_1622 = arith.addf %scan3A_1602, %mul3A_1621 : vector<16xf32>
        %mul3A_1623 = arith.mulf %gather3A_1614, %gather3A_1614 : vector<16xf32>
        %add3A_1624 = arith.addf %scan3A_1603, %mul3A_1623 : vector<16xf32>
        %scan3A_1625 = arith.constant 1 : i32
        %scan3A_1626 = arith.addi %scan3A_1599, %scan3A_1625 : i32
        %broadcast_in_dim3A_1627 = arith.constant 0 : i32
        %broadcast_in_dim3A_1628 = vector.broadcast %broadcast_in_dim3A_1627 : i32 to vector<16xi32>
        %add3A_1629 = vector.broadcast %scan3A_1626 : i32 to vector<16xi32>
        %add3A_1630 = arith.addi %broadcast_in_dim3A_1628, %add3A_1629 : vector<16xi32>
        %gather3A_1631 = tpu.vector_load_idx %arg15[%add3A_1518, %add3A_1630] : memref<128x64xf32, #tpu.memory_space<vmem>>[vector<16xi32>, vector<16xi32>], vector<16xf32>,
        %gather3A_1632 = tpu.vector_load_idx %arg16[%add3A_1524, %add3A_1630] : memref<128x64xf32, #tpu.memory_space<vmem>>[vector<16xi32>, vector<16xi32>], vector<16xf32>,
        %add3A_1633 = vector.broadcast %scan3A_1626 : i32 to vector<16xi32>
        %add3A_1634 = arith.addi %mul3A_1532, %add3A_1633 : vector<16xi32>
        %gather3A_1635 = tpu.vector_load_idx %arg19[%iota3A_1512, %add3A_1634] : memref<16x128xf32, #tpu.memory_space<vmem>>[vector<16xi32>, vector<16xi32>], vector<16xf32>,
        %add3A_1636 = vector.broadcast %scan3A_1626 : i32 to vector<16xi32>
        %add3A_1637 = arith.addi %mul3A_1532, %add3A_1636 : vector<16xi32>
        %gather3A_1638 = tpu.vector_load_idx %arg20[%iota3A_1512, %add3A_1637] : memref<16x128xf32, #tpu.memory_space<vmem>>[vector<16xi32>, vector<16xi32>], vector<16xf32>,
        %sub3A_1639 = arith.subf %gather3A_1631, %gather3A_1632 : vector<16xf32>
        %add3A_1640 = arith.addf %sub3A_1639, %gather3A_1635 : vector<16xf32>
        %mul3A_1641 = arith.mulf %add3A_1640, %add3A_1640 : vector<16xf32>
        %add3A_1642 = arith.addf %add3A_1618, %mul3A_1641 : vector<16xf32>
        %mul3A_1643 = arith.mulf %add3A_1640, %gather3A_1638 : vector<16xf32>
        %add3A_1644 = arith.addf %add3A_1620, %mul3A_1643 : vector<16xf32>
        %mul3A_1645 = arith.mulf %gather3A_1635, %gather3A_1638 : vector<16xf32>
        %add3A_1646 = arith.addf %add3A_1622, %mul3A_1645 : vector<16xf32>
        %mul3A_1647 = arith.mulf %gather3A_1638, %gather3A_1638 : vector<16xf32>
        %add3A_1648 = arith.addf %add3A_1624, %mul3A_1647 : vector<16xf32>
        %scan3A_1649 = arith.constant 2 : i32
        %scan3A_1650 = arith.addi %scan3A_1599, %scan3A_1649 : i32
        %broadcast_in_dim3A_1651 = arith.constant 0 : i32
        %broadcast_in_dim3A_1652 = vector.broadcast %broadcast_in_dim3A_1651 : i32 to vector<16xi32>
        %add3A_1653 = vector.broadcast %scan3A_1650 : i32 to vector<16xi32>
        %add3A_1654 = arith.addi %broadcast_in_dim3A_1652, %add3A_1653 : vector<16xi32>
        %gather3A_1655 = tpu.vector_load_idx %arg15[%add3A_1518, %add3A_1654] : memref<128x64xf32, #tpu.memory_space<vmem>>[vector<16xi32>, vector<16xi32>], vector<16xf32>,
        %gather3A_1656 = tpu.vector_load_idx %arg16[%add3A_1524, %add3A_1654] : memref<128x64xf32, #tpu.memory_space<vmem>>[vector<16xi32>, vector<16xi32>], vector<16xf32>,
        %add3A_1657 = vector.broadcast %scan3A_1650 : i32 to vector<16xi32>
        %add3A_1658 = arith.addi %mul3A_1532, %add3A_1657 : vector<16xi32>
        %gather3A_1659 = tpu.vector_load_idx %arg19[%iota3A_1512, %add3A_1658] : memref<16x128xf32, #tpu.memory_space<vmem>>[vector<16xi32>, vector<16xi32>], vector<16xf32>,
        %add3A_1660 = vector.broadcast %scan3A_1650 : i32 to vector<16xi32>
        %add3A_1661 = arith.addi %mul3A_1532, %add3A_1660 : vector<16xi32>
        %gather3A_1662 = tpu.vector_load_idx %arg20[%iota3A_1512, %add3A_1661] : memref<16x128xf32, #tpu.memory_space<vmem>>[vector<16xi32>, vector<16xi32>], vector<16xf32>,
        %sub3A_1663 = arith.subf %gather3A_1655, %gather3A_1656 : vector<16xf32>
        %add3A_1664 = arith.addf %sub3A_1663, %gather3A_1659 : vector<16xf32>
        %mul3A_1665 = arith.mulf %add3A_1664, %add3A_1664 : vector<16xf32>
        %add3A_1666 = arith.addf %add3A_1642, %mul3A_1665 : vector<16xf32>
        %mul3A_1667 = arith.mulf %add3A_1664, %gather3A_1662 : vector<16xf32>
        %add3A_1668 = arith.addf %add3A_1644, %mul3A_1667 : vector<16xf32>
        %mul3A_1669 = arith.mulf %gather3A_1659, %gather3A_1662 : vector<16xf32>
        %add3A_1670 = arith.addf %add3A_1646, %mul3A_1669 : vector<16xf32>
        %mul3A_1671 = arith.mulf %gather3A_1662, %gather3A_1662 : vector<16xf32>
        %add3A_1672 = arith.addf %add3A_1648, %mul3A_1671 : vector<16xf32>
        %scan3A_1673 = arith.constant 3 : i32
        %scan3A_1674 = arith.addi %scan3A_1599, %scan3A_1673 : i32
        %broadcast_in_dim3A_1675 = arith.constant 0 : i32
        %broadcast_in_dim3A_1676 = vector.broadcast %broadcast_in_dim3A_1675 : i32 to vector<16xi32>
        %add3A_1677 = vector.broadcast %scan3A_1674 : i32 to vector<16xi32>
        %add3A_1678 = arith.addi %broadcast_in_dim3A_1676, %add3A_1677 : vector<16xi32>
        %gather3A_1679 = tpu.vector_load_idx %arg15[%add3A_1518, %add3A_1678] : memref<128x64xf32, #tpu.memory_space<vmem>>[vector<16xi32>, vector<16xi32>], vector<16xf32>,
        %gather3A_1680 = tpu.vector_load_idx %arg16[%add3A_1524, %add3A_1678] : memref<128x64xf32, #tpu.memory_space<vmem>>[vector<16xi32>, vector<16xi32>], vector<16xf32>,
        %add3A_1681 = vector.broadcast %scan3A_1674 : i32 to vector<16xi32>
        %add3A_1682 = arith.addi %mul3A_1532, %add3A_1681 : vector<16xi32>
        %gather3A_1683 = tpu.vector_load_idx %arg19[%iota3A_1512, %add3A_1682] : memref<16x128xf32, #tpu.memory_space<vmem>>[vector<16xi32>, vector<16xi32>], vector<16xf32>,
        %add3A_1684 = vector.broadcast %scan3A_1674 : i32 to vector<16xi32>
        %add3A_1685 = arith.addi %mul3A_1532, %add3A_1684 : vector<16xi32>
        %gather3A_1686 = tpu.vector_load_idx %arg20[%iota3A_1512, %add3A_1685] : memref<16x128xf32, #tpu.memory_space<vmem>>[vector<16xi32>, vector<16xi32>], vector<16xf32>,
        %sub3A_1687 = arith.subf %gather3A_1679, %gather3A_1680 : vector<16xf32>
        %add3A_1688 = arith.addf %sub3A_1687, %gather3A_1683 : vector<16xf32>
        %mul3A_1689 = arith.mulf %add3A_1688, %add3A_1688 : vector<16xf32>
        %add3A_1690 = arith.addf %add3A_1666, %mul3A_1689 : vector<16xf32>
        %mul3A_1691 = arith.mulf %add3A_1688, %gather3A_1686 : vector<16xf32>
        %add3A_1692 = arith.addf %add3A_1668, %mul3A_1691 : vector<16xf32>
        %mul3A_1693 = arith.mulf %gather3A_1683, %gather3A_1686 : vector<16xf32>
        %add3A_1694 = arith.addf %add3A_1670, %mul3A_1693 : vector<16xf32>
        %mul3A_1695 = arith.mulf %gather3A_1686, %gather3A_1686 : vector<16xf32>
        %add3A_1696 = arith.addf %add3A_1672, %mul3A_1695 : vector<16xf32>
        %scan3A_1697 = arith.constant 4 : i32
        %scan3A_1698 = arith.addi %scan3A_1599, %scan3A_1697 : i32
        %broadcast_in_dim3A_1699 = arith.constant 0 : i32
        %broadcast_in_dim3A_1700 = vector.broadcast %broadcast_in_dim3A_1699 : i32 to vector<16xi32>
        %add3A_1701 = vector.broadcast %scan3A_1698 : i32 to vector<16xi32>
        %add3A_1702 = arith.addi %broadcast_in_dim3A_1700, %add3A_1701 : vector<16xi32>
        %gather3A_1703 = tpu.vector_load_idx %arg15[%add3A_1518, %add3A_1702] : memref<128x64xf32, #tpu.memory_space<vmem>>[vector<16xi32>, vector<16xi32>], vector<16xf32>,
        %gather3A_1704 = tpu.vector_load_idx %arg16[%add3A_1524, %add3A_1702] : memref<128x64xf32, #tpu.memory_space<vmem>>[vector<16xi32>, vector<16xi32>], vector<16xf32>,
        %add3A_1705 = vector.broadcast %scan3A_1698 : i32 to vector<16xi32>
        %add3A_1706 = arith.addi %mul3A_1532, %add3A_1705 : vector<16xi32>
        %gather3A_1707 = tpu.vector_load_idx %arg19[%iota3A_1512, %add3A_1706] : memref<16x128xf32, #tpu.memory_space<vmem>>[vector<16xi32>, vector<16xi32>], vector<16xf32>,
        %add3A_1708 = vector.broadcast %scan3A_1698 : i32 to vector<16xi32>
        %add3A_1709 = arith.addi %mul3A_1532, %add3A_1708 : vector<16xi32>
        %gather3A_1710 = tpu.vector_load_idx %arg20[%iota3A_1512, %add3A_1709] : memref<16x128xf32, #tpu.memory_space<vmem>>[vector<16xi32>, vector<16xi32>], vector<16xf32>,
        %sub3A_1711 = arith.subf %gather3A_1703, %gather3A_1704 : vector<16xf32>
        %add3A_1712 = arith.addf %sub3A_1711, %gather3A_1707 : vector<16xf32>
        %mul3A_1713 = arith.mulf %add3A_1712, %add3A_1712 : vector<16xf32>
        %add3A_1714 = arith.addf %add3A_1690, %mul3A_1713 : vector<16xf32>
        %mul3A_1715 = arith.mulf %add3A_1712, %gather3A_1710 : vector<16xf32>
        %add3A_1716 = arith.addf %add3A_1692, %mul3A_1715 : vector<16xf32>
        %mul3A_1717 = arith.mulf %gather3A_1707, %gather3A_1710 : vector<16xf32>
        %add3A_1718 = arith.addf %add3A_1694, %mul3A_1717 : vector<16xf32>
        %mul3A_1719 = arith.mulf %gather3A_1710, %gather3A_1710 : vector<16xf32>
        %add3A_1720 = arith.addf %add3A_1696, %mul3A_1719 : vector<16xf32>
        %scan3A_1721 = arith.constant 5 : i32
        %scan3A_1722 = arith.addi %scan3A_1599, %scan3A_1721 : i32
        %broadcast_in_dim3A_1723 = arith.constant 0 : i32
        %broadcast_in_dim3A_1724 = vector.broadcast %broadcast_in_dim3A_1723 : i32 to vector<16xi32>
        %add3A_1725 = vector.broadcast %scan3A_1722 : i32 to vector<16xi32>
        %add3A_1726 = arith.addi %broadcast_in_dim3A_1724, %add3A_1725 : vector<16xi32>
        %gather3A_1727 = tpu.vector_load_idx %arg15[%add3A_1518, %add3A_1726] : memref<128x64xf32, #tpu.memory_space<vmem>>[vector<16xi32>, vector<16xi32>], vector<16xf32>,
        %gather3A_1728 = tpu.vector_load_idx %arg16[%add3A_1524, %add3A_1726] : memref<128x64xf32, #tpu.memory_space<vmem>>[vector<16xi32>, vector<16xi32>], vector<16xf32>,
        %add3A_1729 = vector.broadcast %scan3A_1722 : i32 to vector<16xi32>
        %add3A_1730 = arith.addi %mul3A_1532, %add3A_1729 : vector<16xi32>
        %gather3A_1731 = tpu.vector_load_idx %arg19[%iota3A_1512, %add3A_1730] : memref<16x128xf32, #tpu.memory_space<vmem>>[vector<16xi32>, vector<16xi32>], vector<16xf32>,
        %add3A_1732 = vector.broadcast %scan3A_1722 : i32 to vector<16xi32>
        %add3A_1733 = arith.addi %mul3A_1532, %add3A_1732 : vector<16xi32>
        %gather3A_1734 = tpu.vector_load_idx %arg20[%iota3A_1512, %add3A_1733] : memref<16x128xf32, #tpu.memory_space<vmem>>[vector<16xi32>, vector<16xi32>], vector<16xf32>,
        %sub3A_1735 = arith.subf %gather3A_1727, %gather3A_1728 : vector<16xf32>
        %add3A_1736 = arith.addf %sub3A_1735, %gather3A_1731 : vector<16xf32>
        %mul3A_1737 = arith.mulf %add3A_1736, %add3A_1736 : vector<16xf32>
        %add3A_1738 = arith.addf %add3A_1714, %mul3A_1737 : vector<16xf32>
        %mul3A_1739 = arith.mulf %add3A_1736, %gather3A_1734 : vector<16xf32>
        %add3A_1740 = arith.addf %add3A_1716, %mul3A_1739 : vector<16xf32>
        %mul3A_1741 = arith.mulf %gather3A_1731, %gather3A_1734 : vector<16xf32>
        %add3A_1742 = arith.addf %add3A_1718, %mul3A_1741 : vector<16xf32>
        %mul3A_1743 = arith.mulf %gather3A_1734, %gather3A_1734 : vector<16xf32>
        %add3A_1744 = arith.addf %add3A_1720, %mul3A_1743 : vector<16xf32>
        %scan3A_1745 = arith.constant 6 : i32
        %scan3A_1746 = arith.addi %scan3A_1599, %scan3A_1745 : i32
        %broadcast_in_dim3A_1747 = arith.constant 0 : i32
        %broadcast_in_dim3A_1748 = vector.broadcast %broadcast_in_dim3A_1747 : i32 to vector<16xi32>
        %add3A_1749 = vector.broadcast %scan3A_1746 : i32 to vector<16xi32>
        %add3A_1750 = arith.addi %broadcast_in_dim3A_1748, %add3A_1749 : vector<16xi32>
        %gather3A_1751 = tpu.vector_load_idx %arg15[%add3A_1518, %add3A_1750] : memref<128x64xf32, #tpu.memory_space<vmem>>[vector<16xi32>, vector<16xi32>], vector<16xf32>,
        %gather3A_1752 = tpu.vector_load_idx %arg16[%add3A_1524, %add3A_1750] : memref<128x64xf32, #tpu.memory_space<vmem>>[vector<16xi32>, vector<16xi32>], vector<16xf32>,
        %add3A_1753 = vector.broadcast %scan3A_1746 : i32 to vector<16xi32>
        %add3A_1754 = arith.addi %mul3A_1532, %add3A_1753 : vector<16xi32>
        %gather3A_1755 = tpu.vector_load_idx %arg19[%iota3A_1512, %add3A_1754] : memref<16x128xf32, #tpu.memory_space<vmem>>[vector<16xi32>, vector<16xi32>], vector<16xf32>,
        %add3A_1756 = vector.broadcast %scan3A_1746 : i32 to vector<16xi32>
        %add3A_1757 = arith.addi %mul3A_1532, %add3A_1756 : vector<16xi32>
        %gather3A_1758 = tpu.vector_load_idx %arg20[%iota3A_1512, %add3A_1757] : memref<16x128xf32, #tpu.memory_space<vmem>>[vector<16xi32>, vector<16xi32>], vector<16xf32>,
        %sub3A_1759 = arith.subf %gather3A_1751, %gather3A_1752 : vector<16xf32>
        %add3A_1760 = arith.addf %sub3A_1759, %gather3A_1755 : vector<16xf32>
        %mul3A_1761 = arith.mulf %add3A_1760, %add3A_1760 : vector<16xf32>
        %add3A_1762 = arith.addf %add3A_1738, %mul3A_1761 : vector<16xf32>
        %mul3A_1763 = arith.mulf %add3A_1760, %gather3A_1758 : vector<16xf32>
        %add3A_1764 = arith.addf %add3A_1740, %mul3A_1763 : vector<16xf32>
        %mul3A_1765 = arith.mulf %gather3A_1755, %gather3A_1758 : vector<16xf32>
        %add3A_1766 = arith.addf %add3A_1742, %mul3A_1765 : vector<16xf32>
        %mul3A_1767 = arith.mulf %gather3A_1758, %gather3A_1758 : vector<16xf32>
        %add3A_1768 = arith.addf %add3A_1744, %mul3A_1767 : vector<16xf32>
        %scan3A_1769 = arith.constant 7 : i32
        %scan3A_1770 = arith.addi %scan3A_1599, %scan3A_1769 : i32
        %broadcast_in_dim3A_1771 = arith.constant 0 : i32
        %broadcast_in_dim3A_1772 = vector.broadcast %broadcast_in_dim3A_1771 : i32 to vector<16xi32>
        %add3A_1773 = vector.broadcast %scan3A_1770 : i32 to vector<16xi32>
        %add3A_1774 = arith.addi %broadcast_in_dim3A_1772, %add3A_1773 : vector<16xi32>
        %gather3A_1775 = tpu.vector_load_idx %arg15[%add3A_1518, %add3A_1774] : memref<128x64xf32, #tpu.memory_space<vmem>>[vector<16xi32>, vector<16xi32>], vector<16xf32>,
        %gather3A_1776 = tpu.vector_load_idx %arg16[%add3A_1524, %add3A_1774] : memref<128x64xf32, #tpu.memory_space<vmem>>[vector<16xi32>, vector<16xi32>], vector<16xf32>,
        %add3A_1777 = vector.broadcast %scan3A_1770 : i32 to vector<16xi32>
        %add3A_1778 = arith.addi %mul3A_1532, %add3A_1777 : vector<16xi32>
        %gather3A_1779 = tpu.vector_load_idx %arg19[%iota3A_1512, %add3A_1778] : memref<16x128xf32, #tpu.memory_space<vmem>>[vector<16xi32>, vector<16xi32>], vector<16xf32>,
        %add3A_1780 = vector.broadcast %scan3A_1770 : i32 to vector<16xi32>
        %add3A_1781 = arith.addi %mul3A_1532, %add3A_1780 : vector<16xi32>
        %gather3A_1782 = tpu.vector_load_idx %arg20[%iota3A_1512, %add3A_1781] : memref<16x128xf32, #tpu.memory_space<vmem>>[vector<16xi32>, vector<16xi32>], vector<16xf32>,
        %sub3A_1783 = arith.subf %gather3A_1775, %gather3A_1776 : vector<16xf32>
        %add3A_1784 = arith.addf %sub3A_1783, %gather3A_1779 : vector<16xf32>
        %mul3A_1785 = arith.mulf %add3A_1784, %add3A_1784 : vector<16xf32>
        %add3A_1786 = arith.addf %add3A_1762, %mul3A_1785 : vector<16xf32>
        %mul3A_1787 = arith.mulf %add3A_1784, %gather3A_1782 : vector<16xf32>
        %add3A_1788 = arith.addf %add3A_1764, %mul3A_1787 : vector<16xf32>
        %mul3A_1789 = arith.mulf %gather3A_1779, %gather3A_1782 : vector<16xf32>
        %add3A_1790 = arith.addf %add3A_1766, %mul3A_1789 : vector<16xf32>
        %mul3A_1791 = arith.mulf %gather3A_1782, %gather3A_1782 : vector<16xf32>
        %add3A_1792 = arith.addf %add3A_1768, %mul3A_1791 : vector<16xf32>
        scf.yield %add3A_1786, %add3A_1788, %add3A_1790, %add3A_1792 : vector<16xf32>, vector<16xf32>, vector<16xf32>, vector<16xf32>
      }
      %scan3A_1540 = arith.constant 64 : i32
      %sub3A_1541 = arith.subf %scan3A_1539#1, %scan3A_1539#2 : vector<16xf32>
      %max3A_1542 = arith.constant 1.000000e-24 : f32
      %max3A_1543 = vector.broadcast %max3A_1542 : f32 to vector<16xf32>
      %max3A_1544 = arith.maximumf %scan3A_1539#3, %max3A_1543 : vector<16xf32>
      %div3A_1545 = arith.divf %sub3A_1541, %max3A_1544 : vector<16xf32>
      %mul3A_1546 = arith.constant 2.000000e+00 : f32
      %mul3A_1547 = vector.broadcast %mul3A_1546 : f32 to vector<16xf32>
      %mul3A_1548 = arith.mulf %mul3A_1547, %div3A_1545 : vector<16xf32>
      %mul3A_1549 = arith.mulf %mul3A_1548, %scan3A_1539#1 : vector<16xf32>
      %sub3A_1550 = arith.subf %scan3A_1539#0, %mul3A_1549 : vector<16xf32>
      %mul3A_1551 = arith.mulf %div3A_1545, %div3A_1545 : vector<16xf32>
      %mul3A_1552 = arith.mulf %mul3A_1551, %scan3A_1539#3 : vector<16xf32>
      %add3A_1553 = arith.addf %sub3A_1550, %mul3A_1552 : vector<16xf32>
      %max3A_1554 = arith.constant 0.000000e+00 : f32
      %max3A_1555 = vector.broadcast %max3A_1554 : f32 to vector<16xf32>
      %max3A_1556 = arith.maximumf %add3A_1553, %max3A_1555 : vector<16xf32>
      %max3A_1557 = arith.constant 1.000000e-30 : f32
      %max3A_1558 = vector.broadcast %max3A_1557 : f32 to vector<16xf32>
      %max3A_1559 = arith.maximumf %max3A_1556, %max3A_1558 : vector<16xf32>
      %bitcast3A_1560 = vector.bitcast %max3A_1559 : vector<16xf32> to vector<16xi32>
      %shift_right_arithmetic3A_1561 = arith.constant 1 : i32
      %shift_right_arithmetic3A_1562 = vector.broadcast %shift_right_arithmetic3A_1561 : i32 to vector<16xi32>
      %shift_right_arithmetic3A_1563 = arith.shrsi %bitcast3A_1560, %shift_right_arithmetic3A_1562 : vector<16xi32>
      %sub3A_1564 = arith.constant 1597463007 : i32
      %sub3A_1565 = vector.broadcast %sub3A_1564 : i32 to vector<16xi32>
      %sub3A_1566 = arith.subi %sub3A_1565, %shift_right_arithmetic3A_1563 : vector<16xi32>
      %bitcast3A_1567 = vector.bitcast %sub3A_1566 : vector<16xi32> to vector<16xf32>
      %mul3A_1568 = arith.constant 5.000000e-01 : f32
      %mul3A_1569 = vector.broadcast %mul3A_1568 : f32 to vector<16xf32>
      %mul3A_1570 = arith.mulf %mul3A_1569, %max3A_1559 : vector<16xf32>
      %mul3A_1571 = arith.mulf %mul3A_1570, %bitcast3A_1567 : vector<16xf32>
      %mul3A_1572 = arith.mulf %mul3A_1571, %bitcast3A_1567 : vector<16xf32>
      %sub3A_1573 = arith.constant 1.500000e+00 : f32
      %sub3A_1574 = vector.broadcast %sub3A_1573 : f32 to vector<16xf32>
      %sub3A_1575 = arith.subf %sub3A_1574, %mul3A_1572 : vector<16xf32>
      %mul3A_1576 = arith.mulf %bitcast3A_1567, %sub3A_1575 : vector<16xf32>
      %mul3A_1577 = arith.constant 5.000000e-01 : f32
      %mul3A_1578 = vector.broadcast %mul3A_1577 : f32 to vector<16xf32>
      %mul3A_1579 = arith.mulf %mul3A_1578, %max3A_1559 : vector<16xf32>
      %mul3A_1580 = arith.mulf %mul3A_1579, %mul3A_1576 : vector<16xf32>
      %mul3A_1581 = arith.mulf %mul3A_1580, %mul3A_1576 : vector<16xf32>
      %sub3A_1582 = arith.constant 1.500000e+00 : f32
      %sub3A_1583 = vector.broadcast %sub3A_1582 : f32 to vector<16xf32>
      %sub3A_1584 = arith.subf %sub3A_1583, %mul3A_1581 : vector<16xf32>
      %mul3A_1585 = arith.mulf %mul3A_1576, %sub3A_1584 : vector<16xf32>
      %mul3A_1586 = arith.constant 5.000000e-01 : f32
      %mul3A_1587 = vector.broadcast %mul3A_1586 : f32 to vector<16xf32>
      %mul3A_1588 = arith.mulf %mul3A_1587, %max3A_1559 : vector<16xf32>
      %mul3A_1589 = arith.mulf %mul3A_1588, %mul3A_1585 : vector<16xf32>
      %mul3A_1590 = arith.mulf %mul3A_1589, %mul3A_1585 : vector<16xf32>
      %sub3A_1591 = arith.constant 1.500000e+00 : f32
      %sub3A_1592 = vector.broadcast %sub3A_1591 : f32 to vector<16xf32>
      %sub3A_1593 = arith.subf %sub3A_1592, %mul3A_1590 : vector<16xf32>
      %mul3A_1594 = arith.mulf %mul3A_1585, %sub3A_1593 : vector<16xf32>
      %mul3A_1595 = arith.mulf %max3A_1559, %mul3A_1594 : vector<16xf32>
      %swap3A_1596 = arith.index_cast %mul3A_1507 : i32 to index
      %swap3A_1597 = tpu.vector_load %arg21[%swap3A_1596] {strides = array<i32>} : memref<512xf32, #tpu.memory_space<vmem>>, vector<16xf32>,
      tpu.vector_store %arg21[%swap3A_1596], %mul3A_1595 {strides = array<i32>} : memref<512xf32, #tpu.memory_space<vmem>>, vector<16xf32>,
      %scan3A_1598 = arith.constant 0 : i32
      scf.yield %scan3A_1598 : i32
    }
    %scan3A_451 = arith.constant 16 : i32
    %dma_wait3A = arith.constant 0 : i32
    %dma_wait3A_452 = arith.constant 0 : i32
    %dma_wait3A_453 = tpu.memref_slice %arg5[%dma_wait3A, %dma_wait3A_452] : memref<1000000x64xf32, #tpu.memory_space<hbm>> -> memref<128x64xf32, #tpu.memory_space<hbm>>
    %dma_wait3A_454 = arith.constant 0 : i32
    %dma_wait3A_455 = arith.constant 0 : i32
    %dma_wait3A_456 = tpu.memref_slice %arg5[%dma_wait3A_454, %dma_wait3A_455] : memref<1000000x64xf32, #tpu.memory_space<hbm>> -> memref<128x64xf32, #tpu.memory_space<hbm>>
    tpu.wait_dma2 semaphore(%arg22 : memref<!tpu.dma_semaphore, #tpu.memory_space<semaphore_mem>>) src(%dma_wait3A_456 : memref<128x64xf32, #tpu.memory_space<hbm>>) dst(%arg13 : memref<128x64xf32, #tpu.memory_space<vmem>>)
    %dma_wait3A_457 = arith.constant 0 : i32
    %dma_wait3A_458 = arith.constant 0 : i32
    %dma_wait3A_459 = tpu.memref_slice %arg5[%dma_wait3A_457, %dma_wait3A_458] : memref<1000000x64xf32, #tpu.memory_space<hbm>> -> memref<128x64xf32, #tpu.memory_space<hbm>>
    %dma_wait3A_460 = arith.constant 0 : i32
    %dma_wait3A_461 = arith.constant 0 : i32
    %dma_wait3A_462 = tpu.memref_slice %arg5[%dma_wait3A_460, %dma_wait3A_461] : memref<1000000x64xf32, #tpu.memory_space<hbm>> -> memref<128x64xf32, #tpu.memory_space<hbm>>
    tpu.wait_dma2 semaphore(%arg22 : memref<!tpu.dma_semaphore, #tpu.memory_space<semaphore_mem>>) src(%dma_wait3A_462 : memref<128x64xf32, #tpu.memory_space<hbm>>) dst(%arg14 : memref<128x64xf32, #tpu.memory_space<vmem>>)
    %dma_wait3A_463 = arith.constant 0 : i32
    %dma_wait3A_464 = arith.constant 0 : i32
    %dma_wait3A_465 = tpu.memref_slice %arg6[%dma_wait3A_463, %dma_wait3A_464] : memref<500x128xf32, #tpu.memory_space<hbm>> -> memref<16x128xf32, #tpu.memory_space<hbm>>
    %dma_wait3A_466 = arith.constant 0 : i32
    %dma_wait3A_467 = arith.constant 0 : i32
    %dma_wait3A_468 = tpu.memref_slice %arg6[%dma_wait3A_466, %dma_wait3A_467] : memref<500x128xf32, #tpu.memory_space<hbm>> -> memref<16x128xf32, #tpu.memory_space<hbm>>
    tpu.wait_dma2 semaphore(%arg22 : memref<!tpu.dma_semaphore, #tpu.memory_space<semaphore_mem>>) src(%dma_wait3A_468 : memref<16x128xf32, #tpu.memory_space<hbm>>) dst(%arg17 : memref<16x128xf32, #tpu.memory_space<vmem>>)
    %dma_wait3A_469 = arith.constant 0 : i32
    %dma_wait3A_470 = arith.constant 0 : i32
    %dma_wait3A_471 = tpu.memref_slice %arg7[%dma_wait3A_469, %dma_wait3A_470] : memref<500x128xf32, #tpu.memory_space<hbm>> -> memref<16x128xf32, #tpu.memory_space<hbm>>
    %dma_wait3A_472 = arith.constant 0 : i32
    %dma_wait3A_473 = arith.constant 0 : i32
    %dma_wait3A_474 = tpu.memref_slice %arg7[%dma_wait3A_472, %dma_wait3A_473] : memref<500x128xf32, #tpu.memory_space<hbm>> -> memref<16x128xf32, #tpu.memory_space<hbm>>
    tpu.wait_dma2 semaphore(%arg22 : memref<!tpu.dma_semaphore, #tpu.memory_space<semaphore_mem>>) src(%dma_wait3A_474 : memref<16x128xf32, #tpu.memory_space<hbm>>) dst(%arg18 : memref<16x128xf32, #tpu.memory_space<vmem>>)
    "tpu.region"() ({
      %run_scoped3A = tpu.sem_alloc : memref<!tpu.dma_semaphore, #tpu.memory_space<semaphore_mem>>
      %dma_start3A_475 = tpu.memref_slice %arg8[%mul3A_2] : memref<16384xf32, #tpu.memory_space<hbm>> -> memref<512xf32, #tpu.memory_space<hbm>>
      %dma_start3A_476 = tpu.memref_slice %arg8[%mul3A_2] : memref<16384xf32, #tpu.memory_space<hbm>> -> memref<512xf32, #tpu.memory_space<hbm>>
      tpu.enqueue_dma source(%arg21 : memref<512xf32, #tpu.memory_space<vmem>>) target(%dma_start3A_476 : memref<512xf32, #tpu.memory_space<hbm>>) target_semaphore(%run_scoped3A : memref<!tpu.dma_semaphore, #tpu.memory_space<semaphore_mem>>)
      %dma_wait3A_477 = tpu.memref_slice %arg8[%mul3A_2] : memref<16384xf32, #tpu.memory_space<hbm>> -> memref<512xf32, #tpu.memory_space<hbm>>
      %dma_wait3A_478 = tpu.memref_slice %arg8[%mul3A_2] : memref<16384xf32, #tpu.memory_space<hbm>> -> memref<512xf32, #tpu.memory_space<hbm>>
      tpu.wait_dma2 semaphore(%run_scoped3A : memref<!tpu.dma_semaphore, #tpu.memory_space<semaphore_mem>>) src(%arg21 : memref<512xf32, #tpu.memory_space<vmem>>) dst(%dma_wait3A_478 : memref<512xf32, #tpu.memory_space<hbm>>)
      tpu.yield
    }) : () -> ()
    return
  }
}

</mosaic_0001>

<sc_bundles>
// kernel: kernel.3.cloned.1.call-start
scs
__scs_entry_jumppad:
0x0: {  	(pc) =	sbr.rel $0x88, $3  }
0x1: {  	(tag) =	ssettag $0x0;
	lr =	simm.s32 $0x1  }
0x2: {  	[smem:$0x3F9B] =	sst lr;
	_ =	strace $0xD0000000  }
0x3: {  	_ = 	snop  }
0x4: {  	_ = 	snop  }
0x5: {  	_ = 	snop  }
0x6: {  	_ = 	snop  }
0x7: {  	_ = 	snop  }
__scs_overlays_trampoline_lowered:
0x8: {  	[smem:$0x3FAA] =	sst s0  }
0x9: {  	[smem:$0x3FAB] =	sst s1  }
0xa: {  	[smem:$0x3FAC] =	sst s2  }
0xb: {  	[smem:$0x3FAD] =	sst s3  }
0xc: {  	[smem:$0x3FAE] =	sst s4  }
0xd: {  	[smem:$0x3FAF] =	sst s5  }
0xe: {  	[smem:$0x3FB0] =	sst s6  }
0xf: {  	[smem:$0x3FB1] =	sst s7  }
0x10: {  	[smem:$0x3FB2] =	sst s8  }
0x11: {  	[smem:$0x3FB3] =	sst s9;
	s0 =	simm.s32 @!p0 $0x0  }
0x12: {  	s1 =	sld [smem:$0x3F99];
	s0 =	simm.s32 @p0 $0x1  }
0x13: {  	[smem:$0x3FB4] =	sst s0;
	s0 =	simm.s32 @!p1 $0x0  }
0x14: {  	s2 =	sld [smem:$0x3F98];
	s0 =	simm.s32 @p1 $0x1  }
0x15: {  	[smem:$0x3FB5] =	sst s0;
	s0 =	simm.s32 @!p2 $0x0  }
0x16: {  	s3 =	sld [smem:$0x3FDB];
	s0 =	simm.s32 @p2 $0x1  }
0x17: {  	s4 =	simm.s32 $0x1BF5;
	[smem:$0x3FB7] =	sst s0  }
0x18: {  	s0 =	sld [smem:$0x3F9A];
	_ =	swait.ge [sflag:s4], $0x0  }
0x19: {  	s7 =	sld [smem:$0x3F9B]  }
0x1a: {  	s8 =	sadd.s32 $0xFFFFE003, lr  }
0x1b: {  	s9 =	sadd.s32 $0xFFFFFEF7, lr;
	s5 =	simm.s32 $0xFFFFFFFF;
	p2 =	slt.u32 s8, $0xFFFFF086  }
0x1c: {  	p1 =	slt.u32 s9, $0xF7A;
	s5 =	simm.s32 @!p2 $0x0  }
0x1d: {  	s5 =	simm.s32 @p1 $0x1;
	p0 =	seq.s32 s7, s2  }
0x1e: {  	s7 =	smul.u32 @!p0 $0xF7A, s2;
	p2 =	seq.s32 @!p0 s5, $0x0  }
0x1f: {  	s9 =	smul.u32 $0xF7A, s1;
	s8 =	simm.s32 @!p0 $0x1BF5;
	p2 =	por !p2, p0  }
0x20: {  	[sflag:s8] =	ssyncset.s32 @!p0 $0xFFFFF086;
	s6 =	sadd.s32 @!p0 s3, s7;
	s7 =	simm.s32 @!p0 $0x108  }
0x21: {  	s3 =	sadd.s32 s3, s9;
	s6 =	sadd.s32 @!p0 $0x88, s6;
	s7 =	simm.s32 @p2 $0x1082  }
0x22: {  	[simem:s7], [sflag:s8] =	dma.local @!p0 [hbm:s6], $0xF7A  }
0x23: {  	s9 =	sor.u32 $0xD0000000, s2;
	s6 =	simm.s32 $0x108;
	_ =	swait.ge @!p0 [sflag:s8], $0x0  }
0x24: {  	s3 =	sadd.s32 $0x88, s3;
	s6 =	simm.s32 @!p1 $0x1082;
	[sflag:s4] =	ssyncset.s32 $0xFFFFF086  }
0x25: {  	[simem:s6], [sflag:s4] =	dma.local [hbm:s3], $0xF7A  }
0x26: {  	[smem:$0x3F9B] =	sst s1;
	(tag) =	ssettag s2;
	_ =	strace s9  }
0x27: {  	s1 =	sld [smem:$0x3FAB]  }
0x28: {  	s2 =	sld [smem:$0x3FAC]  }
0x29: {  	s4 =	sld [smem:$0x3FAE]  }
0x2a: {  	p0 =	seq.s32 s5, $0x0;
	s5 =	sld [smem:$0x3FAF]  }
0x2b: {  	s6 =	sld [smem:$0x3FB0]  }
0x2c: {  	s7 =	sld [smem:$0x3FB1]  }
0x2d: {  	s3 =	simm.s32 $0x108;
	s8 =	sld [smem:$0x3FB2]  }
0x2e: {  	s3 =	simm.s32 @!p0 $0x1082;
	s9 =	sld [smem:$0x3FB3]  }
0x2f: {  	lr =	sadd.s32 s0, s3;
	s0 =	sld [smem:$0x3FAA]  }
0x30: {  	s3 =	sld [smem:$0x3FAD]  }
0x31: {  	[smem:$0x3FB6] =	sst s10  }
0x32: {  	s10 =	sld [smem:$0x3FB4];
	_ =	sdelay $0x3  }
0x33: {  	p0 =	seq.s32 s10, $0x1;
	s10 =	sld [smem:$0x3FB6];
	_ =	sdelay $0x3  }
0x34: {  	[smem:$0x3FB6] =	sst s10  }
0x35: {  	s10 =	sld [smem:$0x3FB5];
	_ =	sdelay $0x3  }
0x36: {  	p1 =	seq.s32 s10, $0x1;
	s10 =	sld [smem:$0x3FB6];
	_ =	sdelay $0x3  }
0x37: {  	[smem:$0x3FB6] =	sst s10  }
0x38: {  	s10 =	sld [smem:$0x3FB7]  }
0x39: {  	_ = 	snop;
	(pc) =	sbr.ind lr, $3  }
0x3a: {  	_ = 	snop  }
0x3b: {  	_ = 	snop  }
0x3c: {  	p2 =	seq.s32 s10, $0x1;
	s10 =	sld [smem:$0x3FB6]  }
0x3d: {  	_ =	shalt  }
0x3e: {  	_ =	shalt  }
0x3f: {  	_ =	shalt  }
0x40: {  	_ =	shalt  }
0x41: {  	_ =	shalt  }
0x42: {  	_ =	shalt  }
0x43: {  	_ =	shalt  }
0x44: {  	_ =	shalt  }
0x45: {  	_ =	shalt  }
0x46: {  	_ =	shalt  }
0x47: {  	_ =	shalt  }
0x48: {  	_ =	shalt  }
0x49: {  	_ =	shalt  }
0x4a: {  	_ =	shalt  }
0x4b: {  	_ =	shalt  }
0x4c: {  	_ =	shalt  }
0x4d: {  	_ =	shalt  }
0x4e: {  	_ =	shalt  }
0x4f: {  	_ =	shalt  }
0x50: {  	_ =	shalt  }
0x51: {  	_ =	shalt  }
0x52: {  	_ =	shalt  }
0x53: {  	_ =	shalt  }
0x54: {  	_ =	shalt  }
0x55: {  	_ =	shalt  }
0x56: {  	_ =	shalt  }
0x57: {  	_ =	shalt  }
0x58: {  	_ =	shalt  }
0x59: {  	_ =	shalt  }
0x5a: {  	_ =	shalt  }
0x5b: {  	_ =	shalt  }
0x5c: {  	_ =	shalt  }
0x5d: {  	_ =	shalt  }
0x5e: {  	_ =	shalt  }
0x5f: {  	_ =	shalt  }
0x60: {  	_ =	shalt  }
0x61: {  	_ =	shalt  }
0x62: {  	_ =	shalt  }
0x63: {  	_ =	shalt  }
0x64: {  	_ =	shalt  }
0x65: {  	_ =	shalt  }
0x66: {  	_ =	shalt  }
0x67: {  	_ =	shalt  }
0x68: {  	_ =	shalt  }
0x69: {  	_ =	shalt  }
0x6a: {  	_ =	shalt  }
0x6b: {  	_ =	shalt  }
0x6c: {  	_ =	shalt  }
0x6d: {  	_ =	shalt  }
0x6e: {  	_ =	shalt  }
0x6f: {  	_ =	shalt  }
0x70: {  	_ =	shalt  }
0x71: {  	_ =	shalt  }
0x72: {  	_ =	shalt  }
0x73: {  	_ =	shalt  }
0x74: {  	_ =	shalt  }
0x75: {  	_ =	shalt  }
0x76: {  	_ =	shalt  }
0x77: {  	_ =	shalt  }
0x78: {  	_ =	shalt  }
0x79: {  	_ =	shalt  }
0x7a: {  	_ =	shalt  }
0x7b: {  	_ =	shalt  }
0x7c: {  	_ =	shalt  }
0x7d: {  	_ =	shalt  }
0x7e: {  	_ =	shalt  }
0x7f: {  	_ =	shalt  }
0x80: {  	_ =	shalt  }
0x81: {  	_ =	shalt  }
0x82: {  	_ =	shalt  }
0x83: {  	_ =	shalt  }
0x84: {  	_ =	shalt  }
0x85: {  	_ =	shalt  }
0x86: {  	_ =	shalt  }
0x87: {  	_ =	shalt  }
.Lfunc_end0:
.L_simem_size_0:
called_computation_lowered:
.L_overlay_start_0:
0x88: {  	s2 =	sld [smem:$0x3FD9]  }
0x89: {  	s3 =	sld [smem:$0x3FFE];
	_ =	sdelay $0x1  }
0x8a: {  	s1 =	srdreg.scid  }
0x8b: {  	s0 =	sand.u32 $0x1, s1  }
0x8c: {  	s17 =	sshll.u32 s0, $0xA;
	s2 =	sadd.s32 s3, s2  }
0x8d: {  	s2 =	sadd.s32 s2, s17  }
0x8e: {  	[smem:$0x3FC2] =	sst s2  }
0x8f: {  	_ = 	snop  }
0x90: {  	s2 =	sld [smem:$0x3FC9]  }
0x91: {  	s18 =	sld [smem:$0x3FC8]  }
0x92: {  	s4 =	sld [smem:$0x3FC7]  }
0x93: {  	s5 =	sld [smem:$0x3FD0];
	(tm) =	ssettm $0x1  }
0x94: {  	s6 =	sld [smem:$0x3FFB];
	_ =	sdelay $0x3  }
0x95: {  	_ =	strace s6  }
0x96: {  	s6 =	sld [smem:$0x3FFC];
	_ =	sdelay $0x3  }
0x97: {  	_ =	strace s6  }
0x98: {  	s6 =	sld [smem:$0x3FFD];
	_ =	sdelay $0x3  }
0x99: {  	_ =	strace s6  }
0x9a: {  	_ =	strace $0x8FFFFFFF  }
0x9b: {  	s19 =	sld [smem:$0x3FDB];
	_ =	sdelay $0x1  }
0x9c: {  	s7 =	simm.s32 $_scs_section_size  }
0x9d: {  	s8 =	simm.s32 $_size__tile_overlayer_lowered;
	s9 =	simm.s32 $_tile_overlayer_lowered  }
0x9e: {  	s22 =	simm.s32 $0x1BFF;
	s21 =	sshll.u32 s9, $0x1;
	s6 =	sadd.s32 s7, s19  }
0x9f: {  	s10 =	simm.s32 $0x0;
	s20 =	sshll.u32 s8, $0x1;
	s8 =	sadd.s32 s21, s6  }
0xa0: {  	[timem:s10], [sflag:s22] =	dma.local [hbm:s8], s20  }
0xa1: {  	_ =	swait.ge [sflag:s22], s20  }
0xa2: {  	s7 =	ssub.s32 $0x0, s20;
	[sflag:s22] =	ssyncset.done $0x0  }
0xa3: {  	[sflag:s22] =	ssyncadd.s32 s7;
	_ =	sdelay $0x1  }
0xa4: {  	s23 =	simm.s32 $0x1B8B  }
0xa5: {  	_ =	swait.ge [sflag:s23], $0x1  }
0xa6: {  	[sflag:s23] =	ssyncset.done $0x0  }
0xa7: {  	s25 =	simm.s32 $0x1B8E;
	s24 =	sld [smem:$0x3FFE];
	[sflag:s23] =	ssyncadd.s32 $0xFFFFFFFF  }
0xa8: {  	s26 =	simm.s32 $execute0_lowered;
	[smem:$0x3FD2] =	sst s25  }
0xa9: {  	s8 =	sshll.u32 s26, $0x1;
	_ =	strace $0x80000046;
	[dreg:$0x1] =	wrdreg $0xFFFFFFFF  }
0xaa: {  	s28 =	simm.s32 $_size_execute0_lowered;
	s6 =	sadd.s32 s6, s8;
	[dreg:$0x0] =	wrdreg $0x0  }
0xab: {  	s8 =	sshll.u32 s28, $0x1;
	[dreg:$0x2] =	wrdreg s6  }
0xac: {  	[dreg:$0x3] =	wrdreg s8  }
0xad: {  	[dreg:$0x4] =	wrdreg $0xC0  }
0xae: {  	_ =	task [dreg:s10], $0x5FFFF  }
0xaf: {  	[dreg:$0x1] =	wrdreg $0xFFFFFFFF  }
0xb0: {  	[dreg:$0x0] =	wrdreg $0x60  }
0xb1: {  	[dreg:$0x2] =	wrdreg s2  }
0xb2: {  	[dreg:$0x3] =	wrdreg s18  }
0xb3: {  	[dreg:$0x4] =	wrdreg s4  }
0xb4: {  	[dreg:$0x5] =	wrdreg s24  }
0xb5: {  	[dreg:$0x6] =	wrdreg s5  }
0xb6: {  	[dreg:$0x7] =	wrdreg $0x9  }
0xb7: {  	_ =	task.clear_ibuf [dreg:s10], $0x8FFFF;
	_ =	strace $0x90000046  }
0xb8: {  	s29 =	simm.s32 $0x9;
	_ =	strace $0x80000048  }
0xb9: {  	_ =	swait.ge [sflag:s29], $0x1  }
0xba: {  	[sflag:s29] =	ssyncadd.s32 $0xFFFFFFFF  }
0xbb: {  	_ =	strace $0x90000048  }
0xbc: {  	_ =	sfence  }
0xbd: {  	s30 =	sld [smem:$0x0];
	_ =	sdelay $0x2  }
0xbe: {  	s31 =	sshll.u32 s1, $0xD;
	s1 =	sshrl.u32 s1, $0x2  }
0xbf: {  	s3 =	sand.u32 $0x4000, s31;
	s1 =	sadd.s32 s1, s30  }
0xc0: {  	s0 =	sor.u32 s3, s0;
	s1 =	sshll.u32 s1, $0x11  }
0xc1: {  	s0 =	sor.u32 s1, s0  }
0xc2: {  	s0 =	sadd.s32 $0x8F2B, s0  }
0xc3: {  	[sflag:s0] =	ssyncadd.remote.s32 $0x1  }
0xc4: {  	_ =	sfence.sel $0xFFFF  }
0xc5: {  	[dreg:$0x0] =	wrdreg $0xFFFFFFFF;
	(pc) =	sbr.abs _section_cstart, $3  }
0xc6: {  	[dreg:$0x1] =	wrdreg $0xFFFFFFFF  }
0xc7: {  	_ =	task.clear_ibuf [dreg:s10], $0x2FFFF;
	_ =	strace $0x9FFFFFFF  }
0xc8: {  	(tm) =	ssettm $0x7FFFFFFF  }
0xc9: {  	_ =	shalt  }
tec
execute0_lowered:
.L_overlay_start_1:
0x0: {  	(tag) =	ssettag $0x1  }
0x1: {  	s0 =	rddreg [dreg:$0x0]  }
0x2: {  	s1 =	rddreg [dreg:$0x1]  }
0x3: {  	s2 =	rddreg [dreg:$0x2]  }
0x4: {  	s5 =	rddreg [dreg:$0x3]  }
0x5: {  	s6 =	rddreg [dreg:$0x4];
	s11 =	simm.s32 $0x0  }
0x6: {  	s4 =	srdreg.scid;
	s8 =	stileid.u32;
	s14 =	simm.s32 $0x800  }
0x7: {  	s15 =	simm.s32 $0x4800;
	s16 =	simm.s32 $0x4000;
	s17 =	simm.s32 $0x8000  }
0x8: {  	s18 =	simm.s32 $0x4400;
	s19 =	simm.s32 $0x8400;
	s20 =	simm.s32 $0x10  }
0x9: {  	s21 =	simm.s32 $0x10800;
	s22 =	simm.s32 $0x11000;
	s23 =	simm.s32 $0x8800  }
0xa: {  	s12 =	simm.s32 $0x10000;
	s30 =	simm.s32 $0xC400;
	s13 =	simm.s32 $0x10400  }
0xb: {  	s28 =	simm.s32 $0x11800;
	s31 =	simm.s32 $0x1;
	[smem:$0x7FF] =	sst s11  }
0xc: {  	s3 =	sadd.s32 $0x4400, s5;
	s4 =	sand.u32 $0x1, s4;
	s8 =	sshll.u32 s8, $0x7  }
0xd: {  	_ =	strace $0x80000047;
	s7 =	ssub.s32 $0x2, s4;
	s9 =	sshll.u32 s4, $0x6  }
0xe: {  	s4 =	sadd.s32 $0x400, s5;
	s10 =	sshrl.u32 s7, $0x1;
	s8 =	sor.u32 s9, s8  }
0xf: {  	s5 =	sadd.s32 $0x2400, s5;
	s7 =	ssub.s32 s7, s10;
	s0 =	sadd.s32 s0, s8  }
0x10: {  	s24 =	sadd.s32 s2, s8;
	s25 =	sadd.s32 s1, s8;
	[dreg:$0x6] =	wrdreg s0  }
0x11: {  	s26 =	sadd.s32 s6, s8;
	s1 =	simm.s32 $0x3;
	[dreg:$0x7] =	wrdreg s24  }
0x12: {  	s6 =	simm.s32 $0x12000;
	s2 =	simm.s32 $0x0;
	[dreg:$0x8] =	wrdreg s25  }
0x13: {  	v1 =	vlaneseq.u32;
	[dreg:$0x9] =	wrdreg s26;
	s29 =	smax.u32 s7, $0x1;
	s24 =	simm.s32 $0xC800  }
0x14: {  	v0 =	vmul.u32 $0x400, v1;
	v1 =	vmul.u32 $0x80, v1;
	s7 =	simm.s32 $0x2;
	s26 =	simm.s32 $0x0;
	[dreg:$0xa] =	wrdreg s29  }
.LBB2_1:
0x15: {  	[dreg:$0xb] =	wrdreg s2  }
0x16: {  	s0 =	rddreg [dreg:$0x6]  }
0x17: {  	[tilespmem:s11], [sflag:$0x3] =	stream.linear.gather [hbm4b:s0+s11], $0x200, $0x38;
	[tilespmem:$0x12A00] =	vst v63  }
0x18: {  	_ =	swait.ge [sflag:s1], $0x200  }
0x19: {  	[sflag:s1] =	ssyncset.done $0x0  }
0x1a: {  	s10 =	simm.s32 $0x200;
	s9 =	rddreg [dreg:$0x7];
	[sflag:s1] =	ssyncadd.s32 $0xFFFFFE00  }
0x1b: {  	[tilespmem:s10], [sflag:$0x3] =	stream.linear.gather [hbm4b:s9+s11], $0x200, $0x38;
	[tilespmem:$0x12A00] =	vst v63  }
0x1c: {  	_ =	swait.ge [sflag:s1], $0x200  }
0x1d: {  	[sflag:s1] =	ssyncset.done $0x0  }
0x1e: {  	s29 =	simm.s32 $0x400;
	s25 =	rddreg [dreg:$0x8];
	[sflag:s1] =	ssyncadd.s32 $0xFFFFFE00  }
0x1f: {  	[tilespmem:s29], [sflag:$0x3] =	stream.linear.gather [hbm4b:s25+s11], $0x200, $0x38;
	[tilespmem:$0x12A00] =	vst v63  }
0x20: {  	_ =	swait.ge [sflag:s1], $0x200  }
0x21: {  	[sflag:s1] =	ssyncset.done $0x0  }
0x22: {  	s0 =	simm.s32 $0x0;
	[sflag:s1] =	ssyncadd.s32 $0xFFFFFE00  }
0x23: {  	s2 =	simm.s32 $0x40;
	v2 =	vld [tilespmem:s0+$0x400]  }
.LBB2_2:
0x24: {  	p0 =	sne.s32 s2, $0x7C0  }
.Ltmp0:
0x25: {  	_ = 	snop;
	(pc) =	sbr.rel @p0 .LBB2_2-.Ltmp0, $3  }
0x26: {  	_ =	sdelay $0x1  }
0x27: {  	s8 =	sshra.s32 s2, $0x2;
	s2 =	sadd.s32 $0x40, s2;
	v3 =	vshra.s32 v2, $0x1  }
0x28: {  	v2 =	vld [tilespmem:s8+$0x400];
	[tilespmem:s0+$0x600] =	vst v3;
	s0 =	smov.u32 s8  }
0x29: {  	_ =	sdelay $0x3  }
0x2a: {  	v2 =	vshra.s32 v2, $0x1  }
0x2b: {  	[tilespmem:s0+$0x600] =	vst v2  }
0x2c: {  	v2 =	vld [tilespmem:$0x0];
	_ =	sdelay $0x1  }
0x2d: {  	v3 =	vld [tilespmem:$0x200];
	_ =	sdelay $0x2  }
0x2e: {  	v2 =	vand.u32 $0xFFFFFFF8, v2  }
0x2f: {  	v2 =	vshll.u32 v2, $0x4  }
0x30: {  	v3 =	vand.u32 $0xFFFFFFF8, v3;
	v2 =	vadd.s32 s3, v2  }
0x31: {  	v3 =	vshll.u32 v3, $0x4;
	(v2sf) =	vpush v2, $0x0  }
0x32: {  	v3 =	vadd.s32 s3, v3  }
0x33: {  	(v2sf) =	vpush v3, $0x0;
	_ =	sdelay $0x1  }
0x34: {  	(v2sf) =	vpush v2, $0x1;
	_ =	sdelay $0x1  }
0x35: {  	(v2sf) =	vpush v3, $0x1;
	_ =	sdelay $0x1  }
0x36: {  	(v2sf) =	vpush v2, $0x2;
	_ =	sdelay $0x1  }
0x37: {  	(v2sf) =	vpush v3, $0x2;
	_ =	sdelay $0x1  }
0x38: {  	(v2sf) =	vpush v2, $0x3;
	_ =	sdelay $0x1  }
0x39: {  	(v2sf) =	vpush v3, $0x3  }
0x3a: {  	s11 =	spop (v2sf)  }
0x3b: {  	(v2sf) =	vpush v2, $0x4;
	[tilespmem:s14], [sflag:$0x1] =	stream.linear.gather [hbm4b:s11+s26], $0x400, $0x38;
	[tilespmem:$0x12A00] =	vst v63  }
0x3c: {  	s25 =	spop (v2sf)  }
0x3d: {  	(v2sf) =	vpush v3, $0x4;
	[tilespmem:s15], [sflag:$0x1] =	stream.linear.gather [hbm4b:s25+s26], $0x400, $0x38;
	[tilespmem:$0x12A00] =	vst v63  }
0x3e: {  	s1 =	simm.s32 $0xC00;
	s29 =	spop (v2sf)  }
0x3f: {  	(v2sf) =	vpush v2, $0x5;
	[tilespmem:s1], [sflag:$0x1] =	stream.linear.gather [hbm4b:s29+s26], $0x400, $0x38;
	[tilespmem:$0x12A00] =	vst v63  }
0x40: {  	s2 =	simm.s32 $0x4C00;
	s1 =	spop (v2sf)  }
0x41: {  	(v2sf) =	vpush v3, $0x5;
	[tilespmem:s2], [sflag:$0x1] =	stream.linear.gather [hbm4b:s1+s26], $0x400, $0x38;
	[tilespmem:$0x12A00] =	vst v63  }
0x42: {  	s9 =	simm.s32 $0x1000;
	s8 =	spop (v2sf)  }
0x43: {  	(v2sf) =	vpush v2, $0x6;
	[tilespmem:s9], [sflag:$0x1] =	stream.linear.gather [hbm4b:s8+s26], $0x400, $0x38;
	[tilespmem:$0x12A00] =	vst v63  }
0x44: {  	s11 =	simm.s32 $0x5000;
	s10 =	spop (v2sf)  }
0x45: {  	(v2sf) =	vpush v3, $0x6;
	[tilespmem:s11], [sflag:$0x1] =	stream.linear.gather [hbm4b:s10+s26], $0x400, $0x38;
	[tilespmem:$0x12A00] =	vst v63  }
0x46: {  	s29 =	simm.s32 $0x1400;
	s25 =	spop (v2sf)  }
0x47: {  	(v2sf) =	vpush v2, $0x7;
	[tilespmem:s29], [sflag:$0x1] =	stream.linear.gather [hbm4b:s25+s26], $0x400, $0x38;
	[tilespmem:$0x12A00] =	vst v63  }
0x48: {  	s2 =	simm.s32 $0x5400;
	s1 =	spop (v2sf)  }
0x49: {  	(v2sf) =	vpush v3, $0x7;
	[tilespmem:s2], [sflag:$0x1] =	stream.linear.gather [hbm4b:s1+s26], $0x400, $0x38;
	[tilespmem:$0x12A00] =	vst v63  }
0x4a: {  	s9 =	simm.s32 $0x1800;
	s8 =	spop (v2sf)  }
0x4b: {  	(v2sf) =	vpush v2, $0x8;
	[tilespmem:s9], [sflag:$0x1] =	stream.linear.gather [hbm4b:s8+s26], $0x400, $0x38;
	[tilespmem:$0x12A00] =	vst v63  }
0x4c: {  	s11 =	simm.s32 $0x5800;
	s10 =	spop (v2sf)  }
0x4d: {  	(v2sf) =	vpush v3, $0x8;
	[tilespmem:s11], [sflag:$0x1] =	stream.linear.gather [hbm4b:s10+s26], $0x400, $0x38;
	[tilespmem:$0x12A00] =	vst v63  }
0x4e: {  	s29 =	simm.s32 $0x1C00;
	s25 =	spop (v2sf)  }
0x4f: {  	(v2sf) =	vpush v2, $0x9;
	[tilespmem:s29], [sflag:$0x1] =	stream.linear.gather [hbm4b:s25+s26], $0x400, $0x38;
	[tilespmem:$0x12A00] =	vst v63  }
0x50: {  	s2 =	simm.s32 $0x5C00;
	s1 =	spop (v2sf)  }
0x51: {  	(v2sf) =	vpush v3, $0x9;
	[tilespmem:s2], [sflag:$0x1] =	stream.linear.gather [hbm4b:s1+s26], $0x400, $0x38;
	[tilespmem:$0x12A00] =	vst v63  }
0x52: {  	s9 =	simm.s32 $0x2000;
	s8 =	spop (v2sf)  }
0x53: {  	(v2sf) =	vpush v2, $0xA;
	[tilespmem:s9], [sflag:$0x1] =	stream.linear.gather [hbm4b:s8+s26], $0x400, $0x38;
	[tilespmem:$0x12A00] =	vst v63  }
0x54: {  	s11 =	simm.s32 $0x6000;
	s10 =	spop (v2sf)  }
0x55: {  	(v2sf) =	vpush v3, $0xA;
	[tilespmem:s11], [sflag:$0x1] =	stream.linear.gather [hbm4b:s10+s26], $0x400, $0x38;
	[tilespmem:$0x12A00] =	vst v63  }
0x56: {  	s29 =	simm.s32 $0x2400;
	s25 =	spop (v2sf)  }
0x57: {  	(v2sf) =	vpush v2, $0xB;
	[tilespmem:s29], [sflag:$0x1] =	stream.linear.gather [hbm4b:s25+s26], $0x400, $0x38;
	[tilespmem:$0x12A00] =	vst v63  }
0x58: {  	s2 =	simm.s32 $0x6400;
	s1 =	spop (v2sf)  }
0x59: {  	(v2sf) =	vpush v3, $0xB;
	[tilespmem:s2], [sflag:$0x1] =	stream.linear.gather [hbm4b:s1+s26], $0x400, $0x38;
	[tilespmem:$0x12A00] =	vst v63  }
0x5a: {  	s9 =	simm.s32 $0x2800;
	s8 =	spop (v2sf)  }
0x5b: {  	(v2sf) =	vpush v2, $0xC;
	[tilespmem:s9], [sflag:$0x1] =	stream.linear.gather [hbm4b:s8+s26], $0x400, $0x38;
	[tilespmem:$0x12A00] =	vst v63  }
0x5c: {  	s11 =	simm.s32 $0x6800;
	s10 =	spop (v2sf)  }
0x5d: {  	(v2sf) =	vpush v3, $0xC;
	[tilespmem:s11], [sflag:$0x1] =	stream.linear.gather [hbm4b:s10+s26], $0x400, $0x38;
	[tilespmem:$0x12A00] =	vst v63  }
0x5e: {  	s29 =	simm.s32 $0x2C00;
	s25 =	spop (v2sf)  }
0x5f: {  	(v2sf) =	vpush v2, $0xD;
	[tilespmem:s29], [sflag:$0x1] =	stream.linear.gather [hbm4b:s25+s26], $0x400, $0x38;
	[tilespmem:$0x12A00] =	vst v63  }
0x60: {  	s2 =	simm.s32 $0x6C00;
	s1 =	spop (v2sf)  }
0x61: {  	(v2sf) =	vpush v3, $0xD;
	[tilespmem:s2], [sflag:$0x1] =	stream.linear.gather [hbm4b:s1+s26], $0x400, $0x38;
	[tilespmem:$0x12A00] =	vst v63  }
0x62: {  	s9 =	simm.s32 $0x3000;
	s8 =	spop (v2sf)  }
0x63: {  	(v2sf) =	vpush v2, $0xE;
	[tilespmem:s9], [sflag:$0x1] =	stream.linear.gather [hbm4b:s8+s26], $0x400, $0x38;
	[tilespmem:$0x12A00] =	vst v63  }
0x64: {  	s11 =	simm.s32 $0x7000;
	s10 =	spop (v2sf)  }
0x65: {  	(v2sf) =	vpush v3, $0xE;
	[tilespmem:s11], [sflag:$0x1] =	stream.linear.gather [hbm4b:s10+s26], $0x400, $0x38;
	[tilespmem:$0x12A00] =	vst v63  }
0x66: {  	s29 =	simm.s32 $0x3400;
	s25 =	spop (v2sf)  }
0x67: {  	(v2sf) =	vpush v2, $0xF;
	[tilespmem:s29], [sflag:$0x1] =	stream.linear.gather [hbm4b:s25+s26], $0x400, $0x38;
	[tilespmem:$0x12A00] =	vst v63  }
0x68: {  	s1 =	spop (v2sf);
	s2 =	simm.s32 $0x7400  }
0x69: {  	(v2sf) =	vpush v3, $0xF;
	[tilespmem:s2], [sflag:$0x1] =	stream.linear.gather [hbm4b:s1+s26], $0x400, $0x38;
	[tilespmem:$0x12A00] =	vst v63  }
0x6a: {  	s9 =	simm.s32 $0x3800;
	s8 =	spop (v2sf)  }
0x6b: {  	[tilespmem:s9], [sflag:$0x1] =	stream.linear.gather [hbm4b:s8+s26], $0x400, $0x38;
	[tilespmem:$0x12A00] =	vst v63  }
0x6c: {  	s11 =	simm.s32 $0x7800;
	s10 =	spop (v2sf)  }
0x6d: {  	[tilespmem:s11], [sflag:$0x1] =	stream.linear.gather [hbm4b:s10+s26], $0x400, $0x38;
	[tilespmem:$0x12A00] =	vst v63  }
0x6e: {  	s29 =	simm.s32 $0x3C00;
	s25 =	spop (v2sf)  }
0x6f: {  	[tilespmem:s29], [sflag:$0x1] =	stream.linear.gather [hbm4b:s25+s26], $0x400, $0x38;
	[tilespmem:$0x12A00] =	vst v63  }
0x70: {  	s8 =	simm.s32 $0x7C00;
	s2 =	spop (v2sf)  }
0x71: {  	[tilespmem:s8], [sflag:$0x1] =	stream.linear.gather [hbm4b:s2+s26], $0x400, $0x38;
	[tilespmem:$0x12A00] =	vst v63  }
0x72: {  	s9 =	spop (v2sf)  }
0x73: {  	[tilespmem:s16], [sflag:$0x1] =	stream.linear.gather [hbm4b:s9+s26], $0x400, $0x38;
	[tilespmem:$0x12A00] =	vst v63  }
0x74: {  	s10 =	spop (v2sf)  }
0x75: {  	[tilespmem:s17], [sflag:$0x1] =	stream.linear.gather [hbm4b:s10+s26], $0x400, $0x38;
	[tilespmem:$0x12A00] =	vst v63  }
0x76: {  	s11 =	spop (v2sf)  }
0x77: {  	[tilespmem:s18], [sflag:$0x1] =	stream.linear.gather [hbm4b:s11+s26], $0x400, $0x38;
	[tilespmem:$0x12A00] =	vst v63  }
0x78: {  	s25 =	spop (v2sf)  }
0x79: {  	[tilespmem:s19], [sflag:$0x1] =	stream.linear.gather [hbm4b:s25+s26], $0x400, $0x38;
	[tilespmem:$0x12A00] =	vst v63  }
0x7a: {  	s29 =	simm.s32 $0x600  }
0x7b: {  	[tilespmem:s21], [sflag:$0x1] =	stream.indirect.gather [hbm4b:s4+s20], $0x80, s29, s20, $0xb8;
	[tilespmem:$0x12A00] =	vst v63  }
0x7c: {  	s8 =	simm.s32 $0x0  }
0x7d: {  	[tilespmem:s22], [sflag:$0x1] =	stream.indirect.gather [hbm4b:s5+s20], $0x80, s29, s20, $0xb8;
	[tilespmem:$0x12A00] =	vst v63  }
.LBB2_4:
0x7e: {  	s9 =	sshll.u32 s8, $0x5  }
0x7f: {  	v2 =	vld [tilespmem:s9+$0x10];
	_ =	sdelay $0x1  }
0x80: {  	v3 =	vld [tilespmem:s9+$0x210];
	_ =	sdelay $0x2  }
0x81: {  	v2 =	vand.u32 $0xFFFFFFF8, v2  }
0x82: {  	v2 =	vshll.u32 v2, $0x4  }
0x83: {  	v3 =	vand.u32 $0xFFFFFFF8, v3;
	v2 =	vadd.s32 s3, v2  }
0x84: {  	v3 =	vshll.u32 v3, $0x4;
	(v2sf) =	vpush v2, $0x0  }
0x85: {  	v3 =	vadd.s32 s3, v3  }
0x86: {  	(v2sf) =	vpush v3, $0x0;
	_ =	sdelay $0x1  }
0x87: {  	(v2sf) =	vpush v2, $0x1;
	_ =	sdelay $0x1  }
0x88: {  	(v2sf) =	vpush v3, $0x1;
	_ =	sdelay $0x1  }
0x89: {  	(v2sf) =	vpush v2, $0x2;
	_ =	sdelay $0x1  }
0x8a: {  	(v2sf) =	vpush v3, $0x2;
	_ =	sdelay $0x1  }
0x8b: {  	(v2sf) =	vpush v2, $0x3;
	_ =	sdelay $0x1  }
0x8c: {  	(v2sf) =	vpush v3, $0x3  }
0x8d: {  	s0 =	spop (v2sf)  }
0x8e: {  	(v2sf) =	vpush v2, $0x4;
	[tilespmem:s23], [sflag:$0x2] =	stream.linear.gather [hbm4b:s0+s26], $0x400, $0x38;
	[tilespmem:$0x12A00] =	vst v63  }
0x8f: {  	s11 =	spop (v2sf)  }
0x90: {  	(v2sf) =	vpush v3, $0x4;
	[tilespmem:s24], [sflag:$0x2] =	stream.linear.gather [hbm4b:s11+s26], $0x400, $0x38;
	[tilespmem:$0x12A00] =	vst v63  }
0x91: {  	s1 =	simm.s32 $0x8C00;
	s25 =	spop (v2sf)  }
0x92: {  	(v2sf) =	vpush v2, $0x5;
	[tilespmem:s1], [sflag:$0x2] =	stream.linear.gather [hbm4b:s25+s26], $0x400, $0x38;
	[tilespmem:$0x12A00] =	vst v63  }
0x93: {  	s10 =	simm.s32 $0xCC00;
	s2 =	spop (v2sf)  }
0x94: {  	(v2sf) =	vpush v3, $0x5;
	[tilespmem:s10], [sflag:$0x2] =	stream.linear.gather [hbm4b:s2+s26], $0x400, $0x38;
	[tilespmem:$0x12A00] =	vst v63  }
0x95: {  	s11 =	spop (v2sf);
	s25 =	simm.s32 $0x9000  }
0x96: {  	(v2sf) =	vpush v2, $0x6;
	[tilespmem:s25], [sflag:$0x2] =	stream.linear.gather [hbm4b:s11+s26], $0x400, $0x38;
	[tilespmem:$0x12A00] =	vst v63  }
0x97: {  	s2 =	spop (v2sf);
	s10 =	simm.s32 $0xD000  }
0x98: {  	(v2sf) =	vpush v3, $0x6;
	[tilespmem:s10], [sflag:$0x2] =	stream.linear.gather [hbm4b:s2+s26], $0x400, $0x38;
	[tilespmem:$0x12A00] =	vst v63  }
0x99: {  	s11 =	spop (v2sf);
	s25 =	simm.s32 $0x9400  }
0x9a: {  	(v2sf) =	vpush v2, $0x7;
	[tilespmem:s25], [sflag:$0x2] =	stream.linear.gather [hbm4b:s11+s26], $0x400, $0x38;
	[tilespmem:$0x12A00] =	vst v63  }
0x9b: {  	s2 =	spop (v2sf);
	s10 =	simm.s32 $0xD400  }
0x9c: {  	(v2sf) =	vpush v3, $0x7;
	[tilespmem:s10], [sflag:$0x2] =	stream.linear.gather [hbm4b:s2+s26], $0x400, $0x38;
	[tilespmem:$0x12A00] =	vst v63  }
0x9d: {  	s25 =	simm.s32 $0x9800;
	s11 =	spop (v2sf)  }
0x9e: {  	(v2sf) =	vpush v2, $0x8;
	[tilespmem:s25], [sflag:$0x2] =	stream.linear.gather [hbm4b:s11+s26], $0x400, $0x38;
	[tilespmem:$0x12A00] =	vst v63  }
0x9f: {  	s10 =	simm.s32 $0xD800;
	s2 =	spop (v2sf)  }
0xa0: {  	(v2sf) =	vpush v3, $0x8;
	[tilespmem:s10], [sflag:$0x2] =	stream.linear.gather [hbm4b:s2+s26], $0x400, $0x38;
	[tilespmem:$0x12A00] =	vst v63  }
0xa1: {  	s11 =	spop (v2sf);
	s25 =	simm.s32 $0x9C00  }
0xa2: {  	(v2sf) =	vpush v2, $0x9;
	[tilespmem:s25], [sflag:$0x2] =	stream.linear.gather [hbm4b:s11+s26], $0x400, $0x38;
	[tilespmem:$0x12A00] =	vst v63  }
0xa3: {  	s2 =	spop (v2sf);
	s10 =	simm.s32 $0xDC00  }
0xa4: {  	(v2sf) =	vpush v3, $0x9;
	[tilespmem:s10], [sflag:$0x2] =	stream.linear.gather [hbm4b:s2+s26], $0x400, $0x38;
	[tilespmem:$0x12A00] =	vst v63  }
0xa5: {  	s11 =	spop (v2sf);
	s25 =	simm.s32 $0xA000  }
0xa6: {  	(v2sf) =	vpush v2, $0xA;
	[tilespmem:s25], [sflag:$0x2] =	stream.linear.gather [hbm4b:s11+s26], $0x400, $0x38;
	[tilespmem:$0x12A00] =	vst v63  }
0xa7: {  	s2 =	spop (v2sf);
	s10 =	simm.s32 $0xE000  }
0xa8: {  	(v2sf) =	vpush v3, $0xA;
	[tilespmem:s10], [sflag:$0x2] =	stream.linear.gather [hbm4b:s2+s26], $0x400, $0x38;
	[tilespmem:$0x12A00] =	vst v63  }
0xa9: {  	s11 =	spop (v2sf);
	s25 =	simm.s32 $0xA400  }
0xaa: {  	(v2sf) =	vpush v2, $0xB;
	[tilespmem:s25], [sflag:$0x2] =	stream.linear.gather [hbm4b:s11+s26], $0x400, $0x38;
	[tilespmem:$0x12A00] =	vst v63  }
0xab: {  	s2 =	spop (v2sf);
	s10 =	simm.s32 $0xE400  }
0xac: {  	(v2sf) =	vpush v3, $0xB;
	[tilespmem:s10], [sflag:$0x2] =	stream.linear.gather [hbm4b:s2+s26], $0x400, $0x38;
	[tilespmem:$0x12A00] =	vst v63  }
0xad: {  	s25 =	simm.s32 $0xA800;
	s11 =	spop (v2sf)  }
0xae: {  	(v2sf) =	vpush v2, $0xC;
	[tilespmem:s25], [sflag:$0x2] =	stream.linear.gather [hbm4b:s11+s26], $0x400, $0x38;
	[tilespmem:$0x12A00] =	vst v63  }
0xaf: {  	s2 =	spop (v2sf);
	s10 =	simm.s32 $0xE800  }
0xb0: {  	(v2sf) =	vpush v3, $0xC;
	[tilespmem:s10], [sflag:$0x2] =	stream.linear.gather [hbm4b:s2+s26], $0x400, $0x38;
	[tilespmem:$0x12A00] =	vst v63  }
0xb1: {  	s11 =	spop (v2sf);
	s25 =	simm.s32 $0xAC00  }
0xb2: {  	(v2sf) =	vpush v2, $0xD;
	[tilespmem:s25], [sflag:$0x2] =	stream.linear.gather [hbm4b:s11+s26], $0x400, $0x38;
	[tilespmem:$0x12A00] =	vst v63  }
0xb3: {  	s2 =	spop (v2sf);
	s10 =	simm.s32 $0xEC00  }
0xb4: {  	(v2sf) =	vpush v3, $0xD;
	[tilespmem:s10], [sflag:$0x2] =	stream.linear.gather [hbm4b:s2+s26], $0x400, $0x38;
	[tilespmem:$0x12A00] =	vst v63  }
0xb5: {  	s11 =	spop (v2sf);
	s25 =	simm.s32 $0xB000  }
0xb6: {  	(v2sf) =	vpush v2, $0xE;
	[tilespmem:s25], [sflag:$0x2] =	stream.linear.gather [hbm4b:s11+s26], $0x400, $0x38;
	[tilespmem:$0x12A00] =	vst v63  }
0xb7: {  	s2 =	spop (v2sf);
	s10 =	simm.s32 $0xF000  }
0xb8: {  	(v2sf) =	vpush v3, $0xE;
	[tilespmem:s10], [sflag:$0x2] =	stream.linear.gather [hbm4b:s2+s26], $0x400, $0x38;
	[tilespmem:$0x12A00] =	vst v63  }
0xb9: {  	s11 =	spop (v2sf);
	s25 =	simm.s32 $0xB400  }
0xba: {  	(v2sf) =	vpush v2, $0xF;
	[tilespmem:s25], [sflag:$0x2] =	stream.linear.gather [hbm4b:s11+s26], $0x400, $0x38;
	[tilespmem:$0x12A00] =	vst v63  }
0xbb: {  	s2 =	spop (v2sf);
	s10 =	simm.s32 $0xF400  }
0xbc: {  	(v2sf) =	vpush v3, $0xF;
	[tilespmem:s10], [sflag:$0x2] =	stream.linear.gather [hbm4b:s2+s26], $0x400, $0x38;
	[tilespmem:$0x12A00] =	vst v63  }
0xbd: {  	s11 =	spop (v2sf);
	s25 =	simm.s32 $0xB800  }
0xbe: {  	[tilespmem:s25], [sflag:$0x2] =	stream.linear.gather [hbm4b:s11+s26], $0x400, $0x38;
	[tilespmem:$0x12A00] =	vst v63  }
0xbf: {  	s2 =	spop (v2sf);
	s10 =	simm.s32 $0xF800  }
0xc0: {  	[tilespmem:s10], [sflag:$0x2] =	stream.linear.gather [hbm4b:s2+s26], $0x400, $0x38;
	[tilespmem:$0x12A00] =	vst v63  }
0xc1: {  	s11 =	spop (v2sf);
	s25 =	simm.s32 $0xBC00  }
0xc2: {  	[tilespmem:s25], [sflag:$0x2] =	stream.linear.gather [hbm4b:s11+s26], $0x400, $0x38;
	[tilespmem:$0x12A00] =	vst v63  }
0xc3: {  	s1 =	spop (v2sf);
	s2 =	simm.s32 $0xFC00  }
0xc4: {  	[tilespmem:s2], [sflag:$0x2] =	stream.linear.gather [hbm4b:s1+s26], $0x400, $0x38;
	[tilespmem:$0x12A00] =	vst v63  }
0xc5: {  	s10 =	spop (v2sf);
	s11 =	simm.s32 $0xC000  }
0xc6: {  	[tilespmem:s11], [sflag:$0x2] =	stream.linear.gather [hbm4b:s10+s26], $0x400, $0x38;
	[tilespmem:$0x12A00] =	vst v63  }
0xc7: {  	s25 =	spop (v2sf)  }
0xc8: {  	[tilespmem:s12], [sflag:$0x2] =	stream.linear.gather [hbm4b:s25+s26], $0x400, $0x38;
	[tilespmem:$0x12A00] =	vst v63  }
0xc9: {  	s1 =	spop (v2sf)  }
0xca: {  	[tilespmem:s30], [sflag:$0x2] =	stream.linear.gather [hbm4b:s1+s26], $0x400, $0x38;
	[tilespmem:$0x12A00] =	vst v63  }
0xcb: {  	s2 =	spop (v2sf)  }
0xcc: {  	[tilespmem:s13], [sflag:$0x2] =	stream.linear.gather [hbm4b:s2+s26], $0x400, $0x38;
	[tilespmem:$0x12A00] =	vst v63  }
0xcd: {  	s10 =	sadd.s32 $0x610, s9  }
0xce: {  	[tilespmem:s28], [sflag:$0x2] =	stream.indirect.gather [hbm4b:s4+s20], $0x80, s10, s20, $0xb8;
	[tilespmem:$0x12A00] =	vst v63  }
0xcf: {  	_ = 	snop  }
0xd0: {  	[tilespmem:s6], [sflag:$0x2] =	stream.indirect.gather [hbm4b:s5+s20], $0x80, s10, s20, $0xb8;
	[tilespmem:$0x12A00] =	vst v63  }
0xd1: {  	_ =	swait.ge [sflag:s31], $0x4000  }
0xd2: {  	[sflag:s31] =	ssyncset.done $0x0  }
0xd3: {  	[sflag:s31] =	ssyncadd.s32 $0xFFFFC000  }
0xd4: {  	_ =	swait.ge [sflag:s31], $0x4000  }
0xd5: {  	[sflag:s31] =	ssyncset.done $0x0  }
0xd6: {  	[sflag:s31] =	ssyncadd.s32 $0xFFFFC000  }
0xd7: {  	_ =	swait.ge [sflag:s31], $0x800  }
0xd8: {  	[sflag:s31] =	ssyncset.done $0x0  }
0xd9: {  	[sflag:s31] =	ssyncadd.s32 $0xFFFFF800  }
0xda: {  	_ =	swait.ge [sflag:s31], $0x800  }
0xdb: {  	[sflag:s31] =	ssyncset.done $0x0  }
0xdc: {  	[sflag:s31] =	ssyncadd.s32 $0xFFFFF800  }
0xdd: {  	v2 =	vld [tilespmem:s9+$0x0]  }
0xde: {  	v3 =	vld [tilespmem:s9+$0x200]  }
0xdf: {  	v4 =	vld [tilespmem:s9+$0x400];
	_ =	sdelay $0x2  }
0xe0: {  	v2 =	vand.u32 $0x7, v2  }
0xe1: {  	v3 =	vand.u32 $0x7, v3;
	v2 =	vshll.u32 v2, $0x7  }
0xe2: {  	s11 =	simm.s32 $0x1;
	v5 =	vshll.u32 v4, $0x6;
	v3 =	vshll.u32 v3, $0x7;
	v2 =	vor.u32 v0, v2  }
0xe3: {  	s2 =	simm.s32 $0x4;
	v4 =	vor.u32 v0, v3;
	v3 =	vand.u32 $0x40, v5;
	v6 =	vor.u32 s11, v2  }
0xe4: {  	s10 =	simm.s32 $0x2;
	v5 =	vor.u32 v1, v3;
	v3 =	vor.u32 s2, v4  }
0xe5: {  	s25 =	simm.s32 $0x5;
	v8 =	vor.u32 s10, v2  }
0xe6: {  	v14 =	vor.u32 s25, v2  }
0xe7: {  	v17 =	vor.u32 s11, v4  }
0xe8: {  	s29 =	simm.s32 $0x3;
	v21 =	vor.u32 s26, v2;
	v12 =	vld.idx.msk [tilespmem:v6+s14+$0x0], $0xffff  }
0xe9: {  	v23 =	vor.u32 s29, v4;
	v15 =	vld.idx.msk [tilespmem:v3+s15+$0x0], $0xffff  }
0xea: {  	v29 =	vor.u32 s26, v4;
	v8 =	vld.idx.msk [tilespmem:v8+s14+$0x0], $0xffff  }
0xeb: {  	v7 =	vor.u32 s11, v5;
	v22 =	vld.idx.msk [tilespmem:v14+s14+$0x0], $0xffff  }
0xec: {  	v9 =	vor.u32 s10, v5;
	v17 =	vld.idx.msk [tilespmem:v17+s15+$0x0], $0xffff  }
0xed: {  	v34 =	vld.idx.msk [tilespmem:v21+s14+$0x0], $0xffff  }
0xee: {  	v10 =	vor.u32 s29, v5;
	v36 =	vld.idx.msk [tilespmem:v23+s15+$0x0], $0xffff  }
0xef: {  	v29 =	vld.idx.msk [tilespmem:v29+s15+$0x0], $0xffff  }
0xf0: {  	v11 =	vor.u32 s2, v5;
	v19 =	vld.idx.msk [tilespmem:v7+s22+$0x0], $0xffff  }
0xf1: {  	v20 =	vld.idx.msk [tilespmem:v9+s21+$0x0], $0xffff  }
0xf2: {  	v6 =	vld.idx.msk [tilespmem:v9+s22+$0x0], $0xffff  }
0xf3: {  	v26 =	vor.u32 s26, v5;
	v3 =	vld.idx.msk [tilespmem:v10+s22+$0x0], $0xffff  }
0xf4: {  	v14 =	vor.u32 s25, v4;
	v16 =	vld.idx.msk [tilespmem:v7+s21+$0x0], $0xffff  }
0xf5: {  	v7 =	vor.u32 s2, v2;
	v13 =	vld.idx.msk [tilespmem:v11+s22+$0x0], $0xffff  }
0xf6: {  	v18 =	vld.idx.msk [tilespmem:v11+s21+$0x0], $0xffff;
	v11 =	vor.u32 s10, v4  }
0xf7: {  	v9 =	vor.u32 s29, v2;
	v24 =	vld.idx.msk [tilespmem:v10+s21+$0x0], $0xffff  }
0xf8: {  	v28 =	vld.idx.msk [tilespmem:v26+s21+$0x0], $0xffff  }
0xf9: {  	v31 =	vld.idx.msk [tilespmem:v14+s15+$0x0], $0xffff  }
0xfa: {  	v10 =	vor.u32 s25, v5;
	s25 =	simm.s32 $0x6;
	v25 =	vld.idx.msk [tilespmem:v7+s14+$0x0], $0xffff  }
0xfb: {  	v27 =	vimm.f32 $0.0e+00;
	s11 =	simm.s32 $0x7;
	v35 =	vor.u32 s25, v2;
	v30 =	vld.idx.msk [tilespmem:v11+s15+$0x0], $0xffff  }
0xfc: {  	v32 =	vor.u32 s11, v2;
	v37 =	vor.u32 s11, v4;
	v33 =	vor.u32 s11, v5;
	v9 =	vld.idx.msk [tilespmem:v9+s14+$0x0], $0xffff  }
0xfd: {  	v23 =	vld.idx.msk [tilespmem:v26+s22+$0x0], $0xffff;
	v39 =	vor.u32 s25, v4;
	v17 =	vsub.f32 v12, v17;
	v14 =	vmul.f32 v19, v19  }
0xfe: {  	v11 =	vor.u32 s25, v5;
	v7 =	vmul.f32 v13, v18;
	v12 =	vmul.f32 v6, v6  }
0xff: {  	v21 =	vmul.f32 v19, v16;
	v38 =	vsub.f32 v22, v31;
	v15 =	vsub.f32 v25, v15  }
0x100: {  	v31 =	vimm.f32 $0.0e+00;
	v25 =	vadd.f32 v16, v17;
	v26 =	vsub.f32 v8, v30;
	v30 =	vld.idx.msk [tilespmem:v35+s14+$0x0], $0xffff  }
0x101: {  	v17 =	vmul.f32 v6, v20;
	v41 =	vsub.f32 v9, v36;
	v35 =	vld.idx.msk [tilespmem:v37+s15+$0x0], $0xffff;
	v37 =	vsub.f32 v34, v29  }
0x102: {  	v16 =	vld.idx.msk [tilespmem:v10+s21+$0x0], $0xffff;
	v36 =	vmul.f32 v23, v28;
	v40 =	vadd.f32 v18, v15;
	v15 =	vmul.f32 v3, v24  }
0x103: {  	v32 =	vld.idx.msk [tilespmem:v32+s14+$0x0], $0xffff;
	v29 =	vimm.f32 $0.0e+00;
	v18 =	vmul.f32 v25, v25;
	v19 =	vmul.f32 v19, v25  }
0x104: {  	v22 =	vld.idx.msk [tilespmem:v33+s22+$0x0], $0xffff;
	v20 =	vadd.f32 v20, v26;
	v24 =	vadd.f32 v24, v41;
	v26 =	vmul.f32 v3, v3  }
0x105: {  	s0 =	sor.u32 $0x10, s9;
	s29 =	simm.s32 $0x8;
	v34 =	vld.idx.msk [tilespmem:v39+s15+$0x0], $0xffff;
	v25 =	vimm.f32 $0.0e+00;
	v8 =	vmul.f32 v13, v40;
	v9 =	vmul.f32 v40, v40  }
.LBB2_5:
0x106: {  	s1 =	sadd.s32 $0x1, s29  }
0x107: {  	s25 =	sadd.s32 $0x4, s29;
	v39 =	vmul.f32 v23, v23;
	v40 =	vmul.f32 v13, v13;
	v13 =	vadd.f32 v16, v38;
	v33 =	vld.idx.msk [tilespmem:v33+s21+$0x0], $0xffff;
	s10 =	smov.u32 s29;
	s2 =	sadd.s32 $0x8, s29  }
0x108: {  	p0 =	slt.u32 s29, $0x38;
	v28 =	vadd.f32 v28, v37;
	v38 =	vor.u32 s1, v2;
	s11 =	sadd.s32 $0x2, s10;
	v41 =	vor.u32 s25, v4;
	v37 =	vld.idx.msk [tilespmem:v11+s21+$0x0], $0xffff  }
0x109: {  	v42 =	vor.u32 s1, v4;
	v43 =	vor.u32 s1, v5;
	v32 =	vsub.f32 v32, v35  }
0x10a: {  	v35 =	vor.u32 s11, v2;
	v44 =	vor.u32 s11, v4;
	v27 =	vadd.f32 v39, v27  }
0x10b: {  	v45 =	vor.u32 s10, v4;
	s1 =	sadd.s32 $0x3, s10;
	v39 =	vor.u32 s10, v2;
	v47 =	vmul.f32 v22, v22;
	v46 =	vld.idx.msk [tilespmem:v11+s22+$0x0], $0xffff  }
0x10c: {  	v31 =	vadd.f32 v36, v31;
	v48 =	vor.u32 s1, v2;
	v11 =	vor.u32 s11, v5;
	v36 =	vld.idx.msk [tilespmem:v10+s22+$0x0], $0xffff  }
0x10d: {  	v49 =	vor.u32 s10, v5;
	v50 =	vor.u32 s1, v4;
	v30 =	vsub.f32 v30, v34;
	v38 =	vld.idx.msk [tilespmem:v38+s14+$0x0], $0xffff  }
0x10e: {  	v34 =	vor.u32 s1, v5;
	v10 =	vmul.f32 v28, v28;
	v51 =	vmul.f32 v22, v33;
	v41 =	vld.idx.msk [tilespmem:v41+s15+$0x0], $0xffff  }
0x10f: {  	v53 =	vor.u32 s25, v2;
	v21 =	vadd.f32 v21, v31;
	v31 =	vmul.f32 v6, v20;
	v52 =	vld.idx.msk [tilespmem:v43+s22+$0x0], $0xffff  }
0x110: {  	v54 =	vor.u32 s25, v5;
	s1 =	sadd.s32 $0x5, s10;
	v29 =	vadd.f32 v10, v29;
	v10 =	vadd.f32 v33, v32;
	v35 =	vld.idx.msk [tilespmem:v35+s14+$0x0], $0xffff  }
0x111: {  	v23 =	vmul.f32 v23, v28;
	v28 =	vmul.f32 v3, v24;
	v32 =	vor.u32 s1, v2;
	v55 =	vld.idx.msk [tilespmem:v11+s21+$0x0], $0xffff  }
0x112: {  	v33 =	vor.u32 s1, v4;
	v57 =	vmul.f32 v10, v10;
	v56 =	vmul.f32 v36, v13;
	v6 =	vld.idx.msk [tilespmem:v11+s22+$0x0], $0xffff  }
0x113: {  	v14 =	vadd.f32 v14, v27;
	v27 =	vmul.f32 v13, v13;
	v22 =	vmul.f32 v22, v10;
	v3 =	vld.idx.msk [tilespmem:v34+s22+$0x0], $0xffff  }
0x114: {  	v24 =	vmul.f32 v24, v24;
	v10 =	vor.u32 s1, v5;
	s1 =	sadd.s32 $0x6, s10;
	v58 =	vmul.f32 v46, v46;
	v43 =	vld.idx.msk [tilespmem:v43+s21+$0x0], $0xffff  }
0x115: {  	v17 =	vadd.f32 v17, v21;
	v21 =	vadd.f32 v37, v30;
	v59 =	vor.u32 s1, v2;
	v13 =	vld.idx.msk [tilespmem:v54+s22+$0x0], $0xffff  }
0x116: {  	v20 =	vmul.f32 v20, v20;
	v61 =	vor.u32 s1, v4;
	v16 =	vmul.f32 v36, v16;
	v60 =	vld.idx.msk [tilespmem:v32+s14+$0x0], $0xffff  }
0x117: {  	v12 =	vadd.f32 v12, v14;
	v18 =	vadd.f32 v18, v29;
	v11 =	vor.u32 s1, v5;
	v30 =	vld.idx.msk [tilespmem:v54+s21+$0x0], $0xffff  }
0x118: {  	v14 =	vadd.f32 v23, v25;
	v15 =	vadd.f32 v15, v17;
	v25 =	vmul.f32 v46, v21;
	v34 =	vld.idx.msk [tilespmem:v34+s21+$0x0], $0xffff  }
0x119: {  	v12 =	vadd.f32 v26, v12;
	v17 =	vadd.f32 v20, v18;
	v18 =	vmul.f32 v36, v36;
	v48 =	vld.idx.msk [tilespmem:v48+s14+$0x0], $0xffff  }
0x11a: {  	v19 =	vadd.f32 v19, v14;
	v7 =	vadd.f32 v7, v15;
	v15 =	vmul.f32 v21, v21;
	v20 =	vld.idx.msk [tilespmem:v53+s14+$0x0], $0xffff  }
0x11b: {  	v21 =	vmul.f32 v46, v37;
	v12 =	vadd.f32 v40, v12;
	v17 =	vadd.f32 v24, v17;
	v23 =	vld.idx.msk [tilespmem:v42+s15+$0x0], $0xffff  }
0x11c: {  	v19 =	vadd.f32 v31, v19;
	v16 =	vadd.f32 v16, v7;
	v14 =	vmul.f32 v52, v52;
	v24 =	vld.idx.msk [tilespmem:v33+s15+$0x0], $0xffff  }
0x11d: {  	s1 =	sadd.s32 $0x7, s10;
	v9 =	vadd.f32 v9, v17;
	v17 =	vadd.f32 v18, v12;
	v7 =	vmul.f32 v13, v30;
	v26 =	vld.idx.msk [tilespmem:v44+s15+$0x0], $0xffff  }
0x11e: {  	v19 =	vadd.f32 v28, v19;
	v16 =	vadd.f32 v21, v16;
	v18 =	vor.u32 s1, v2;
	v36 =	vld.idx.msk [tilespmem:v39+s14+$0x0], $0xffff  }
0x11f: {  	v12 =	vmul.f32 v6, v6;
	v9 =	vadd.f32 v27, v9;
	v27 =	vadd.f32 v58, v17;
	v37 =	vld.idx.msk [tilespmem:v50+s15+$0x0], $0xffff  }
0x120: {  	v8 =	vadd.f32 v8, v19;
	v31 =	vadd.f32 v51, v16;
	v21 =	vmul.f32 v52, v43;
	v28 =	vld.idx.msk [tilespmem:v49+s21+$0x0], $0xffff  }
0x121: {  	v19 =	vor.u32 s1, v4;
	v9 =	vadd.f32 v15, v9;
	v16 =	vsub.f32 v38, v23;
	v39 =	vld.idx.msk [tilespmem:v45+s15+$0x0], $0xffff  }
0x122: {  	v8 =	vadd.f32 v56, v8;
	v17 =	vmul.f32 v6, v55;
	v27 =	vadd.f32 v47, v27;
	v23 =	vld.idx.msk [tilespmem:v49+s22+$0x0], $0xffff  }
0x123: {  	v33 =	vor.u32 s1, v5;
	v20 =	vsub.f32 v20, v41;
	v38 =	vadd.f32 v43, v16;
	v32 =	vld.idx.msk [tilespmem:v18+s14+$0x0], $0xffff  }
0x124: {  	v8 =	vadd.f32 v25, v8;
	v26 =	vsub.f32 v35, v26;
	v16 =	vld.idx.msk [tilespmem:v10+s21+$0x0], $0xffff  }
.Ltmp1:
0x125: {  	v29 =	vadd.f32 v57, v9;
	v15 =	vmul.f32 v3, v34;
	v40 =	vadd.f32 v30, v20;
	v30 =	vld.idx.msk [tilespmem:v59+s14+$0x0], $0xffff;
	(pc) =	sbr.rel @p0 .LBB2_5-.Ltmp1, $4  }
0x126: {  	v25 =	vadd.f32 v22, v8;
	v18 =	vmul.f32 v38, v38;
	v41 =	vsub.f32 v48, v37;
	v35 =	vld.idx.msk [tilespmem:v19+s15+$0x0], $0xffff  }
0x127: {  	v8 =	vmul.f32 v13, v40;
	v19 =	vmul.f32 v52, v38;
	v38 =	vsub.f32 v60, v24  }
0x128: {  	v9 =	vmul.f32 v40, v40;
	v20 =	vadd.f32 v55, v26;
	v37 =	vsub.f32 v36, v39;
	v22 =	vld.idx.msk [tilespmem:v33+s22+$0x0], $0xffff  }
0x129: {  	s29 =	smov.u32 s2;
	v26 =	vmul.f32 v3, v3;
	v24 =	vadd.f32 v34, v41;
	v36 =	vmul.f32 v23, v28;
	v34 =	vld.idx.msk [tilespmem:v61+s15+$0x0], $0xffff  }
0x12a: {  	v2 =	vmul.f32 v23, v23;
	_ =	sdelay $0x1  }
0x12b: {  	v2 =	vadd.f32 v2, v27;
	_ =	sdelay $0x1  }
0x12c: {  	v2 =	vadd.f32 v14, v2  }
0x12d: {  	v4 =	vld.idx.msk [tilespmem:v10+s22+$0x0], $0xffff  }
0x12e: {  	v5 =	vadd.f32 v28, v37;
	v2 =	vadd.f32 v12, v2  }
0x12f: {  	v10 =	vld.idx.msk [tilespmem:v11+s22+$0x0], $0xffff  }
0x130: {  	v23 =	vmul.f32 v23, v5;
	v12 =	vmul.f32 v13, v13;
	v2 =	vadd.f32 v26, v2  }
0x131: {  	v6 =	vmul.f32 v6, v20;
	v14 =	vsub.f32 v32, v35  }
0x132: {  	v23 =	vadd.f32 v23, v25;
	v27 =	vmul.f32 v4, v4;
	v2 =	vadd.f32 v12, v2  }
0x133: {  	v5 =	vmul.f32 v5, v5;
	v28 =	vsub.f32 v30, v34;
	v26 =	vadd.f32 v36, v31  }
0x134: {  	v25 =	vmul.f32 v10, v10;
	v19 =	vadd.f32 v19, v23;
	v2 =	vadd.f32 v27, v2  }
0x135: {  	v3 =	vmul.f32 v3, v24;
	v5 =	vadd.f32 v5, v29;
	v21 =	vadd.f32 v21, v26  }
0x136: {  	v11 =	vld.idx.msk [tilespmem:v11+s21+$0x0], $0xffff;
	v23 =	vmul.f32 v22, v22;
	v6 =	vadd.f32 v6, v19;
	v2 =	vadd.f32 v25, v2  }
0x137: {  	v13 =	vadd.f32 v16, v38;
	v12 =	vld.idx.msk [tilespmem:v33+s21+$0x0], $0xffff;
	v17 =	vadd.f32 v17, v21  }
0x138: {  	v3 =	vadd.f32 v3, v6;
	v2 =	vadd.f32 v23, v2  }
0x139: {  	v5 =	vadd.f32 v18, v5;
	v19 =	vmul.f32 v4, v13;
	v15 =	vadd.f32 v15, v17  }
0x13a: {  	v4 =	vmul.f32 v4, v16;
	v3 =	vadd.f32 v8, v3;
	v16 =	vmax.f32 v2, $1.000000020e-24  }
0x13b: {  	v6 =	vadd.f32 v11, v28;
	v7 =	vadd.f32 v7, v15;
	(erf) = vrcp.f32 v16  }
0x13c: {  	v8 =	vmul.f32 v20, v20;
	v3 =	vadd.f32 v19, v3;
	v14 =	vadd.f32 v12, v14  }
0x13d: {  	v15 =	vmul.f32 v10, v6;
	v10 =	vmul.f32 v10, v11;
	v4 =	vadd.f32 v4, v7  }
0x13e: {  	v5 =	vadd.f32 v8, v5;
	v11 =	vmul.f32 v24, v24;
	v8 =	vmul.f32 v22, v14  }
0x13f: {  	v7 =	vmul.f32 v22, v12;
	v3 =	vadd.f32 v15, v3;
	v4 =	vadd.f32 v10, v4  }
0x140: {  	v5 =	vadd.f32 v11, v5  }
0x141: {  	v3 =	vadd.f32 v8, v3;
	v4 =	vadd.f32 v7, v4;
	_ =	sdelay $0x1  }
0x142: {  	v5 =	vadd.f32 v9, v5;
	v7 =	vmul.f32 v13, v13;
	v4 =	vsub.f32 v3, v4  }
0x143: {  	v8 =	vpop (erf)  }
0x144: {  	v6 =	vmul.f32 v6, v6;
	v5 =	vadd.f32 v7, v5;
	v4 =	vmul.f32 v8, v4;
	_ =	sdelay $0x1  }
0x145: {  	v7 =	vmul.f32 v14, v14;
	v5 =	vadd.f32 v6, v5;
	v6 =	vadd.f32 v4, v4;
	_ =	sdelay $0x1  }
0x146: {  	v5 =	vadd.f32 v7, v5;
	v4 =	vmul.f32 v4, v4;
	v3 =	vmul.f32 v6, v3;
	_ =	sdelay $0x1  }
0x147: {  	v2 =	vmul.f32 v4, v2;
	v3 =	vsub.f32 v5, v3;
	_ =	sdelay $0x1  }
0x148: {  	v2 =	vadd.f32 v3, v2;
	_ =	sdelay $0x1  }
0x149: {  	v2 =	vmax.f32 v2, $1.000000000e-30  }
0x14a: {  	v3 =	vshra.s32 v2, $0x1;
	v4 =	vmul.f32 $5.000000000e-01, v2  }
0x14b: {  	v3 =	vsub.s32 $0x5F3759DF, v3  }
0x14c: {  	v5 =	vmul.f32 v3, v4;
	_ =	sdelay $0x1  }
0x14d: {  	v5 =	vmul.f32 v3, v5;
	_ =	sdelay $0x1  }
0x14e: {  	v5 =	vsub.f32 $1.500000000e+00, v5;
	_ =	sdelay $0x1  }
0x14f: {  	v3 =	vmul.f32 v3, v5;
	_ =	sdelay $0x1  }
0x150: {  	v5 =	vmul.f32 v3, v4;
	_ =	sdelay $0x1  }
0x151: {  	v5 =	vmul.f32 v5, v3;
	_ =	sdelay $0x1  }
0x152: {  	v5 =	vsub.f32 $1.500000000e+00, v5;
	_ =	sdelay $0x1  }
0x153: {  	v3 =	vmul.f32 v5, v3;
	_ =	sdelay $0x1  }
0x154: {  	v4 =	vmul.f32 v3, v4;
	_ =	sdelay $0x1  }
0x155: {  	v4 =	vmul.f32 v4, v3;
	_ =	sdelay $0x1  }
0x156: {  	v4 =	vsub.f32 $1.500000000e+00, v4;
	_ =	sdelay $0x1  }
0x157: {  	v3 =	vmul.f32 v4, v3;
	_ =	sdelay $0x1  }
0x158: {  	s1 =	sshll.u32 s8, $0x1;
	v2 =	vmul.f32 v3, v2  }
0x159: {  	s1 =	smin.u32 s1, $0x1D  }
0x15a: {  	s10 =	sshll.u32 s1, $0x4;
	[tilespmem:s9+$0x12800] =	vst v2  }
0x15b: {  	v2 =	vld [tilespmem:s10+$0x20];
	_ =	sdelay $0x1  }
0x15c: {  	v3 =	vld [tilespmem:s10+$0x220];
	_ =	sdelay $0x2  }
0x15d: {  	v2 =	vand.u32 $0xFFFFFFF8, v2  }
0x15e: {  	v2 =	vshll.u32 v2, $0x4  }
0x15f: {  	v3 =	vand.u32 $0xFFFFFFF8, v3;
	v2 =	vadd.s32 s3, v2  }
0x160: {  	v3 =	vshll.u32 v3, $0x4;
	(v2sf) =	vpush v2, $0x0  }
0x161: {  	v3 =	vadd.s32 s3, v3  }
0x162: {  	(v2sf) =	vpush v3, $0x0;
	_ =	sdelay $0x1  }
0x163: {  	(v2sf) =	vpush v2, $0x1;
	_ =	sdelay $0x1  }
0x164: {  	(v2sf) =	vpush v3, $0x1;
	_ =	sdelay $0x1  }
0x165: {  	(v2sf) =	vpush v2, $0x2;
	_ =	sdelay $0x1  }
0x166: {  	(v2sf) =	vpush v3, $0x2;
	_ =	sdelay $0x1  }
0x167: {  	(v2sf) =	vpush v2, $0x3;
	_ =	sdelay $0x1  }
0x168: {  	(v2sf) =	vpush v3, $0x3  }
0x169: {  	s9 =	simm.s32 $0x0;
	s29 =	spop (v2sf)  }
0x16a: {  	(v2sf) =	vpush v2, $0x4;
	[tilespmem:s14], [sflag:$0x1] =	stream.linear.gather [hbm4b:s29+s9], $0x400, $0x38;
	[tilespmem:$0x12A00] =	vst v63  }
0x16b: {  	s2 =	spop (v2sf)  }
0x16c: {  	(v2sf) =	vpush v3, $0x4;
	[tilespmem:s15], [sflag:$0x1] =	stream.linear.gather [hbm4b:s2+s9], $0x400, $0x38;
	[tilespmem:$0x12A00] =	vst v63  }
0x16d: {  	s11 =	spop (v2sf);
	s2 =	simm.s32 $0xC00  }
0x16e: {  	(v2sf) =	vpush v2, $0x5;
	[tilespmem:s2], [sflag:$0x1] =	stream.linear.gather [hbm4b:s11+s9], $0x400, $0x38;
	[tilespmem:$0x12A00] =	vst v63  }
0x16f: {  	s29 =	simm.s32 $0x4C00;
	s25 =	spop (v2sf)  }
0x170: {  	(v2sf) =	vpush v3, $0x5;
	[tilespmem:s29], [sflag:$0x1] =	stream.linear.gather [hbm4b:s25+s9], $0x400, $0x38;
	[tilespmem:$0x12A00] =	vst v63  }
0x171: {  	s2 =	spop (v2sf);
	s11 =	simm.s32 $0x1000  }
0x172: {  	(v2sf) =	vpush v2, $0x6;
	[tilespmem:s11], [sflag:$0x1] =	stream.linear.gather [hbm4b:s2+s9], $0x400, $0x38;
	[tilespmem:$0x12A00] =	vst v63  }
0x173: {  	s25 =	spop (v2sf);
	s29 =	simm.s32 $0x5000  }
0x174: {  	(v2sf) =	vpush v3, $0x6;
	[tilespmem:s29], [sflag:$0x1] =	stream.linear.gather [hbm4b:s25+s9], $0x400, $0x38;
	[tilespmem:$0x12A00] =	vst v63  }
0x175: {  	s2 =	spop (v2sf);
	s11 =	simm.s32 $0x1400  }
0x176: {  	(v2sf) =	vpush v2, $0x7;
	[tilespmem:s11], [sflag:$0x1] =	stream.linear.gather [hbm4b:s2+s9], $0x400, $0x38;
	[tilespmem:$0x12A00] =	vst v63  }
0x177: {  	s25 =	spop (v2sf);
	s29 =	simm.s32 $0x5400  }
0x178: {  	(v2sf) =	vpush v3, $0x7;
	[tilespmem:s29], [sflag:$0x1] =	stream.linear.gather [hbm4b:s25+s9], $0x400, $0x38;
	[tilespmem:$0x12A00] =	vst v63  }
0x179: {  	s11 =	simm.s32 $0x1800;
	s2 =	spop (v2sf)  }
0x17a: {  	(v2sf) =	vpush v2, $0x8;
	[tilespmem:s11], [sflag:$0x1] =	stream.linear.gather [hbm4b:s2+s9], $0x400, $0x38;
	[tilespmem:$0x12A00] =	vst v63  }
0x17b: {  	s29 =	simm.s32 $0x5800;
	s25 =	spop (v2sf)  }
0x17c: {  	(v2sf) =	vpush v3, $0x8;
	[tilespmem:s29], [sflag:$0x1] =	stream.linear.gather [hbm4b:s25+s9], $0x400, $0x38;
	[tilespmem:$0x12A00] =	vst v63  }
0x17d: {  	s2 =	spop (v2sf);
	s11 =	simm.s32 $0x1C00  }
0x17e: {  	(v2sf) =	vpush v2, $0x9;
	[tilespmem:s11], [sflag:$0x1] =	stream.linear.gather [hbm4b:s2+s9], $0x400, $0x38;
	[tilespmem:$0x12A00] =	vst v63  }
0x17f: {  	s25 =	spop (v2sf);
	s29 =	simm.s32 $0x5C00  }
0x180: {  	(v2sf) =	vpush v3, $0x9;
	[tilespmem:s29], [sflag:$0x1] =	stream.linear.gather [hbm4b:s25+s9], $0x400, $0x38;
	[tilespmem:$0x12A00] =	vst v63  }
0x181: {  	s2 =	spop (v2sf);
	s11 =	simm.s32 $0x2000  }
0x182: {  	(v2sf) =	vpush v2, $0xA;
	[tilespmem:s11], [sflag:$0x1] =	stream.linear.gather [hbm4b:s2+s9], $0x400, $0x38;
	[tilespmem:$0x12A00] =	vst v63  }
0x183: {  	s25 =	spop (v2sf);
	s29 =	simm.s32 $0x6000  }
0x184: {  	(v2sf) =	vpush v3, $0xA;
	[tilespmem:s29], [sflag:$0x1] =	stream.linear.gather [hbm4b:s25+s9], $0x400, $0x38;
	[tilespmem:$0x12A00] =	vst v63  }
0x185: {  	s2 =	spop (v2sf);
	s11 =	simm.s32 $0x2400  }
0x186: {  	(v2sf) =	vpush v2, $0xB;
	[tilespmem:s11], [sflag:$0x1] =	stream.linear.gather [hbm4b:s2+s9], $0x400, $0x38;
	[tilespmem:$0x12A00] =	vst v63  }
0x187: {  	s25 =	spop (v2sf);
	s29 =	simm.s32 $0x6400  }
0x188: {  	(v2sf) =	vpush v3, $0xB;
	[tilespmem:s29], [sflag:$0x1] =	stream.linear.gather [hbm4b:s25+s9], $0x400, $0x38;
	[tilespmem:$0x12A00] =	vst v63  }
0x189: {  	s11 =	simm.s32 $0x2800;
	s2 =	spop (v2sf)  }
0x18a: {  	(v2sf) =	vpush v2, $0xC;
	[tilespmem:s11], [sflag:$0x1] =	stream.linear.gather [hbm4b:s2+s9], $0x400, $0x38;
	[tilespmem:$0x12A00] =	vst v63  }
0x18b: {  	s25 =	spop (v2sf);
	s29 =	simm.s32 $0x6800  }
0x18c: {  	(v2sf) =	vpush v3, $0xC;
	[tilespmem:s29], [sflag:$0x1] =	stream.linear.gather [hbm4b:s25+s9], $0x400, $0x38;
	[tilespmem:$0x12A00] =	vst v63  }
0x18d: {  	s2 =	spop (v2sf);
	s11 =	simm.s32 $0x2C00  }
0x18e: {  	(v2sf) =	vpush v2, $0xD;
	[tilespmem:s11], [sflag:$0x1] =	stream.linear.gather [hbm4b:s2+s9], $0x400, $0x38;
	[tilespmem:$0x12A00] =	vst v63  }
0x18f: {  	s25 =	spop (v2sf);
	s29 =	simm.s32 $0x6C00  }
0x190: {  	(v2sf) =	vpush v3, $0xD;
	[tilespmem:s29], [sflag:$0x1] =	stream.linear.gather [hbm4b:s25+s9], $0x400, $0x38;
	[tilespmem:$0x12A00] =	vst v63  }
0x191: {  	s2 =	spop (v2sf);
	s11 =	simm.s32 $0x3000  }
0x192: {  	(v2sf) =	vpush v2, $0xE;
	[tilespmem:s11], [sflag:$0x1] =	stream.linear.gather [hbm4b:s2+s9], $0x400, $0x38;
	[tilespmem:$0x12A00] =	vst v63  }
0x193: {  	s25 =	spop (v2sf);
	s29 =	simm.s32 $0x7000  }
0x194: {  	(v2sf) =	vpush v3, $0xE;
	[tilespmem:s29], [sflag:$0x1] =	stream.linear.gather [hbm4b:s25+s9], $0x400, $0x38;
	[tilespmem:$0x12A00] =	vst v63  }
0x195: {  	s2 =	spop (v2sf);
	s11 =	simm.s32 $0x3400  }
0x196: {  	(v2sf) =	vpush v2, $0xF;
	[tilespmem:s11], [sflag:$0x1] =	stream.linear.gather [hbm4b:s2+s9], $0x400, $0x38;
	[tilespmem:$0x12A00] =	vst v63  }
0x197: {  	s25 =	spop (v2sf);
	s29 =	simm.s32 $0x7400  }
0x198: {  	(v2sf) =	vpush v3, $0xF;
	[tilespmem:s29], [sflag:$0x1] =	stream.linear.gather [hbm4b:s25+s9], $0x400, $0x38;
	[tilespmem:$0x12A00] =	vst v63  }
0x199: {  	s2 =	spop (v2sf);
	s11 =	simm.s32 $0x3800  }
0x19a: {  	[tilespmem:s11], [sflag:$0x1] =	stream.linear.gather [hbm4b:s2+s9], $0x400, $0x38;
	[tilespmem:$0x12A00] =	vst v63  }
0x19b: {  	s25 =	spop (v2sf);
	s29 =	simm.s32 $0x7800  }
0x19c: {  	[tilespmem:s29], [sflag:$0x1] =	stream.linear.gather [hbm4b:s25+s9], $0x400, $0x38;
	[tilespmem:$0x12A00] =	vst v63  }
0x19d: {  	s2 =	spop (v2sf);
	s11 =	simm.s32 $0x3C00  }
0x19e: {  	[tilespmem:s11], [sflag:$0x1] =	stream.linear.gather [hbm4b:s2+s9], $0x400, $0x38;
	[tilespmem:$0x12A00] =	vst v63  }
0x19f: {  	s25 =	spop (v2sf);
	s29 =	simm.s32 $0x7C00  }
0x1a0: {  	[tilespmem:s29], [sflag:$0x1] =	stream.linear.gather [hbm4b:s25+s9], $0x400, $0x38;
	[tilespmem:$0x12A00] =	vst v63  }
0x1a1: {  	s2 =	spop (v2sf)  }
0x1a2: {  	[tilespmem:s16], [sflag:$0x1] =	stream.linear.gather [hbm4b:s2+s9], $0x400, $0x38;
	[tilespmem:$0x12A00] =	vst v63  }
0x1a3: {  	s11 =	spop (v2sf)  }
0x1a4: {  	[tilespmem:s17], [sflag:$0x1] =	stream.linear.gather [hbm4b:s11+s9], $0x400, $0x38;
	[tilespmem:$0x12A00] =	vst v63  }
0x1a5: {  	s25 =	spop (v2sf)  }
0x1a6: {  	[tilespmem:s18], [sflag:$0x1] =	stream.linear.gather [hbm4b:s25+s9], $0x400, $0x38;
	[tilespmem:$0x12A00] =	vst v63  }
0x1a7: {  	s29 =	spop (v2sf)  }
0x1a8: {  	[tilespmem:s19], [sflag:$0x1] =	stream.linear.gather [hbm4b:s29+s9], $0x400, $0x38;
	[tilespmem:$0x12A00] =	vst v63  }
0x1a9: {  	s2 =	sadd.s32 $0x620, s10  }
0x1aa: {  	[tilespmem:s21], [sflag:$0x1] =	stream.indirect.gather [hbm4b:s4+s20], $0x80, s2, s20, $0xb8;
	[tilespmem:$0x12A00] =	vst v63  }
0x1ab: {  	_ = 	snop  }
0x1ac: {  	[tilespmem:s22], [sflag:$0x1] =	stream.indirect.gather [hbm4b:s5+s20], $0x80, s2, s20, $0xb8;
	[tilespmem:$0x12A00] =	vst v63  }
0x1ad: {  	_ =	swait.ge [sflag:s7], $0x4000  }
0x1ae: {  	[sflag:s7] =	ssyncset.done $0x0  }
0x1af: {  	[sflag:s7] =	ssyncadd.s32 $0xFFFFC000  }
0x1b0: {  	_ =	swait.ge [sflag:s7], $0x4000  }
0x1b1: {  	[sflag:s7] =	ssyncset.done $0x0  }
0x1b2: {  	[sflag:s7] =	ssyncadd.s32 $0xFFFFC000  }
0x1b3: {  	_ =	swait.ge [sflag:s7], $0x800  }
0x1b4: {  	[sflag:s7] =	ssyncset.done $0x0  }
0x1b5: {  	[sflag:s7] =	ssyncadd.s32 $0xFFFFF800  }
0x1b6: {  	_ =	swait.ge [sflag:s7], $0x800  }
0x1b7: {  	[sflag:s7] =	ssyncset.done $0x0  }
0x1b8: {  	[sflag:s7] =	ssyncadd.s32 $0xFFFFF800  }
0x1b9: {  	v2 =	vld [tilespmem:s0+$0x0]  }
0x1ba: {  	v3 =	vld [tilespmem:s0+$0x200]  }
0x1bb: {  	v4 =	vld [tilespmem:s0+$0x400];
	_ =	sdelay $0x2  }
0x1bc: {  	v2 =	vand.u32 $0x7, v2  }
0x1bd: {  	v3 =	vand.u32 $0x7, v3;
	v2 =	vshll.u32 v2, $0x7  }
0x1be: {  	s1 =	simm.s32 $0x1;
	v5 =	vshll.u32 v4, $0x6;
	v3 =	vshll.u32 v3, $0x7;
	v2 =	vor.u32 v0, v2  }
0x1bf: {  	s10 =	simm.s32 $0x4;
	v4 =	vor.u32 v0, v3;
	v3 =	vand.u32 $0x40, v5;
	v6 =	vor.u32 s1, v2  }
0x1c0: {  	s29 =	simm.s32 $0x2;
	v5 =	vor.u32 v1, v3;
	v3 =	vor.u32 s10, v4  }
0x1c1: {  	s25 =	simm.s32 $0x5;
	v8 =	vor.u32 s29, v2  }
0x1c2: {  	v14 =	vor.u32 s25, v2  }
0x1c3: {  	v17 =	vor.u32 s1, v4  }
0x1c4: {  	s11 =	simm.s32 $0x3;
	v21 =	vor.u32 s9, v2;
	v12 =	vld.idx.msk [tilespmem:v6+s23+$0x0], $0xffff  }
0x1c5: {  	v23 =	vor.u32 s11, v4;
	v15 =	vld.idx.msk [tilespmem:v3+s24+$0x0], $0xffff  }
0x1c6: {  	v27 =	vor.u32 s9, v4;
	v8 =	vld.idx.msk [tilespmem:v8+s23+$0x0], $0xffff  }
0x1c7: {  	v7 =	vor.u32 s1, v5;
	v22 =	vld.idx.msk [tilespmem:v14+s23+$0x0], $0xffff  }
0x1c8: {  	v9 =	vor.u32 s29, v5;
	v17 =	vld.idx.msk [tilespmem:v17+s24+$0x0], $0xffff  }
0x1c9: {  	v60 =	vld.idx.msk [tilespmem:v21+s23+$0x0], $0xffff  }
0x1ca: {  	v10 =	vor.u32 s11, v5;
	v62 =	vld.idx.msk [tilespmem:v23+s24+$0x0], $0xffff  }
0x1cb: {  	v27 =	vld.idx.msk [tilespmem:v27+s24+$0x0], $0xffff  }
0x1cc: {  	v11 =	vor.u32 s10, v5;
	v19 =	vld.idx.msk [tilespmem:v7+s6+$0x0], $0xffff  }
0x1cd: {  	v20 =	vld.idx.msk [tilespmem:v9+s28+$0x0], $0xffff  }
0x1ce: {  	v6 =	vld.idx.msk [tilespmem:v9+s6+$0x0], $0xffff  }
0x1cf: {  	v26 =	vor.u32 s9, v5;
	v3 =	vld.idx.msk [tilespmem:v10+s6+$0x0], $0xffff  }
0x1d0: {  	v16 =	vld.idx.msk [tilespmem:v7+s28+$0x0], $0xffff  }
0x1d1: {  	v14 =	vor.u32 s25, v4;
	v13 =	vld.idx.msk [tilespmem:v11+s6+$0x0], $0xffff  }
0x1d2: {  	v7 =	vor.u32 s10, v2;
	v18 =	vld.idx.msk [tilespmem:v11+s28+$0x0], $0xffff  }
0x1d3: {  	v11 =	vor.u32 s29, v4;
	v24 =	vld.idx.msk [tilespmem:v10+s28+$0x0], $0xffff  }
0x1d4: {  	v9 =	vor.u32 s11, v2;
	v28 =	vld.idx.msk [tilespmem:v26+s28+$0x0], $0xffff  }
0x1d5: {  	v23 =	vld.idx.msk [tilespmem:v26+s6+$0x0], $0xffff  }
0x1d6: {  	s29 =	simm.s32 $0x7;
	v31 =	vld.idx.msk [tilespmem:v14+s24+$0x0], $0xffff  }
0x1d7: {  	v29 =	vimm.f32 $0.0e+00;
	s11 =	simm.s32 $0x6;
	v10 =	vor.u32 s25, v5;
	v61 =	vor.u32 s29, v2;
	v25 =	vld.idx.msk [tilespmem:v7+s23+$0x0], $0xffff  }
0x1d8: {  	v59 =	vor.u32 s11, v2;
	v39 =	vor.u32 s11, v4;
	v63 =	vor.u32 s29, v4;
	v30 =	vld.idx.msk [tilespmem:v11+s24+$0x0], $0xffff  }
0x1d9: {  	v33 =	vor.u32 s29, v5;
	v17 =	vsub.f32 v12, v17;
	v37 =	vsub.f32 v60, v27;
	v9 =	vld.idx.msk [tilespmem:v9+s23+$0x0], $0xffff  }
0x1da: {  	v27 =	vimm.f32 $0.0e+00;
	v14 =	vmul.f32 v19, v19;
	v7 =	vmul.f32 v13, v18  }
0x1db: {  	v11 =	vor.u32 s11, v5;
	v12 =	vmul.f32 v6, v6;
	v21 =	vmul.f32 v19, v16  }
0x1dc: {  	v36 =	vmul.f32 v23, v28;
	v32 =	vld.idx.msk [tilespmem:v61+s23+$0x0], $0xffff;
	v38 =	vsub.f32 v22, v31;
	v15 =	vsub.f32 v25, v15  }
0x1dd: {  	v35 =	vld.idx.msk [tilespmem:v63+s24+$0x0], $0xffff;
	v25 =	vadd.f32 v16, v17;
	v17 =	vmul.f32 v6, v20;
	v26 =	vsub.f32 v8, v30  }
0x1de: {  	v16 =	vld.idx.msk [tilespmem:v10+s28+$0x0], $0xffff;
	v41 =	vsub.f32 v9, v62;
	v40 =	vadd.f32 v18, v15;
	v15 =	vmul.f32 v3, v24  }
0x1df: {  	v34 =	vld.idx.msk [tilespmem:v39+s24+$0x0], $0xffff;
	v31 =	vimm.f32 $0.0e+00;
	v18 =	vmul.f32 v25, v25;
	v19 =	vmul.f32 v19, v25  }
0x1e0: {  	v22 =	vld.idx.msk [tilespmem:v33+s6+$0x0], $0xffff;
	v20 =	vadd.f32 v20, v26;
	v24 =	vadd.f32 v24, v41;
	v26 =	vmul.f32 v3, v3  }
0x1e1: {  	s2 =	simm.s32 $0x8;
	v30 =	vld.idx.msk [tilespmem:v59+s23+$0x0], $0xffff;
	v25 =	vimm.f32 $0.0e+00;
	v8 =	vmul.f32 v13, v40;
	v9 =	vmul.f32 v40, v40  }
.LBB2_7:
0x1e2: {  	s1 =	sadd.s32 $0x1, s2  }
0x1e3: {  	s11 =	sadd.s32 $0x4, s2;
	v39 =	vmul.f32 v23, v23;
	v40 =	vmul.f32 v13, v13;
	v13 =	vadd.f32 v16, v38;
	v33 =	vld.idx.msk [tilespmem:v33+s28+$0x0], $0xffff;
	s10 =	smov.u32 s2;
	s9 =	sadd.s32 $0x8, s2  }
0x1e4: {  	p0 =	slt.u32 s2, $0x38;
	v28 =	vadd.f32 v28, v37;
	v38 =	vor.u32 s1, v2;
	s25 =	sadd.s32 $0x2, s10;
	v41 =	vor.u32 s11, v4;
	v37 =	vld.idx.msk [tilespmem:v11+s28+$0x0], $0xffff  }
0x1e5: {  	v42 =	vor.u32 s1, v4;
	v43 =	vor.u32 s1, v5;
	v32 =	vsub.f32 v32, v35  }
0x1e6: {  	v35 =	vor.u32 s25, v2;
	v44 =	vor.u32 s25, v4;
	v29 =	vadd.f32 v39, v29  }
0x1e7: {  	v45 =	vor.u32 s10, v4;
	s1 =	sadd.s32 $0x3, s10;
	v39 =	vor.u32 s10, v2;
	v47 =	vmul.f32 v22, v22;
	v46 =	vld.idx.msk [tilespmem:v11+s6+$0x0], $0xffff  }
0x1e8: {  	v31 =	vadd.f32 v36, v31;
	v48 =	vor.u32 s1, v2;
	v11 =	vor.u32 s25, v5;
	v36 =	vld.idx.msk [tilespmem:v10+s6+$0x0], $0xffff  }
0x1e9: {  	v49 =	vor.u32 s10, v5;
	v50 =	vor.u32 s1, v4;
	v30 =	vsub.f32 v30, v34;
	v38 =	vld.idx.msk [tilespmem:v38+s23+$0x0], $0xffff  }
0x1ea: {  	v34 =	vor.u32 s1, v5;
	v10 =	vmul.f32 v28, v28;
	v51 =	vmul.f32 v22, v33;
	v41 =	vld.idx.msk [tilespmem:v41+s24+$0x0], $0xffff  }
0x1eb: {  	v53 =	vor.u32 s11, v2;
	v21 =	vadd.f32 v21, v31;
	v31 =	vmul.f32 v6, v20;
	v52 =	vld.idx.msk [tilespmem:v43+s6+$0x0], $0xffff  }
0x1ec: {  	v54 =	vor.u32 s11, v5;
	s1 =	sadd.s32 $0x5, s10;
	v27 =	vadd.f32 v10, v27;
	v10 =	vadd.f32 v33, v32;
	v35 =	vld.idx.msk [tilespmem:v35+s23+$0x0], $0xffff  }
0x1ed: {  	v23 =	vmul.f32 v23, v28;
	v28 =	vmul.f32 v3, v24;
	v32 =	vor.u32 s1, v2;
	v55 =	vld.idx.msk [tilespmem:v11+s28+$0x0], $0xffff  }
0x1ee: {  	v33 =	vor.u32 s1, v4;
	v57 =	vmul.f32 v10, v10;
	v56 =	vmul.f32 v36, v13;
	v6 =	vld.idx.msk [tilespmem:v11+s6+$0x0], $0xffff  }
0x1ef: {  	v14 =	vadd.f32 v14, v29;
	v29 =	vmul.f32 v13, v13;
	v22 =	vmul.f32 v22, v10;
	v3 =	vld.idx.msk [tilespmem:v34+s6+$0x0], $0xffff  }
0x1f0: {  	v24 =	vmul.f32 v24, v24;
	v10 =	vor.u32 s1, v5;
	s1 =	sadd.s32 $0x6, s10;
	v58 =	vmul.f32 v46, v46;
	v43 =	vld.idx.msk [tilespmem:v43+s28+$0x0], $0xffff  }
0x1f1: {  	v17 =	vadd.f32 v17, v21;
	v21 =	vadd.f32 v37, v30;
	v59 =	vor.u32 s1, v2;
	v13 =	vld.idx.msk [tilespmem:v54+s6+$0x0], $0xffff  }
0x1f2: {  	v20 =	vmul.f32 v20, v20;
	v61 =	vor.u32 s1, v4;
	v16 =	vmul.f32 v36, v16;
	v60 =	vld.idx.msk [tilespmem:v32+s23+$0x0], $0xffff  }
0x1f3: {  	v12 =	vadd.f32 v12, v14;
	v18 =	vadd.f32 v18, v27;
	v11 =	vor.u32 s1, v5;
	v30 =	vld.idx.msk [tilespmem:v54+s28+$0x0], $0xffff  }
0x1f4: {  	v14 =	vadd.f32 v23, v25;
	v15 =	vadd.f32 v15, v17;
	v25 =	vmul.f32 v46, v21;
	v34 =	vld.idx.msk [tilespmem:v34+s28+$0x0], $0xffff  }
0x1f5: {  	v12 =	vadd.f32 v26, v12;
	v17 =	vadd.f32 v20, v18;
	v18 =	vmul.f32 v36, v36;
	v48 =	vld.idx.msk [tilespmem:v48+s23+$0x0], $0xffff  }
0x1f6: {  	v19 =	vadd.f32 v19, v14;
	v7 =	vadd.f32 v7, v15;
	v15 =	vmul.f32 v21, v21;
	v20 =	vld.idx.msk [tilespmem:v53+s23+$0x0], $0xffff  }
0x1f7: {  	v21 =	vmul.f32 v46, v37;
	v12 =	vadd.f32 v40, v12;
	v17 =	vadd.f32 v24, v17;
	v23 =	vld.idx.msk [tilespmem:v42+s24+$0x0], $0xffff  }
0x1f8: {  	v19 =	vadd.f32 v31, v19;
	v16 =	vadd.f32 v16, v7;
	v14 =	vmul.f32 v52, v52;
	v24 =	vld.idx.msk [tilespmem:v33+s24+$0x0], $0xffff  }
0x1f9: {  	s1 =	sadd.s32 $0x7, s10;
	v9 =	vadd.f32 v9, v17;
	v17 =	vadd.f32 v18, v12;
	v7 =	vmul.f32 v13, v30;
	v26 =	vld.idx.msk [tilespmem:v44+s24+$0x0], $0xffff  }
0x1fa: {  	v19 =	vadd.f32 v28, v19;
	v16 =	vadd.f32 v21, v16;
	v18 =	vor.u32 s1, v2;
	v36 =	vld.idx.msk [tilespmem:v39+s23+$0x0], $0xffff  }
0x1fb: {  	v12 =	vmul.f32 v6, v6;
	v9 =	vadd.f32 v29, v9;
	v27 =	vadd.f32 v58, v17;
	v37 =	vld.idx.msk [tilespmem:v50+s24+$0x0], $0xffff  }
0x1fc: {  	v8 =	vadd.f32 v8, v19;
	v31 =	vadd.f32 v51, v16;
	v21 =	vmul.f32 v52, v43;
	v28 =	vld.idx.msk [tilespmem:v49+s28+$0x0], $0xffff  }
0x1fd: {  	v19 =	vor.u32 s1, v4;
	v9 =	vadd.f32 v15, v9;
	v16 =	vsub.f32 v38, v23;
	v39 =	vld.idx.msk [tilespmem:v45+s24+$0x0], $0xffff  }
0x1fe: {  	v8 =	vadd.f32 v56, v8;
	v17 =	vmul.f32 v6, v55;
	v29 =	vadd.f32 v47, v27;
	v23 =	vld.idx.msk [tilespmem:v49+s6+$0x0], $0xffff  }
0x1ff: {  	v33 =	vor.u32 s1, v5;
	v20 =	vsub.f32 v20, v41;
	v38 =	vadd.f32 v43, v16;
	v32 =	vld.idx.msk [tilespmem:v18+s23+$0x0], $0xffff  }
0x200: {  	v8 =	vadd.f32 v25, v8;
	v26 =	vsub.f32 v35, v26;
	v16 =	vld.idx.msk [tilespmem:v10+s28+$0x0], $0xffff  }
.Ltmp2:
0x201: {  	v27 =	vadd.f32 v57, v9;
	v15 =	vmul.f32 v3, v34;
	v40 =	vadd.f32 v30, v20;
	v30 =	vld.idx.msk [tilespmem:v59+s23+$0x0], $0xffff;
	(pc) =	sbr.rel @p0 .LBB2_7-.Ltmp2, $4  }
0x202: {  	v25 =	vadd.f32 v22, v8;
	v18 =	vmul.f32 v38, v38;
	v41 =	vsub.f32 v48, v37;
	v35 =	vld.idx.msk [tilespmem:v19+s24+$0x0], $0xffff  }
0x203: {  	v8 =	vmul.f32 v13, v40;
	v19 =	vmul.f32 v52, v38;
	v38 =	vsub.f32 v60, v24  }
0x204: {  	v9 =	vmul.f32 v40, v40;
	v20 =	vadd.f32 v55, v26;
	v37 =	vsub.f32 v36, v39;
	v22 =	vld.idx.msk [tilespmem:v33+s6+$0x0], $0xffff  }
0x205: {  	s2 =	smov.u32 s9;
	v26 =	vmul.f32 v3, v3;
	v24 =	vadd.f32 v34, v41;
	v36 =	vmul.f32 v23, v28;
	v34 =	vld.idx.msk [tilespmem:v61+s24+$0x0], $0xffff  }
0x206: {  	v2 =	vmul.f32 v23, v23;
	_ =	sdelay $0x1  }
0x207: {  	v2 =	vadd.f32 v2, v29;
	_ =	sdelay $0x1  }
0x208: {  	v2 =	vadd.f32 v14, v2  }
0x209: {  	v4 =	vld.idx.msk [tilespmem:v10+s6+$0x0], $0xffff  }
0x20a: {  	v2 =	vadd.f32 v12, v2  }
0x20b: {  	v5 =	vadd.f32 v28, v37;
	v37 =	vld.idx.msk [tilespmem:v11+s6+$0x0], $0xffff  }
0x20c: {  	v39 =	vmul.f32 v13, v13;
	v2 =	vadd.f32 v26, v2  }
0x20d: {  	v42 =	vmul.f32 v23, v5  }
0x20e: {  	v40 =	vadd.f32 v16, v38;
	v44 =	vmul.f32 v4, v4;
	v2 =	vadd.f32 v39, v2  }
0x20f: {  	v6 =	vmul.f32 v6, v20;
	v43 =	vadd.f32 v36, v31;
	v23 =	vadd.f32 v42, v25  }
0x210: {  	v41 =	vsub.f32 v32, v35;
	v47 =	vmul.f32 v37, v37;
	v2 =	vadd.f32 v44, v2  }
0x211: {  	v48 =	vld.idx.msk [tilespmem:v11+s28+$0x0], $0xffff;
	v5 =	vmul.f32 v5, v5;
	v21 =	vadd.f32 v21, v43;
	v19 =	vadd.f32 v19, v23  }
0x212: {  	v49 =	vmul.f32 v22, v22;
	v46 =	vsub.f32 v30, v34;
	v2 =	vadd.f32 v47, v2  }
0x213: {  	v45 =	vld.idx.msk [tilespmem:v33+s28+$0x0], $0xffff;
	v3 =	vmul.f32 v3, v24;
	v17 =	vadd.f32 v17, v21;
	v6 =	vadd.f32 v6, v19  }
0x214: {  	v53 =	vmul.f32 v20, v20;
	v5 =	vadd.f32 v5, v27;
	v2 =	vadd.f32 v49, v2  }
0x215: {  	v50 =	vmul.f32 v4, v40;
	v15 =	vadd.f32 v15, v17;
	v3 =	vadd.f32 v3, v6  }
0x216: {  	v4 =	vmul.f32 v4, v16;
	v51 =	vadd.f32 v48, v46;
	v52 =	vmax.f32 v2, $1.000000020e-24  }
0x217: {  	v7 =	vadd.f32 v7, v15;
	v3 =	vadd.f32 v8, v3;
	(erf) = vrcp.f32 v52  }
0x218: {  	v14 =	vadd.f32 v45, v41;
	v10 =	vmul.f32 v37, v48;
	v5 =	vadd.f32 v18, v5  }
0x219: {  	v54 =	vmul.f32 v37, v51;
	v4 =	vadd.f32 v4, v7;
	v3 =	vadd.f32 v50, v3  }
0x21a: {  	v56 =	vmul.f32 v24, v24;
	v55 =	vmul.f32 v22, v45;
	v5 =	vadd.f32 v53, v5  }
0x21b: {  	v57 =	vmul.f32 v22, v14;
	v4 =	vadd.f32 v10, v4;
	v3 =	vadd.f32 v54, v3  }
0x21c: {  	v5 =	vadd.f32 v56, v5  }
0x21d: {  	v4 =	vadd.f32 v55, v4;
	v3 =	vadd.f32 v57, v3;
	_ =	sdelay $0x1  }
0x21e: {  	v58 =	vmul.f32 v40, v40;
	v5 =	vadd.f32 v9, v5;
	v4 =	vsub.f32 v3, v4  }
0x21f: {  	v59 =	vpop (erf)  }
0x220: {  	v6 =	vmul.f32 v51, v51;
	v5 =	vadd.f32 v58, v5;
	v4 =	vmul.f32 v59, v4;
	_ =	sdelay $0x1  }
0x221: {  	v60 =	vmul.f32 v14, v14;
	v5 =	vadd.f32 v6, v5;
	v61 =	vadd.f32 v4, v4;
	_ =	sdelay $0x1  }
0x222: {  	v5 =	vadd.f32 v60, v5;
	v4 =	vmul.f32 v4, v4;
	v3 =	vmul.f32 v61, v3;
	_ =	sdelay $0x1  }
0x223: {  	v2 =	vmul.f32 v4, v2;
	v3 =	vsub.f32 v5, v3;
	_ =	sdelay $0x1  }
0x224: {  	v2 =	vadd.f32 v3, v2;
	_ =	sdelay $0x1  }
0x225: {  	v2 =	vmax.f32 v2, $1.000000000e-30  }
0x226: {  	v3 =	vshra.s32 v2, $0x1;
	v62 =	vmul.f32 $5.000000000e-01, v2  }
0x227: {  	v3 =	vsub.s32 $0x5F3759DF, v3  }
0x228: {  	v63 =	vmul.f32 v3, v62;
	_ =	sdelay $0x1  }
0x229: {  	v5 =	vmul.f32 v3, v63;
	_ =	sdelay $0x1  }
0x22a: {  	v5 =	vsub.f32 $1.500000000e+00, v5;
	_ =	sdelay $0x1  }
0x22b: {  	v3 =	vmul.f32 v3, v5;
	_ =	sdelay $0x1  }
0x22c: {  	v5 =	vmul.f32 v3, v62;
	_ =	sdelay $0x1  }
0x22d: {  	v5 =	vmul.f32 v5, v3;
	_ =	sdelay $0x1  }
0x22e: {  	v5 =	vsub.f32 $1.500000000e+00, v5;
	_ =	sdelay $0x1  }
0x22f: {  	v3 =	vmul.f32 v5, v3;
	_ =	sdelay $0x1  }
0x230: {  	v4 =	vmul.f32 v3, v62;
	_ =	sdelay $0x1  }
0x231: {  	v4 =	vmul.f32 v4, v3;
	_ =	sdelay $0x1  }
0x232: {  	s8 =	sadd.s32 $0x1, s8;
	v4 =	vsub.f32 $1.500000000e+00, v4  }
0x233: {  	p0 =	sne.s32 s8, $0x10  }
.Ltmp3:
0x234: {  	v3 =	vmul.f32 v4, v3;
	(pc) =	sbr.rel @p0 .LBB2_4-.Ltmp3, $3  }
0x235: {  	_ = 	snop  }
0x236: {  	v2 =	vmul.f32 v3, v2;
	_ =	sdelay $0x1  }
0x237: {  	[tilespmem:s0+$0x12800] =	vst v2  }
0x238: {  	_ =	swait.ge [sflag:s31], $0x4000  }
0x239: {  	[sflag:s31] =	ssyncset.done $0x0  }
0x23a: {  	[sflag:s31] =	ssyncadd.s32 $0xFFFFC000  }
0x23b: {  	_ =	swait.ge [sflag:s31], $0x4000  }
0x23c: {  	[sflag:s31] =	ssyncset.done $0x0  }
0x23d: {  	[sflag:s31] =	ssyncadd.s32 $0xFFFFC000  }
0x23e: {  	_ =	swait.ge [sflag:s31], $0x800  }
0x23f: {  	[sflag:s31] =	ssyncset.done $0x0  }
0x240: {  	[sflag:s31] =	ssyncadd.s32 $0xFFFFF800  }
0x241: {  	_ =	swait.ge [sflag:s31], $0x800  }
0x242: {  	s11 =	simm.s32 $0x0;
	[sflag:s31] =	ssyncset.done $0x0  }
0x243: {  	s1 =	simm.s32 $0x12800;
	s0 =	rddreg [dreg:$0x9];
	[sflag:s31] =	ssyncadd.s32 $0xFFFFF800  }
0x244: {  	[hbm4b:s0+s11] =	stream.linear.scatter [tilespmem:s1], [sflag:$0x3], $0x200, $0x38;
	[tilespmem:$0x12A00] =	vst v63  }
0x245: {  	s1 =	simm.s32 $0x3  }
0x246: {  	_ =	swait.ge [sflag:s1], $0x200  }
0x247: {  	s2 =	rddreg [dreg:$0xb]  }
0x248: {  	s29 =	rddreg [dreg:$0xa];
	s2 =	sadd.s32 $0x1, s2  }
0x249: {  	p0 =	sne.s32 s2, s29  }
.Ltmp4:
0x24a: {  	_ = 	snop;
	(pc) =	sbr.rel @p0 .LBB2_1-.Ltmp4, $3  }
0x24b: {  	_ =	sdelay $0x1  }
0x24c: {  	[sflag:s1] =	ssyncset.done $0x0  }
0x24d: {  	[sflag:s1] =	ssyncadd.s32 $0xFFFFFE00  }
0x24e: {  	_ =	sfence.sel $0x180000  }
0x24f: {  	[bflag:$0x0] =	sbarrier.arrive $0xFFFF  }
0x250: {  	_ =	strace $0x90000047  }
0x251: {  	s0 =	stileid.u32;
	[bflag:$0x2] =	sbarrier.arrive $0xFFFF  }
0x252: {  	p0 =	sne.s32 s0, $0x0;
	s0 =	rddreg [dreg:$0x5]  }
0x253: {  	s0 =	sadd.s32 @!p0 $0x100000, s0  }
0x254: {  	[sflag:s0] =	ssyncadd.tile.s32 @!p0 $0x1;
	_ =	shalt  }
.Lfunc_end2:
_tile_overlayer_lowered:
.L_overlay_start_2:
0x255: {  	(tag) =	ssettag $0x2  }
0x256: {  	s0 =	rddreg [dreg:$0x0];
	s2 =	stileid.u32  }
0x257: {  	s1 =	rddreg [dreg:$0x1];
	p0 =	sne.s32 s2, $0x0  }
0x258: {  	s3 =	rddreg [dreg:$0x2];
	[bflag:$0x3] =	sbarrier.arrive $0xFFFF;
	s2 =	simm.s32 @!p0 $0x1C03  }
0x259: {  	[timem:s3], [sflag:s2] =	dma.local @!p0 [hbm:s0], s1  }
0x25a: {  	s0 =	simm.s32 @!p0 $0x3  }
0x25b: {  	_ =	swait.ge @!p0 [sflag:s0], s1  }
0x25c: {  	s1 =	ssub.s32 @!p0 $0x0, s1;
	[sflag:s0] =	ssyncset.done @!p0 $0x0  }
0x25d: {  	[sflag:s0] =	ssyncadd.s32 @!p0 s1  }
0x25e: {  	[bflag:$0x3] =	sbarrier.arrive $0xFFFF  }
0x25f: {  	_ =	shalt  }

</sc_bundles>
